<compile_context>
chip_gen: v7x
topology: tpu7x:2x2x1
jax: 0.10.2.dev20260603
libtpu: 0.0.44.dev20260713+nightly
codegen_flags: <defaults>
</compile_context>

<pallas_src>
import functools

import jax
import jax.numpy as jnp
from jax import lax
from jax.experimental import pallas as pl
from jax.experimental.pallas import tpu as pltpu
from jax.experimental.pallas import tpu_sc as plsc

ALPHA = 0.1
GW = 128
BN = 512

_HIMASK = -65536


def _pack_bf16_pair(r, d):
    h = d // 2
    lo = lax.bitcast_convert_type(r[:, :h], jnp.int32)
    hi = lax.bitcast_convert_type(r[:, h:], jnp.int32)
    lo = lax.shift_right_logical(lo + 0x8000, 16)
    hi = (hi + 0x8000) & _HIMASK
    return lo | hi


def _unpack_bf16_pair(w):
    hi = lax.bitcast_convert_type(w, jnp.float32)
    lo = lax.bitcast_convert_type(lax.shift_left(w, 16), jnp.float32)
    return lo, hi


def _sc_gather(table, idx_flat, total, h):
    mesh = plsc.VectorSubcoreMesh(core_axis_name="c", subcore_axis_name="s")
    nbuf = 4
    nfly = 3
    chunk = total // 32
    nw = chunk // GW
    assert chunk % GW == 0 and nw % nbuf == 0

    @functools.partial(
        pl.kernel,
        out_type=jax.ShapeDtypeStruct((total, h), table.dtype),
        mesh=mesh,
        scratch_types=[
            pltpu.VMEM((chunk,), jnp.int32),
            pltpu.VMEM((nbuf, GW, h), jnp.int32),
            pltpu.SemaphoreType.DMA((nbuf,)),
            pltpu.SemaphoreType.DMA((nbuf,)),
        ],
    )
    def k(table_hbm, idx_hbm, out_hbm, idx_v, bufs, sem_g, sem_w):
        wid = lax.axis_index("s") * 2 + lax.axis_index("c")
        base = wid * chunk
        pltpu.sync_copy(idx_hbm.at[0, pl.ds(base, chunk)], idx_v)

        def gather(g, b):
            return pltpu.make_async_copy(
                table_hbm.at[idx_v.at[pl.ds(g * GW, GW)]],
                bufs.at[b], sem_g.at[b])

        def writeback(g, b):
            return pltpu.make_async_copy(
                bufs.at[b], out_hbm.at[pl.ds(base + g * GW, GW)], sem_w.at[b])

        for b in range(nfly):
            gather(b, b).start()

        @pl.loop(0, nw, step=nbuf)
        def _(g0):
            for b in range(nbuf):
                g = g0 + b
                gather(g, b).wait()
                writeback(g, b).start()
                b2 = (b + nfly) % nbuf

                @pl.when(g + nfly < nw)
                def _():
                    @pl.when(g >= nbuf - nfly)
                    def _():
                        writeback(g - (nbuf - nfly), b2).wait()

                    gather(g + nfly, b2).start()

        for b in range(nbuf):
            writeback(nw - nbuf + b, b).wait()

    return k(table, idx_flat)


def _tc_in(x, w_t, b, npad, d):
    n = x.shape[0]
    grid = (npad // BN,)

    def body(x_ref, w_ref, b_ref, o_ref, ot_ref):
        i = pl.program_id(0)
        acc = jnp.dot(x_ref[...], w_ref[...],
                      preferred_element_type=jnp.float32,
                      precision=lax.Precision.HIGHEST)
        r = jnp.maximum(acc + b_ref[...], 0.0)
        row = i * BN + lax.broadcasted_iota(jnp.int32, r.shape, 0)
        r = jnp.where(row < n, r, 0.0)
        o_ref[...] = r
        ot_ref[...] = _pack_bf16_pair(r, d)

    xp = jnp.pad(x, ((0, npad - n), (0, 0)))
    return pl.pallas_call(
        body,
        grid=grid,
        in_specs=[
            pl.BlockSpec((BN, x.shape[1]), lambda i: (i, 0)),
            pl.BlockSpec((x.shape[1], d), lambda i: (0, 0)),
            pl.BlockSpec((1, d), lambda i: (0, 0)),
        ],
        out_specs=[
            pl.BlockSpec((BN, d), lambda i: (i, 0)),
            pl.BlockSpec((BN, d // 2), lambda i: (i, 0)),
        ],
        out_shape=[
            jax.ShapeDtypeStruct((npad, d), jnp.float32),
            jax.ShapeDtypeStruct((npad, d // 2), jnp.int32),
        ],
    )(xp, w_t, b.reshape(1, d))


def _tc_layer(g, in_feats, pw, fc_t, nrows, d, k16, npl, row0):
    grid = (nrows // BN,)
    h = d // 2
    blk0 = row0 // BN

    def body(g_ref, f_ref, pw_ref, fc_ref, o_ref):
        lo, hi = _unpack_bf16_pair(g_ref[...])
        np_ = k16 // npl
        lo4 = lo.reshape(np_, npl, BN, h).sum(axis=0)
        hi4 = hi.reshape(np_, npl, BN, h).sum(axis=0)
        pwv = pw_ref[...]
        acc_lo = jnp.sum(lo4 * pwv[:, None, :h], axis=0)
        acc_hi = jnp.sum(hi4 * pwv[:, None, h:], axis=0)
        r = (jnp.dot(acc_lo, fc_ref[:h, :], preferred_element_type=jnp.float32)
             + jnp.dot(acc_hi, fc_ref[h:, :], preferred_element_type=jnp.float32))
        r = jnp.maximum(r, 0.0)
        feats = ALPHA * f_ref[...] + (1.0 - ALPHA) * r
        o_ref[...] = _pack_bf16_pair(feats, d)

    return pl.pallas_call(
        body,
        grid=grid,
        in_specs=[
            pl.BlockSpec((k16, BN, h), lambda i: (0, i, 0)),
            pl.BlockSpec((BN, d), lambda i: (i + blk0, 0)),
            pl.BlockSpec((npl, d), lambda i: (0, 0)),
            pl.BlockSpec((d, d), lambda i: (0, 0)),
        ],
        out_specs=pl.BlockSpec((BN, h), lambda i: (i, 0)),
        out_shape=jax.ShapeDtypeStruct((nrows, h), jnp.int32),
    )(g, in_feats, pw, fc_t)


def _tc_layer_out(g, in_feats, pw, fc_t, w_t, b, nrows, d, k16, npl, d_out):
    grid = (nrows // BN,)
    h = d // 2

    def body(g_ref, f_ref, pw_ref, fc_ref, w_ref, b_ref, o_ref):
        lo, hi = _unpack_bf16_pair(g_ref[...])
        np_ = k16 // npl
        lo4 = lo.reshape(np_, npl, BN, h).sum(axis=0)
        hi4 = hi.reshape(np_, npl, BN, h).sum(axis=0)
        pwv = pw_ref[...]
        acc_lo = jnp.sum(lo4 * pwv[:, None, :h], axis=0)
        acc_hi = jnp.sum(hi4 * pwv[:, None, h:], axis=0)
        r = (jnp.dot(acc_lo, fc_ref[:h, :], preferred_element_type=jnp.float32)
             + jnp.dot(acc_hi, fc_ref[h:, :], preferred_element_type=jnp.float32))
        r = jnp.maximum(r, 0.0)
        feats = ALPHA * f_ref[...] + (1.0 - ALPHA) * r
        acc = jnp.dot(feats, w_ref[...], preferred_element_type=jnp.float32)
        o_ref[...] = acc + b_ref[...]

    return pl.pallas_call(
        body,
        grid=grid,
        in_specs=[
            pl.BlockSpec((k16, BN, h), lambda i: (0, i, 0)),
            pl.BlockSpec((BN, d), lambda i: (i, 0)),
            pl.BlockSpec((npl, d), lambda i: (0, 0)),
            pl.BlockSpec((d, d), lambda i: (0, 0)),
            pl.BlockSpec((d, d_out), lambda i: (0, 0)),
            pl.BlockSpec((1, d_out), lambda i: (0, 0)),
        ],
        out_specs=pl.BlockSpec((BN, d_out), lambda i: (i, 0)),
        out_shape=jax.ShapeDtypeStruct((nrows, d_out), jnp.float32),
    )(g, in_feats, pw, fc_t, w_t, b.reshape(1, d_out))


def kernel(input_x, paths, W_in, b_in, W_out, b_out, path_weight, fc_w):
    n, in_dim = input_x.shape
    p, _, pl_len = paths.shape
    hidden = W_in.shape[0]
    out_dim = W_out.shape[0]
    num_layers = fc_w.shape[0]
    k16 = p * pl_len

    npad = ((n + 1023) // 1024) * 1024
    assert npad % BN == 0
    total = k16 * npad
    assert total % (GW * 32) == 0

    idx = paths.transpose(0, 2, 1).reshape(k16, n)
    idx = jnp.pad(idx, ((0, 0), (0, npad - n)))
    idx_flat = idx.reshape(1, total)

    pw_all = path_weight[:, 0, :, :] / p

    in_feats, table = _tc_in(input_x, W_in.T, b_in, npad, hidden)
    for l in range(num_layers):
        g = _sc_gather(table, idx_flat, total, hidden // 2)
        g = g.reshape(k16, npad, hidden // 2)
        if l < num_layers - 1:
            table = _tc_layer(g, in_feats, pw_all[l], fc_w[l].T, npad,
                              hidden, k16, pl_len, 0)
        else:
            out = _tc_layer_out(g, in_feats, pw_all[l], fc_w[l].T, W_out.T,
                                b_out, npad, hidden, k16, pl_len, out_dim)
    return out[:n]

# --- scband reference (transcript-rebuilt; emitter-appended) ---
"""Pipeline reference for scband-path-gcn-61306363183202 (READ-ONLY COPY).

The authoritative reference and input builder live on the scoring server;
editing this copy changes nothing except your own understanding.
"""

import jax, jax.numpy as jnp
import numpy as np

N, IN_DIM, HIDDEN, OUT_DIM = 50000, 256, 256, 128
L, P, PL = 3, 4, 4
ALPHA = 0.1


def setup_inputs(seed: int = 0):
    key = jax.random.key(seed)
    ks = jax.random.split(key, 8)
    input_x = jax.random.normal(ks[0], (N, IN_DIM), dtype=jnp.float32)
    paths = jax.random.randint(ks[1], (P, N, PL), 0, N, dtype=jnp.int32)
    W_in = jax.random.normal(ks[2], (HIDDEN, IN_DIM), dtype=jnp.float32) * 0.05
    b_in = jnp.zeros((HIDDEN,), jnp.float32)
    W_out = jax.random.normal(ks[3], (OUT_DIM, HIDDEN), dtype=jnp.float32) * 0.05
    b_out = jnp.zeros((OUT_DIM,), jnp.float32)
    path_weight = jax.random.normal(ks[4], (L, 1, PL, HIDDEN), dtype=jnp.float32) * 0.1
    fc_w = jax.random.normal(ks[5], (L, HIDDEN, HIDDEN), dtype=jnp.float32) * 0.05
    return {"input_x": input_x, "paths": paths, "W_in": W_in, "b_in": b_in,
            "W_out": W_out, "b_out": b_out, "path_weight": path_weight, "fc_w": fc_w}


def reference(input_x, paths, W_in, b_in, W_out, b_out, path_weight, fc_w):
    # PathGCN forward, eval mode (dropout disabled)
    in_feats = jax.nn.relu(input_x @ W_in.T + b_in)
    feats = in_feats
    num_layers = fc_w.shape[0]
    num_paths = paths.shape[0]
    for l in range(num_layers):
        acc = jnp.zeros_like(feats)
        for p in range(num_paths):
            path_feats = jnp.take(feats, paths[p], axis=0)  # (N, PL, HIDDEN) gather
            acc = acc + (path_feats * path_weight[l]).sum(axis=1)
        results = acc / num_paths
        results = jax.nn.relu(results @ fc_w[l].T)
        feats = ALPHA * in_feats + (1.0 - ALPHA) * results
    out = feats @ W_out.T + b_out
    return out

if __name__ == "__main__":
    import jax
    _d = setup_inputs()
    print(jax.jit(kernel)(*tuple(_d.values())))

</pallas_src>

<mosaic_0001>
#map = affine_map<(d0, d1) -> (0, 0)>
module attributes {stable_mosaic.version = 14 : i64} {
  func.func @k(%arg0: i32, %arg1: i32, %arg2: memref<50176x128xi32, #tpu.memory_space<hbm>>, %arg3: memref<1x802816xi32, #tpu.memory_space<hbm>>, %arg4: memref<802816x128xi32, #tpu.memory_space<hbm>>, %arg5: memref<25088xi32, #tpu.memory_space<vmem>>, %arg6: memref<4x128x128xi32, #tpu.memory_space<vmem>>, %arg7: memref<4x!tpu.dma_semaphore, #tpu.memory_space<semaphore_mem>>, %arg8: memref<4x!tpu.dma_semaphore, #tpu.memory_space<semaphore_mem>>) attributes {dimension_semantics = [#tpu.dimension_semantics<core_parallel>, #tpu.dimension_semantics<subcore_parallel>], iteration_bounds = array<i64: 2, 16>, scalar_prefetch = 0 : i64, scratch_operands = 4 : i64, tpu.core_type = #tpu.core_type<sc_vector_subcore>, window_params = [{transform_indices = #map}, {transform_indices = #map}, {transform_indices = #map}]} {
    %mul3A = arith.constant 2 : i32
    %mul3A_0 = arith.muli %arg1, %mul3A : i32
    %add3A = arith.addi %mul3A_0, %arg0 : i32
    %mul3A_1 = arith.constant 25088 : i32
    %mul3A_2 = arith.muli %add3A, %mul3A_1 : i32
    %run_scoped3A = arith.constant 0 : i32
    "tpu.region"() ({
      %run_scoped3A_116 = tpu.sem_alloc : memref<!tpu.dma_semaphore, #tpu.memory_space<semaphore_mem>>
      %dma_start3A_117 = tpu.memref_slice %arg3[%run_scoped3A, %mul3A_2] : memref<1x802816xi32, #tpu.memory_space<hbm>> -> memref<1x25088xi32, #tpu.memory_space<hbm>>
      %dma_start3A_118 = tpu.memref_squeeze %dma_start3A_117 : memref<1x25088xi32, #tpu.memory_space<hbm>> -> memref<25088xi32, #tpu.memory_space<hbm>>
      %dma_start3A_119 = tpu.memref_slice %arg3[%run_scoped3A, %mul3A_2] : memref<1x802816xi32, #tpu.memory_space<hbm>> -> memref<1x25088xi32, #tpu.memory_space<hbm>>
      %dma_start3A_120 = tpu.memref_squeeze %dma_start3A_119 : memref<1x25088xi32, #tpu.memory_space<hbm>> -> memref<25088xi32, #tpu.memory_space<hbm>>
      tpu.enqueue_dma source(%dma_start3A_120 : memref<25088xi32, #tpu.memory_space<hbm>>) target(%arg5 : memref<25088xi32, #tpu.memory_space<vmem>>) target_semaphore(%run_scoped3A_116 : memref<!tpu.dma_semaphore, #tpu.memory_space<semaphore_mem>>)
      %dma_wait3A_121 = tpu.memref_slice %arg3[%run_scoped3A, %mul3A_2] : memref<1x802816xi32, #tpu.memory_space<hbm>> -> memref<1x25088xi32, #tpu.memory_space<hbm>>
      %dma_wait3A_122 = tpu.memref_squeeze %dma_wait3A_121 : memref<1x25088xi32, #tpu.memory_space<hbm>> -> memref<25088xi32, #tpu.memory_space<hbm>>
      %dma_wait3A_123 = tpu.memref_slice %arg3[%run_scoped3A, %mul3A_2] : memref<1x802816xi32, #tpu.memory_space<hbm>> -> memref<1x25088xi32, #tpu.memory_space<hbm>>
      %dma_wait3A_124 = tpu.memref_squeeze %dma_wait3A_123 : memref<1x25088xi32, #tpu.memory_space<hbm>> -> memref<25088xi32, #tpu.memory_space<hbm>>
      tpu.wait_dma2 semaphore(%run_scoped3A_116 : memref<!tpu.dma_semaphore, #tpu.memory_space<semaphore_mem>>) src(%dma_wait3A_124 : memref<25088xi32, #tpu.memory_space<hbm>>) dst(%arg5 : memref<25088xi32, #tpu.memory_space<vmem>>)
      tpu.yield
    }) : () -> ()
    %dma_start3A = arith.constant 0 : i32
    %dma_start3A_3 = arith.constant 0 : i32
    %dma_start3A_4 = arith.constant 0 : i32
    %dma_start3A_5 = arith.constant 0 : i32
    %dma_start3A_6 = tpu.memref_slice %arg6[%dma_start3A, %dma_start3A_4, %dma_start3A_5] : memref<4x128x128xi32, #tpu.memory_space<vmem>> -> memref<1x128x128xi32, #tpu.memory_space<vmem>>
    %dma_start3A_7 = tpu.memref_squeeze %dma_start3A_6 : memref<1x128x128xi32, #tpu.memory_space<vmem>> -> memref<128x128xi32, #tpu.memory_space<vmem>>
    %dma_start3A_8 = arith.constant 0 : i32
    %dma_start3A_9 = tpu.memref_slice %arg5[%dma_start3A_8] : memref<25088xi32, #tpu.memory_space<vmem>> -> memref<128xi32, #tpu.memory_space<vmem>>
    %dma_start3A_10 = arith.constant 0 : i32
    %dma_start3A_11 = arith.constant 0 : i32
    %dma_start3A_12 = tpu.memref_slice %arg2[%dma_start3A_10, %dma_start3A_11] : memref<50176x128xi32, #tpu.memory_space<hbm>> -> memref<50176x128xi32, #tpu.memory_space<hbm>>
    %dma_start3A_13 = tpu.memref_slice %arg7[%dma_start3A_3] : memref<4x!tpu.dma_semaphore, #tpu.memory_space<semaphore_mem>> -> memref<1x!tpu.dma_semaphore, #tpu.memory_space<semaphore_mem>>
    %dma_start3A_14 = tpu.memref_squeeze %dma_start3A_13 : memref<1x!tpu.dma_semaphore, #tpu.memory_space<semaphore_mem>> -> memref<!tpu.dma_semaphore, #tpu.memory_space<semaphore_mem>>
    tpu.enqueue_indirect_dma source(%dma_start3A_12 : memref<50176x128xi32, #tpu.memory_space<hbm>>) target(%dma_start3A_7 : memref<128x128xi32, #tpu.memory_space<vmem>>) offsets(%dma_start3A_9 : memref<128xi32, #tpu.memory_space<vmem>>) semaphore(%dma_start3A_14 : memref<!tpu.dma_semaphore, #tpu.memory_space<semaphore_mem>>)
    %dma_start3A_15 = arith.constant 1 : i32
    %dma_start3A_16 = arith.constant 1 : i32
    %dma_start3A_17 = arith.constant 0 : i32
    %dma_start3A_18 = arith.constant 0 : i32
    %dma_start3A_19 = tpu.memref_slice %arg6[%dma_start3A_15, %dma_start3A_17, %dma_start3A_18] : memref<4x128x128xi32, #tpu.memory_space<vmem>> -> memref<1x128x128xi32, #tpu.memory_space<vmem>>
    %dma_start3A_20 = tpu.memref_squeeze %dma_start3A_19 : memref<1x128x128xi32, #tpu.memory_space<vmem>> -> memref<128x128xi32, #tpu.memory_space<vmem>>
    %dma_start3A_21 = arith.constant 128 : i32
    %dma_start3A_22 = tpu.memref_slice %arg5[%dma_start3A_21] : memref<25088xi32, #tpu.memory_space<vmem>> -> memref<128xi32, #tpu.memory_space<vmem>>
    %dma_start3A_23 = arith.constant 0 : i32
    %dma_start3A_24 = arith.constant 0 : i32
    %dma_start3A_25 = tpu.memref_slice %arg2[%dma_start3A_23, %dma_start3A_24] : memref<50176x128xi32, #tpu.memory_space<hbm>> -> memref<50176x128xi32, #tpu.memory_space<hbm>>
    %dma_start3A_26 = tpu.memref_slice %arg7[%dma_start3A_16] : memref<4x!tpu.dma_semaphore, #tpu.memory_space<semaphore_mem>> -> memref<1x!tpu.dma_semaphore, #tpu.memory_space<semaphore_mem>>
    %dma_start3A_27 = tpu.memref_squeeze %dma_start3A_26 : memref<1x!tpu.dma_semaphore, #tpu.memory_space<semaphore_mem>> -> memref<!tpu.dma_semaphore, #tpu.memory_space<semaphore_mem>>
    tpu.enqueue_indirect_dma source(%dma_start3A_25 : memref<50176x128xi32, #tpu.memory_space<hbm>>) target(%dma_start3A_20 : memref<128x128xi32, #tpu.memory_space<vmem>>) offsets(%dma_start3A_22 : memref<128xi32, #tpu.memory_space<vmem>>) semaphore(%dma_start3A_27 : memref<!tpu.dma_semaphore, #tpu.memory_space<semaphore_mem>>)
    %dma_start3A_28 = arith.constant 2 : i32
    %dma_start3A_29 = arith.constant 2 : i32
    %dma_start3A_30 = arith.constant 0 : i32
    %dma_start3A_31 = arith.constant 0 : i32
    %dma_start3A_32 = tpu.memref_slice %arg6[%dma_start3A_28, %dma_start3A_30, %dma_start3A_31] : memref<4x128x128xi32, #tpu.memory_space<vmem>> -> memref<1x128x128xi32, #tpu.memory_space<vmem>>
    %dma_start3A_33 = tpu.memref_squeeze %dma_start3A_32 : memref<1x128x128xi32, #tpu.memory_space<vmem>> -> memref<128x128xi32, #tpu.memory_space<vmem>>
    %dma_start3A_34 = arith.constant 256 : i32
    %dma_start3A_35 = tpu.memref_slice %arg5[%dma_start3A_34] : memref<25088xi32, #tpu.memory_space<vmem>> -> memref<128xi32, #tpu.memory_space<vmem>>
    %dma_start3A_36 = arith.constant 0 : i32
    %dma_start3A_37 = arith.constant 0 : i32
    %dma_start3A_38 = tpu.memref_slice %arg2[%dma_start3A_36, %dma_start3A_37] : memref<50176x128xi32, #tpu.memory_space<hbm>> -> memref<50176x128xi32, #tpu.memory_space<hbm>>
    %dma_start3A_39 = tpu.memref_slice %arg7[%dma_start3A_29] : memref<4x!tpu.dma_semaphore, #tpu.memory_space<semaphore_mem>> -> memref<1x!tpu.dma_semaphore, #tpu.memory_space<semaphore_mem>>
    %dma_start3A_40 = tpu.memref_squeeze %dma_start3A_39 : memref<1x!tpu.dma_semaphore, #tpu.memory_space<semaphore_mem>> -> memref<!tpu.dma_semaphore, #tpu.memory_space<semaphore_mem>>
    tpu.enqueue_indirect_dma source(%dma_start3A_38 : memref<50176x128xi32, #tpu.memory_space<hbm>>) target(%dma_start3A_33 : memref<128x128xi32, #tpu.memory_space<vmem>>) offsets(%dma_start3A_35 : memref<128xi32, #tpu.memory_space<vmem>>) semaphore(%dma_start3A_40 : memref<!tpu.dma_semaphore, #tpu.memory_space<semaphore_mem>>)
    %scan3A = arith.constant 0 : i32
    %scan3A_41 = arith.constant 49 : i32
    %scan3A_42 = arith.addi %scan3A, %scan3A_41 : i32
    %scan3A_43 = arith.constant 1 : i32
    scf.for %scan3A_116 = %scan3A to %scan3A_42 step %scan3A_43  : i32 {
      %mul3A_117 = arith.constant 4 : i32
      %mul3A_118 = arith.muli %scan3A_116, %mul3A_117 : i32
      %add3A_119 = arith.constant 0 : i32
      %add3A_120 = arith.addi %add3A_119, %mul3A_118 : i32
      %add3A_121 = arith.constant 0 : i32
      %add3A_122 = arith.addi %add3A_120, %add3A_121 : i32
      %mul3A_123 = arith.constant 128 : i32
      %mul3A_124 = arith.muli %add3A_122, %mul3A_123 : i32
      %dma_wait3A_125 = arith.constant 0 : i32
      %dma_wait3A_126 = arith.constant 0 : i32
      %dma_wait3A_127 = arith.constant 0 : i32
      %dma_wait3A_128 = arith.constant 0 : i32
      %dma_wait3A_129 = tpu.memref_slice %arg6[%dma_wait3A_125, %dma_wait3A_127, %dma_wait3A_128] : memref<4x128x128xi32, #tpu.memory_space<vmem>> -> memref<1x128x128xi32, #tpu.memory_space<vmem>>
      %dma_wait3A_130 = tpu.memref_squeeze %dma_wait3A_129 : memref<1x128x128xi32, #tpu.memory_space<vmem>> -> memref<128x128xi32, #tpu.memory_space<vmem>>
      %dma_wait3A_131 = tpu.memref_slice %arg5[%mul3A_124] : memref<25088xi32, #tpu.memory_space<vmem>> -> memref<128xi32, #tpu.memory_space<vmem>>
      %dma_wait3A_132 = arith.constant 0 : i32
      %dma_wait3A_133 = arith.constant 0 : i32
      %dma_wait3A_134 = tpu.memref_slice %arg2[%dma_wait3A_132, %dma_wait3A_133] : memref<50176x128xi32, #tpu.memory_space<hbm>> -> memref<50176x128xi32, #tpu.memory_space<hbm>>
      %dma_wait3A_135 = tpu.memref_slice %arg7[%dma_wait3A_126] : memref<4x!tpu.dma_semaphore, #tpu.memory_space<semaphore_mem>> -> memref<1x!tpu.dma_semaphore, #tpu.memory_space<semaphore_mem>>
      %dma_wait3A_136 = tpu.memref_squeeze %dma_wait3A_135 : memref<1x!tpu.dma_semaphore, #tpu.memory_space<semaphore_mem>> -> memref<!tpu.dma_semaphore, #tpu.memory_space<semaphore_mem>>
      tpu.wait_indirect_dma semaphore(%dma_wait3A_136 : memref<!tpu.dma_semaphore, #tpu.memory_space<semaphore_mem>>) src(%dma_wait3A_134 : memref<50176x128xi32, #tpu.memory_space<hbm>>) dst(%dma_wait3A_130 : memref<128x128xi32, #tpu.memory_space<vmem>>)
      %mul3A_137 = arith.constant 128 : i32
      %mul3A_138 = arith.muli %add3A_122, %mul3A_137 : i32
      %add3A_139 = arith.addi %mul3A_2, %mul3A_138 : i32
      %dma_start3A_140 = arith.constant 0 : i32
      %dma_start3A_141 = arith.constant 0 : i32
      %dma_start3A_142 = arith.constant 0 : i32
      %dma_start3A_143 = arith.constant 0 : i32
      %dma_start3A_144 = tpu.memref_slice %arg6[%dma_start3A_140, %dma_start3A_142, %dma_start3A_143] : memref<4x128x128xi32, #tpu.memory_space<vmem>> -> memref<1x128x128xi32, #tpu.memory_space<vmem>>
      %dma_start3A_145 = tpu.memref_squeeze %dma_start3A_144 : memref<1x128x128xi32, #tpu.memory_space<vmem>> -> memref<128x128xi32, #tpu.memory_space<vmem>>
      %dma_start3A_146 = arith.constant 0 : i32
      %dma_start3A_147 = tpu.memref_slice %arg4[%add3A_139, %dma_start3A_146] : memref<802816x128xi32, #tpu.memory_space<hbm>> -> memref<128x128xi32, #tpu.memory_space<hbm>>
      %dma_start3A_148 = tpu.memref_slice %arg8[%dma_start3A_141] : memref<4x!tpu.dma_semaphore, #tpu.memory_space<semaphore_mem>> -> memref<1x!tpu.dma_semaphore, #tpu.memory_space<semaphore_mem>>
      %dma_start3A_149 = tpu.memref_squeeze %dma_start3A_148 : memref<1x!tpu.dma_semaphore, #tpu.memory_space<semaphore_mem>> -> memref<!tpu.dma_semaphore, #tpu.memory_space<semaphore_mem>>
      %dma_start3A_150 = arith.constant 0 : i32
      %dma_start3A_151 = tpu.memref_slice %arg4[%add3A_139, %dma_start3A_150] : memref<802816x128xi32, #tpu.memory_space<hbm>> -> memref<128x128xi32, #tpu.memory_space<hbm>>
      %dma_start3A_152 = arith.constant 0 : i32
      %dma_start3A_153 = arith.constant 0 : i32
      %dma_start3A_154 = tpu.memref_slice %arg6[%dma_start3A_140, %dma_start3A_152, %dma_start3A_153] : memref<4x128x128xi32, #tpu.memory_space<vmem>> -> memref<1x128x128xi32, #tpu.memory_space<vmem>>
      %dma_start3A_155 = tpu.memref_squeeze %dma_start3A_154 : memref<1x128x128xi32, #tpu.memory_space<vmem>> -> memref<128x128xi32, #tpu.memory_space<vmem>>
      tpu.enqueue_dma source(%dma_start3A_155 : memref<128x128xi32, #tpu.memory_space<vmem>>) target(%dma_start3A_151 : memref<128x128xi32, #tpu.memory_space<hbm>>) target_semaphore(%dma_start3A_149 : memref<!tpu.dma_semaphore, #tpu.memory_space<semaphore_mem>>)
      %add3A_156 = arith.constant 3 : i32
      %add3A_157 = arith.addi %add3A_122, %add3A_156 : i32
      %lt3A = arith.constant 196 : i32
      %lt3A_158 = arith.cmpi slt, %add3A_157, %lt3A : i32
      %convert_element_type3A = arith.extui %lt3A_158 : i1 to i32
      %cond3A = arith.constant 0 : i32
      %cond3A_159 = arith.cmpi ne, %convert_element_type3A, %cond3A : i32
      scf.if %cond3A_159 {
        %ge3A = arith.constant 1 : i32
        %ge3A_286 = arith.cmpi sge, %add3A_122, %ge3A : i32
        %convert_element_type3A_287 = arith.extui %ge3A_286 : i1 to i32
        %cond3A_288 = arith.constant 0 : i32
        %cond3A_289 = arith.cmpi ne, %convert_element_type3A_287, %cond3A_288 : i32
        scf.if %cond3A_289 {
          %sub3A = arith.constant 1 : i32
          %sub3A_306 = arith.subi %add3A_122, %sub3A : i32
          %mul3A_307 = arith.constant 128 : i32
          %mul3A_308 = arith.muli %sub3A_306, %mul3A_307 : i32
          %add3A_309 = arith.addi %mul3A_2, %mul3A_308 : i32
          %dma_wait3A_310 = arith.constant 3 : i32
          %dma_wait3A_311 = arith.constant 3 : i32
          %dma_wait3A_312 = arith.constant 0 : i32
          %dma_wait3A_313 = arith.constant 0 : i32
          %dma_wait3A_314 = tpu.memref_slice %arg6[%dma_wait3A_310, %dma_wait3A_312, %dma_wait3A_313] : memref<4x128x128xi32, #tpu.memory_space<vmem>> -> memref<1x128x128xi32, #tpu.memory_space<vmem>>
          %dma_wait3A_315 = tpu.memref_squeeze %dma_wait3A_314 : memref<1x128x128xi32, #tpu.memory_space<vmem>> -> memref<128x128xi32, #tpu.memory_space<vmem>>
          %dma_wait3A_316 = arith.constant 0 : i32
          %dma_wait3A_317 = tpu.memref_slice %arg4[%add3A_309, %dma_wait3A_316] : memref<802816x128xi32, #tpu.memory_space<hbm>> -> memref<128x128xi32, #tpu.memory_space<hbm>>
          %dma_wait3A_318 = tpu.memref_slice %arg8[%dma_wait3A_311] : memref<4x!tpu.dma_semaphore, #tpu.memory_space<semaphore_mem>> -> memref<1x!tpu.dma_semaphore, #tpu.memory_space<semaphore_mem>>
          %dma_wait3A_319 = tpu.memref_squeeze %dma_wait3A_318 : memref<1x!tpu.dma_semaphore, #tpu.memory_space<semaphore_mem>> -> memref<!tpu.dma_semaphore, #tpu.memory_space<semaphore_mem>>
          %dma_wait3A_320 = arith.constant 0 : i32
          %dma_wait3A_321 = tpu.memref_slice %arg4[%add3A_309, %dma_wait3A_320] : memref<802816x128xi32, #tpu.memory_space<hbm>> -> memref<128x128xi32, #tpu.memory_space<hbm>>
          %dma_wait3A_322 = arith.constant 0 : i32
          %dma_wait3A_323 = arith.constant 0 : i32
          %dma_wait3A_324 = tpu.memref_slice %arg6[%dma_wait3A_310, %dma_wait3A_322, %dma_wait3A_323] : memref<4x128x128xi32, #tpu.memory_space<vmem>> -> memref<1x128x128xi32, #tpu.memory_space<vmem>>
          %dma_wait3A_325 = tpu.memref_squeeze %dma_wait3A_324 : memref<1x128x128xi32, #tpu.memory_space<vmem>> -> memref<128x128xi32, #tpu.memory_space<vmem>>
          tpu.wait_dma2 semaphore(%dma_wait3A_319 : memref<!tpu.dma_semaphore, #tpu.memory_space<semaphore_mem>>) src(%dma_wait3A_325 : memref<128x128xi32, #tpu.memory_space<vmem>>) dst(%dma_wait3A_321 : memref<128x128xi32, #tpu.memory_space<hbm>>)
        } else {
        }
        %add3A_290 = arith.constant 3 : i32
        %add3A_291 = arith.addi %add3A_122, %add3A_290 : i32
        %mul3A_292 = arith.constant 128 : i32
        %mul3A_293 = arith.muli %add3A_291, %mul3A_292 : i32
        %dma_start3A_294 = arith.constant 3 : i32
        %dma_start3A_295 = arith.constant 3 : i32
        %dma_start3A_296 = arith.constant 0 : i32
        %dma_start3A_297 = arith.constant 0 : i32
        %dma_start3A_298 = tpu.memref_slice %arg6[%dma_start3A_294, %dma_start3A_296, %dma_start3A_297] : memref<4x128x128xi32, #tpu.memory_space<vmem>> -> memref<1x128x128xi32, #tpu.memory_space<vmem>>
        %dma_start3A_299 = tpu.memref_squeeze %dma_start3A_298 : memref<1x128x128xi32, #tpu.memory_space<vmem>> -> memref<128x128xi32, #tpu.memory_space<vmem>>
        %dma_start3A_300 = tpu.memref_slice %arg5[%mul3A_293] : memref<25088xi32, #tpu.memory_space<vmem>> -> memref<128xi32, #tpu.memory_space<vmem>>
        %dma_start3A_301 = arith.constant 0 : i32
        %dma_start3A_302 = arith.constant 0 : i32
        %dma_start3A_303 = tpu.memref_slice %arg2[%dma_start3A_301, %dma_start3A_302] : memref<50176x128xi32, #tpu.memory_space<hbm>> -> memref<50176x128xi32, #tpu.memory_space<hbm>>
        %dma_start3A_304 = tpu.memref_slice %arg7[%dma_start3A_295] : memref<4x!tpu.dma_semaphore, #tpu.memory_space<semaphore_mem>> -> memref<1x!tpu.dma_semaphore, #tpu.memory_space<semaphore_mem>>
        %dma_start3A_305 = tpu.memref_squeeze %dma_start3A_304 : memref<1x!tpu.dma_semaphore, #tpu.memory_space<semaphore_mem>> -> memref<!tpu.dma_semaphore, #tpu.memory_space<semaphore_mem>>
        tpu.enqueue_indirect_dma source(%dma_start3A_303 : memref<50176x128xi32, #tpu.memory_space<hbm>>) target(%dma_start3A_299 : memref<128x128xi32, #tpu.memory_space<vmem>>) offsets(%dma_start3A_300 : memref<128xi32, #tpu.memory_space<vmem>>) semaphore(%dma_start3A_305 : memref<!tpu.dma_semaphore, #tpu.memory_space<semaphore_mem>>)
      } else {
      }
      %add3A_160 = arith.constant 1 : i32
      %add3A_161 = arith.addi %add3A_120, %add3A_160 : i32
      %mul3A_162 = arith.constant 128 : i32
      %mul3A_163 = arith.muli %add3A_161, %mul3A_162 : i32
      %dma_wait3A_164 = arith.constant 1 : i32
      %dma_wait3A_165 = arith.constant 1 : i32
      %dma_wait3A_166 = arith.constant 0 : i32
      %dma_wait3A_167 = arith.constant 0 : i32
      %dma_wait3A_168 = tpu.memref_slice %arg6[%dma_wait3A_164, %dma_wait3A_166, %dma_wait3A_167] : memref<4x128x128xi32, #tpu.memory_space<vmem>> -> memref<1x128x128xi32, #tpu.memory_space<vmem>>
      %dma_wait3A_169 = tpu.memref_squeeze %dma_wait3A_168 : memref<1x128x128xi32, #tpu.memory_space<vmem>> -> memref<128x128xi32, #tpu.memory_space<vmem>>
      %dma_wait3A_170 = tpu.memref_slice %arg5[%mul3A_163] : memref<25088xi32, #tpu.memory_space<vmem>> -> memref<128xi32, #tpu.memory_space<vmem>>
      %dma_wait3A_171 = arith.constant 0 : i32
      %dma_wait3A_172 = arith.constant 0 : i32
      %dma_wait3A_173 = tpu.memref_slice %arg2[%dma_wait3A_171, %dma_wait3A_172] : memref<50176x128xi32, #tpu.memory_space<hbm>> -> memref<50176x128xi32, #tpu.memory_space<hbm>>
      %dma_wait3A_174 = tpu.memref_slice %arg7[%dma_wait3A_165] : memref<4x!tpu.dma_semaphore, #tpu.memory_space<semaphore_mem>> -> memref<1x!tpu.dma_semaphore, #tpu.memory_space<semaphore_mem>>
      %dma_wait3A_175 = tpu.memref_squeeze %dma_wait3A_174 : memref<1x!tpu.dma_semaphore, #tpu.memory_space<semaphore_mem>> -> memref<!tpu.dma_semaphore, #tpu.memory_space<semaphore_mem>>
      tpu.wait_indirect_dma semaphore(%dma_wait3A_175 : memref<!tpu.dma_semaphore, #tpu.memory_space<semaphore_mem>>) src(%dma_wait3A_173 : memref<50176x128xi32, #tpu.memory_space<hbm>>) dst(%dma_wait3A_169 : memref<128x128xi32, #tpu.memory_space<vmem>>)
      %mul3A_176 = arith.constant 128 : i32
      %mul3A_177 = arith.muli %add3A_161, %mul3A_176 : i32
      %add3A_178 = arith.addi %mul3A_2, %mul3A_177 : i32
      %dma_start3A_179 = arith.constant 1 : i32
      %dma_start3A_180 = arith.constant 1 : i32
      %dma_start3A_181 = arith.constant 0 : i32
      %dma_start3A_182 = arith.constant 0 : i32
      %dma_start3A_183 = tpu.memref_slice %arg6[%dma_start3A_179, %dma_start3A_181, %dma_start3A_182] : memref<4x128x128xi32, #tpu.memory_space<vmem>> -> memref<1x128x128xi32, #tpu.memory_space<vmem>>
      %dma_start3A_184 = tpu.memref_squeeze %dma_start3A_183 : memref<1x128x128xi32, #tpu.memory_space<vmem>> -> memref<128x128xi32, #tpu.memory_space<vmem>>
      %dma_start3A_185 = arith.constant 0 : i32
      %dma_start3A_186 = tpu.memref_slice %arg4[%add3A_178, %dma_start3A_185] : memref<802816x128xi32, #tpu.memory_space<hbm>> -> memref<128x128xi32, #tpu.memory_space<hbm>>
      %dma_start3A_187 = tpu.memref_slice %arg8[%dma_start3A_180] : memref<4x!tpu.dma_semaphore, #tpu.memory_space<semaphore_mem>> -> memref<1x!tpu.dma_semaphore, #tpu.memory_space<semaphore_mem>>
      %dma_start3A_188 = tpu.memref_squeeze %dma_start3A_187 : memref<1x!tpu.dma_semaphore, #tpu.memory_space<semaphore_mem>> -> memref<!tpu.dma_semaphore, #tpu.memory_space<semaphore_mem>>
      %dma_start3A_189 = arith.constant 0 : i32
      %dma_start3A_190 = tpu.memref_slice %arg4[%add3A_178, %dma_start3A_189] : memref<802816x128xi32, #tpu.memory_space<hbm>> -> memref<128x128xi32, #tpu.memory_space<hbm>>
      %dma_start3A_191 = arith.constant 0 : i32
      %dma_start3A_192 = arith.constant 0 : i32
      %dma_start3A_193 = tpu.memref_slice %arg6[%dma_start3A_179, %dma_start3A_191, %dma_start3A_192] : memref<4x128x128xi32, #tpu.memory_space<vmem>> -> memref<1x128x128xi32, #tpu.memory_space<vmem>>
      %dma_start3A_194 = tpu.memref_squeeze %dma_start3A_193 : memref<1x128x128xi32, #tpu.memory_space<vmem>> -> memref<128x128xi32, #tpu.memory_space<vmem>>
      tpu.enqueue_dma source(%dma_start3A_194 : memref<128x128xi32, #tpu.memory_space<vmem>>) target(%dma_start3A_190 : memref<128x128xi32, #tpu.memory_space<hbm>>) target_semaphore(%dma_start3A_188 : memref<!tpu.dma_semaphore, #tpu.memory_space<semaphore_mem>>)
      %add3A_195 = arith.constant 3 : i32
      %add3A_196 = arith.addi %add3A_161, %add3A_195 : i32
      %lt3A_197 = arith.constant 196 : i32
      %lt3A_198 = arith.cmpi slt, %add3A_196, %lt3A_197 : i32
      %convert_element_type3A_199 = arith.extui %lt3A_198 : i1 to i32
      %cond3A_200 = arith.constant 0 : i32
      %cond3A_201 = arith.cmpi ne, %convert_element_type3A_199, %cond3A_200 : i32
      scf.if %cond3A_201 {
        %ge3A = arith.constant 1 : i32
        %ge3A_286 = arith.cmpi sge, %add3A_161, %ge3A : i32
        %convert_element_type3A_287 = arith.extui %ge3A_286 : i1 to i32
        %cond3A_288 = arith.constant 0 : i32
        %cond3A_289 = arith.cmpi ne, %convert_element_type3A_287, %cond3A_288 : i32
        scf.if %cond3A_289 {
          %sub3A = arith.constant 1 : i32
          %sub3A_306 = arith.subi %add3A_161, %sub3A : i32
          %mul3A_307 = arith.constant 128 : i32
          %mul3A_308 = arith.muli %sub3A_306, %mul3A_307 : i32
          %add3A_309 = arith.addi %mul3A_2, %mul3A_308 : i32
          %dma_wait3A_310 = arith.constant 0 : i32
          %dma_wait3A_311 = arith.constant 0 : i32
          %dma_wait3A_312 = arith.constant 0 : i32
          %dma_wait3A_313 = arith.constant 0 : i32
          %dma_wait3A_314 = tpu.memref_slice %arg6[%dma_wait3A_310, %dma_wait3A_312, %dma_wait3A_313] : memref<4x128x128xi32, #tpu.memory_space<vmem>> -> memref<1x128x128xi32, #tpu.memory_space<vmem>>
          %dma_wait3A_315 = tpu.memref_squeeze %dma_wait3A_314 : memref<1x128x128xi32, #tpu.memory_space<vmem>> -> memref<128x128xi32, #tpu.memory_space<vmem>>
          %dma_wait3A_316 = arith.constant 0 : i32
          %dma_wait3A_317 = tpu.memref_slice %arg4[%add3A_309, %dma_wait3A_316] : memref<802816x128xi32, #tpu.memory_space<hbm>> -> memref<128x128xi32, #tpu.memory_space<hbm>>
          %dma_wait3A_318 = tpu.memref_slice %arg8[%dma_wait3A_311] : memref<4x!tpu.dma_semaphore, #tpu.memory_space<semaphore_mem>> -> memref<1x!tpu.dma_semaphore, #tpu.memory_space<semaphore_mem>>
          %dma_wait3A_319 = tpu.memref_squeeze %dma_wait3A_318 : memref<1x!tpu.dma_semaphore, #tpu.memory_space<semaphore_mem>> -> memref<!tpu.dma_semaphore, #tpu.memory_space<semaphore_mem>>
          %dma_wait3A_320 = arith.constant 0 : i32
          %dma_wait3A_321 = tpu.memref_slice %arg4[%add3A_309, %dma_wait3A_320] : memref<802816x128xi32, #tpu.memory_space<hbm>> -> memref<128x128xi32, #tpu.memory_space<hbm>>
          %dma_wait3A_322 = arith.constant 0 : i32
          %dma_wait3A_323 = arith.constant 0 : i32
          %dma_wait3A_324 = tpu.memref_slice %arg6[%dma_wait3A_310, %dma_wait3A_322, %dma_wait3A_323] : memref<4x128x128xi32, #tpu.memory_space<vmem>> -> memref<1x128x128xi32, #tpu.memory_space<vmem>>
          %dma_wait3A_325 = tpu.memref_squeeze %dma_wait3A_324 : memref<1x128x128xi32, #tpu.memory_space<vmem>> -> memref<128x128xi32, #tpu.memory_space<vmem>>
          tpu.wait_dma2 semaphore(%dma_wait3A_319 : memref<!tpu.dma_semaphore, #tpu.memory_space<semaphore_mem>>) src(%dma_wait3A_325 : memref<128x128xi32, #tpu.memory_space<vmem>>) dst(%dma_wait3A_321 : memref<128x128xi32, #tpu.memory_space<hbm>>)
        } else {
        }
        %add3A_290 = arith.constant 3 : i32
        %add3A_291 = arith.addi %add3A_161, %add3A_290 : i32
        %mul3A_292 = arith.constant 128 : i32
        %mul3A_293 = arith.muli %add3A_291, %mul3A_292 : i32
        %dma_start3A_294 = arith.constant 0 : i32
        %dma_start3A_295 = arith.constant 0 : i32
        %dma_start3A_296 = arith.constant 0 : i32
        %dma_start3A_297 = arith.constant 0 : i32
        %dma_start3A_298 = tpu.memref_slice %arg6[%dma_start3A_294, %dma_start3A_296, %dma_start3A_297] : memref<4x128x128xi32, #tpu.memory_space<vmem>> -> memref<1x128x128xi32, #tpu.memory_space<vmem>>
        %dma_start3A_299 = tpu.memref_squeeze %dma_start3A_298 : memref<1x128x128xi32, #tpu.memory_space<vmem>> -> memref<128x128xi32, #tpu.memory_space<vmem>>
        %dma_start3A_300 = tpu.memref_slice %arg5[%mul3A_293] : memref<25088xi32, #tpu.memory_space<vmem>> -> memref<128xi32, #tpu.memory_space<vmem>>
        %dma_start3A_301 = arith.constant 0 : i32
        %dma_start3A_302 = arith.constant 0 : i32
        %dma_start3A_303 = tpu.memref_slice %arg2[%dma_start3A_301, %dma_start3A_302] : memref<50176x128xi32, #tpu.memory_space<hbm>> -> memref<50176x128xi32, #tpu.memory_space<hbm>>
        %dma_start3A_304 = tpu.memref_slice %arg7[%dma_start3A_295] : memref<4x!tpu.dma_semaphore, #tpu.memory_space<semaphore_mem>> -> memref<1x!tpu.dma_semaphore, #tpu.memory_space<semaphore_mem>>
        %dma_start3A_305 = tpu.memref_squeeze %dma_start3A_304 : memref<1x!tpu.dma_semaphore, #tpu.memory_space<semaphore_mem>> -> memref<!tpu.dma_semaphore, #tpu.memory_space<semaphore_mem>>
        tpu.enqueue_indirect_dma source(%dma_start3A_303 : memref<50176x128xi32, #tpu.memory_space<hbm>>) target(%dma_start3A_299 : memref<128x128xi32, #tpu.memory_space<vmem>>) offsets(%dma_start3A_300 : memref<128xi32, #tpu.memory_space<vmem>>) semaphore(%dma_start3A_305 : memref<!tpu.dma_semaphore, #tpu.memory_space<semaphore_mem>>)
      } else {
      }
      %add3A_202 = arith.constant 2 : i32
      %add3A_203 = arith.addi %add3A_120, %add3A_202 : i32
      %mul3A_204 = arith.constant 128 : i32
      %mul3A_205 = arith.muli %add3A_203, %mul3A_204 : i32
      %dma_wait3A_206 = arith.constant 2 : i32
      %dma_wait3A_207 = arith.constant 2 : i32
      %dma_wait3A_208 = arith.constant 0 : i32
      %dma_wait3A_209 = arith.constant 0 : i32
      %dma_wait3A_210 = tpu.memref_slice %arg6[%dma_wait3A_206, %dma_wait3A_208, %dma_wait3A_209] : memref<4x128x128xi32, #tpu.memory_space<vmem>> -> memref<1x128x128xi32, #tpu.memory_space<vmem>>
      %dma_wait3A_211 = tpu.memref_squeeze %dma_wait3A_210 : memref<1x128x128xi32, #tpu.memory_space<vmem>> -> memref<128x128xi32, #tpu.memory_space<vmem>>
      %dma_wait3A_212 = tpu.memref_slice %arg5[%mul3A_205] : memref<25088xi32, #tpu.memory_space<vmem>> -> memref<128xi32, #tpu.memory_space<vmem>>
      %dma_wait3A_213 = arith.constant 0 : i32
      %dma_wait3A_214 = arith.constant 0 : i32
      %dma_wait3A_215 = tpu.memref_slice %arg2[%dma_wait3A_213, %dma_wait3A_214] : memref<50176x128xi32, #tpu.memory_space<hbm>> -> memref<50176x128xi32, #tpu.memory_space<hbm>>
      %dma_wait3A_216 = tpu.memref_slice %arg7[%dma_wait3A_207] : memref<4x!tpu.dma_semaphore, #tpu.memory_space<semaphore_mem>> -> memref<1x!tpu.dma_semaphore, #tpu.memory_space<semaphore_mem>>
      %dma_wait3A_217 = tpu.memref_squeeze %dma_wait3A_216 : memref<1x!tpu.dma_semaphore, #tpu.memory_space<semaphore_mem>> -> memref<!tpu.dma_semaphore, #tpu.memory_space<semaphore_mem>>
      tpu.wait_indirect_dma semaphore(%dma_wait3A_217 : memref<!tpu.dma_semaphore, #tpu.memory_space<semaphore_mem>>) src(%dma_wait3A_215 : memref<50176x128xi32, #tpu.memory_space<hbm>>) dst(%dma_wait3A_211 : memref<128x128xi32, #tpu.memory_space<vmem>>)
      %mul3A_218 = arith.constant 128 : i32
      %mul3A_219 = arith.muli %add3A_203, %mul3A_218 : i32
      %add3A_220 = arith.addi %mul3A_2, %mul3A_219 : i32
      %dma_start3A_221 = arith.constant 2 : i32
      %dma_start3A_222 = arith.constant 2 : i32
      %dma_start3A_223 = arith.constant 0 : i32
      %dma_start3A_224 = arith.constant 0 : i32
      %dma_start3A_225 = tpu.memref_slice %arg6[%dma_start3A_221, %dma_start3A_223, %dma_start3A_224] : memref<4x128x128xi32, #tpu.memory_space<vmem>> -> memref<1x128x128xi32, #tpu.memory_space<vmem>>
      %dma_start3A_226 = tpu.memref_squeeze %dma_start3A_225 : memref<1x128x128xi32, #tpu.memory_space<vmem>> -> memref<128x128xi32, #tpu.memory_space<vmem>>
      %dma_start3A_227 = arith.constant 0 : i32
      %dma_start3A_228 = tpu.memref_slice %arg4[%add3A_220, %dma_start3A_227] : memref<802816x128xi32, #tpu.memory_space<hbm>> -> memref<128x128xi32, #tpu.memory_space<hbm>>
      %dma_start3A_229 = tpu.memref_slice %arg8[%dma_start3A_222] : memref<4x!tpu.dma_semaphore, #tpu.memory_space<semaphore_mem>> -> memref<1x!tpu.dma_semaphore, #tpu.memory_space<semaphore_mem>>
      %dma_start3A_230 = tpu.memref_squeeze %dma_start3A_229 : memref<1x!tpu.dma_semaphore, #tpu.memory_space<semaphore_mem>> -> memref<!tpu.dma_semaphore, #tpu.memory_space<semaphore_mem>>
      %dma_start3A_231 = arith.constant 0 : i32
      %dma_start3A_232 = tpu.memref_slice %arg4[%add3A_220, %dma_start3A_231] : memref<802816x128xi32, #tpu.memory_space<hbm>> -> memref<128x128xi32, #tpu.memory_space<hbm>>
      %dma_start3A_233 = arith.constant 0 : i32
      %dma_start3A_234 = arith.constant 0 : i32
      %dma_start3A_235 = tpu.memref_slice %arg6[%dma_start3A_221, %dma_start3A_233, %dma_start3A_234] : memref<4x128x128xi32, #tpu.memory_space<vmem>> -> memref<1x128x128xi32, #tpu.memory_space<vmem>>
      %dma_start3A_236 = tpu.memref_squeeze %dma_start3A_235 : memref<1x128x128xi32, #tpu.memory_space<vmem>> -> memref<128x128xi32, #tpu.memory_space<vmem>>
      tpu.enqueue_dma source(%dma_start3A_236 : memref<128x128xi32, #tpu.memory_space<vmem>>) target(%dma_start3A_232 : memref<128x128xi32, #tpu.memory_space<hbm>>) target_semaphore(%dma_start3A_230 : memref<!tpu.dma_semaphore, #tpu.memory_space<semaphore_mem>>)
      %add3A_237 = arith.constant 3 : i32
      %add3A_238 = arith.addi %add3A_203, %add3A_237 : i32
      %lt3A_239 = arith.constant 196 : i32
      %lt3A_240 = arith.cmpi slt, %add3A_238, %lt3A_239 : i32
      %convert_element_type3A_241 = arith.extui %lt3A_240 : i1 to i32
      %cond3A_242 = arith.constant 0 : i32
      %cond3A_243 = arith.cmpi ne, %convert_element_type3A_241, %cond3A_242 : i32
      scf.if %cond3A_243 {
        %ge3A = arith.constant 1 : i32
        %ge3A_286 = arith.cmpi sge, %add3A_203, %ge3A : i32
        %convert_element_type3A_287 = arith.extui %ge3A_286 : i1 to i32
        %cond3A_288 = arith.constant 0 : i32
        %cond3A_289 = arith.cmpi ne, %convert_element_type3A_287, %cond3A_288 : i32
        scf.if %cond3A_289 {
          %sub3A = arith.constant 1 : i32
          %sub3A_306 = arith.subi %add3A_203, %sub3A : i32
          %mul3A_307 = arith.constant 128 : i32
          %mul3A_308 = arith.muli %sub3A_306, %mul3A_307 : i32
          %add3A_309 = arith.addi %mul3A_2, %mul3A_308 : i32
          %dma_wait3A_310 = arith.constant 1 : i32
          %dma_wait3A_311 = arith.constant 1 : i32
          %dma_wait3A_312 = arith.constant 0 : i32
          %dma_wait3A_313 = arith.constant 0 : i32
          %dma_wait3A_314 = tpu.memref_slice %arg6[%dma_wait3A_310, %dma_wait3A_312, %dma_wait3A_313] : memref<4x128x128xi32, #tpu.memory_space<vmem>> -> memref<1x128x128xi32, #tpu.memory_space<vmem>>
          %dma_wait3A_315 = tpu.memref_squeeze %dma_wait3A_314 : memref<1x128x128xi32, #tpu.memory_space<vmem>> -> memref<128x128xi32, #tpu.memory_space<vmem>>
          %dma_wait3A_316 = arith.constant 0 : i32
          %dma_wait3A_317 = tpu.memref_slice %arg4[%add3A_309, %dma_wait3A_316] : memref<802816x128xi32, #tpu.memory_space<hbm>> -> memref<128x128xi32, #tpu.memory_space<hbm>>
          %dma_wait3A_318 = tpu.memref_slice %arg8[%dma_wait3A_311] : memref<4x!tpu.dma_semaphore, #tpu.memory_space<semaphore_mem>> -> memref<1x!tpu.dma_semaphore, #tpu.memory_space<semaphore_mem>>
          %dma_wait3A_319 = tpu.memref_squeeze %dma_wait3A_318 : memref<1x!tpu.dma_semaphore, #tpu.memory_space<semaphore_mem>> -> memref<!tpu.dma_semaphore, #tpu.memory_space<semaphore_mem>>
          %dma_wait3A_320 = arith.constant 0 : i32
          %dma_wait3A_321 = tpu.memref_slice %arg4[%add3A_309, %dma_wait3A_320] : memref<802816x128xi32, #tpu.memory_space<hbm>> -> memref<128x128xi32, #tpu.memory_space<hbm>>
          %dma_wait3A_322 = arith.constant 0 : i32
          %dma_wait3A_323 = arith.constant 0 : i32
          %dma_wait3A_324 = tpu.memref_slice %arg6[%dma_wait3A_310, %dma_wait3A_322, %dma_wait3A_323] : memref<4x128x128xi32, #tpu.memory_space<vmem>> -> memref<1x128x128xi32, #tpu.memory_space<vmem>>
          %dma_wait3A_325 = tpu.memref_squeeze %dma_wait3A_324 : memref<1x128x128xi32, #tpu.memory_space<vmem>> -> memref<128x128xi32, #tpu.memory_space<vmem>>
          tpu.wait_dma2 semaphore(%dma_wait3A_319 : memref<!tpu.dma_semaphore, #tpu.memory_space<semaphore_mem>>) src(%dma_wait3A_325 : memref<128x128xi32, #tpu.memory_space<vmem>>) dst(%dma_wait3A_321 : memref<128x128xi32, #tpu.memory_space<hbm>>)
        } else {
        }
        %add3A_290 = arith.constant 3 : i32
        %add3A_291 = arith.addi %add3A_203, %add3A_290 : i32
        %mul3A_292 = arith.constant 128 : i32
        %mul3A_293 = arith.muli %add3A_291, %mul3A_292 : i32
        %dma_start3A_294 = arith.constant 1 : i32
        %dma_start3A_295 = arith.constant 1 : i32
        %dma_start3A_296 = arith.constant 0 : i32
        %dma_start3A_297 = arith.constant 0 : i32
        %dma_start3A_298 = tpu.memref_slice %arg6[%dma_start3A_294, %dma_start3A_296, %dma_start3A_297] : memref<4x128x128xi32, #tpu.memory_space<vmem>> -> memref<1x128x128xi32, #tpu.memory_space<vmem>>
        %dma_start3A_299 = tpu.memref_squeeze %dma_start3A_298 : memref<1x128x128xi32, #tpu.memory_space<vmem>> -> memref<128x128xi32, #tpu.memory_space<vmem>>
        %dma_start3A_300 = tpu.memref_slice %arg5[%mul3A_293] : memref<25088xi32, #tpu.memory_space<vmem>> -> memref<128xi32, #tpu.memory_space<vmem>>
        %dma_start3A_301 = arith.constant 0 : i32
        %dma_start3A_302 = arith.constant 0 : i32
        %dma_start3A_303 = tpu.memref_slice %arg2[%dma_start3A_301, %dma_start3A_302] : memref<50176x128xi32, #tpu.memory_space<hbm>> -> memref<50176x128xi32, #tpu.memory_space<hbm>>
        %dma_start3A_304 = tpu.memref_slice %arg7[%dma_start3A_295] : memref<4x!tpu.dma_semaphore, #tpu.memory_space<semaphore_mem>> -> memref<1x!tpu.dma_semaphore, #tpu.memory_space<semaphore_mem>>
        %dma_start3A_305 = tpu.memref_squeeze %dma_start3A_304 : memref<1x!tpu.dma_semaphore, #tpu.memory_space<semaphore_mem>> -> memref<!tpu.dma_semaphore, #tpu.memory_space<semaphore_mem>>
        tpu.enqueue_indirect_dma source(%dma_start3A_303 : memref<50176x128xi32, #tpu.memory_space<hbm>>) target(%dma_start3A_299 : memref<128x128xi32, #tpu.memory_space<vmem>>) offsets(%dma_start3A_300 : memref<128xi32, #tpu.memory_space<vmem>>) semaphore(%dma_start3A_305 : memref<!tpu.dma_semaphore, #tpu.memory_space<semaphore_mem>>)
      } else {
      }
      %add3A_244 = arith.constant 3 : i32
      %add3A_245 = arith.addi %add3A_120, %add3A_244 : i32
      %mul3A_246 = arith.constant 128 : i32
      %mul3A_247 = arith.muli %add3A_245, %mul3A_246 : i32
      %dma_wait3A_248 = arith.constant 3 : i32
      %dma_wait3A_249 = arith.constant 3 : i32
      %dma_wait3A_250 = arith.constant 0 : i32
      %dma_wait3A_251 = arith.constant 0 : i32
      %dma_wait3A_252 = tpu.memref_slice %arg6[%dma_wait3A_248, %dma_wait3A_250, %dma_wait3A_251] : memref<4x128x128xi32, #tpu.memory_space<vmem>> -> memref<1x128x128xi32, #tpu.memory_space<vmem>>
      %dma_wait3A_253 = tpu.memref_squeeze %dma_wait3A_252 : memref<1x128x128xi32, #tpu.memory_space<vmem>> -> memref<128x128xi32, #tpu.memory_space<vmem>>
      %dma_wait3A_254 = tpu.memref_slice %arg5[%mul3A_247] : memref<25088xi32, #tpu.memory_space<vmem>> -> memref<128xi32, #tpu.memory_space<vmem>>
      %dma_wait3A_255 = arith.constant 0 : i32
      %dma_wait3A_256 = arith.constant 0 : i32
      %dma_wait3A_257 = tpu.memref_slice %arg2[%dma_wait3A_255, %dma_wait3A_256] : memref<50176x128xi32, #tpu.memory_space<hbm>> -> memref<50176x128xi32, #tpu.memory_space<hbm>>
      %dma_wait3A_258 = tpu.memref_slice %arg7[%dma_wait3A_249] : memref<4x!tpu.dma_semaphore, #tpu.memory_space<semaphore_mem>> -> memref<1x!tpu.dma_semaphore, #tpu.memory_space<semaphore_mem>>
      %dma_wait3A_259 = tpu.memref_squeeze %dma_wait3A_258 : memref<1x!tpu.dma_semaphore, #tpu.memory_space<semaphore_mem>> -> memref<!tpu.dma_semaphore, #tpu.memory_space<semaphore_mem>>
      tpu.wait_indirect_dma semaphore(%dma_wait3A_259 : memref<!tpu.dma_semaphore, #tpu.memory_space<semaphore_mem>>) src(%dma_wait3A_257 : memref<50176x128xi32, #tpu.memory_space<hbm>>) dst(%dma_wait3A_253 : memref<128x128xi32, #tpu.memory_space<vmem>>)
      %mul3A_260 = arith.constant 128 : i32
      %mul3A_261 = arith.muli %add3A_245, %mul3A_260 : i32
      %add3A_262 = arith.addi %mul3A_2, %mul3A_261 : i32
      %dma_start3A_263 = arith.constant 3 : i32
      %dma_start3A_264 = arith.constant 3 : i32
      %dma_start3A_265 = arith.constant 0 : i32
      %dma_start3A_266 = arith.constant 0 : i32
      %dma_start3A_267 = tpu.memref_slice %arg6[%dma_start3A_263, %dma_start3A_265, %dma_start3A_266] : memref<4x128x128xi32, #tpu.memory_space<vmem>> -> memref<1x128x128xi32, #tpu.memory_space<vmem>>
      %dma_start3A_268 = tpu.memref_squeeze %dma_start3A_267 : memref<1x128x128xi32, #tpu.memory_space<vmem>> -> memref<128x128xi32, #tpu.memory_space<vmem>>
      %dma_start3A_269 = arith.constant 0 : i32
      %dma_start3A_270 = tpu.memref_slice %arg4[%add3A_262, %dma_start3A_269] : memref<802816x128xi32, #tpu.memory_space<hbm>> -> memref<128x128xi32, #tpu.memory_space<hbm>>
      %dma_start3A_271 = tpu.memref_slice %arg8[%dma_start3A_264] : memref<4x!tpu.dma_semaphore, #tpu.memory_space<semaphore_mem>> -> memref<1x!tpu.dma_semaphore, #tpu.memory_space<semaphore_mem>>
      %dma_start3A_272 = tpu.memref_squeeze %dma_start3A_271 : memref<1x!tpu.dma_semaphore, #tpu.memory_space<semaphore_mem>> -> memref<!tpu.dma_semaphore, #tpu.memory_space<semaphore_mem>>
      %dma_start3A_273 = arith.constant 0 : i32
      %dma_start3A_274 = tpu.memref_slice %arg4[%add3A_262, %dma_start3A_273] : memref<802816x128xi32, #tpu.memory_space<hbm>> -> memref<128x128xi32, #tpu.memory_space<hbm>>
      %dma_start3A_275 = arith.constant 0 : i32
      %dma_start3A_276 = arith.constant 0 : i32
      %dma_start3A_277 = tpu.memref_slice %arg6[%dma_start3A_263, %dma_start3A_275, %dma_start3A_276] : memref<4x128x128xi32, #tpu.memory_space<vmem>> -> memref<1x128x128xi32, #tpu.memory_space<vmem>>
      %dma_start3A_278 = tpu.memref_squeeze %dma_start3A_277 : memref<1x128x128xi32, #tpu.memory_space<vmem>> -> memref<128x128xi32, #tpu.memory_space<vmem>>
      tpu.enqueue_dma source(%dma_start3A_278 : memref<128x128xi32, #tpu.memory_space<vmem>>) target(%dma_start3A_274 : memref<128x128xi32, #tpu.memory_space<hbm>>) target_semaphore(%dma_start3A_272 : memref<!tpu.dma_semaphore, #tpu.memory_space<semaphore_mem>>)
      %add3A_279 = arith.constant 3 : i32
      %add3A_280 = arith.addi %add3A_245, %add3A_279 : i32
      %lt3A_281 = arith.constant 196 : i32
      %lt3A_282 = arith.cmpi slt, %add3A_280, %lt3A_281 : i32
      %convert_element_type3A_283 = arith.extui %lt3A_282 : i1 to i32
      %cond3A_284 = arith.constant 0 : i32
      %cond3A_285 = arith.cmpi ne, %convert_element_type3A_283, %cond3A_284 : i32
      scf.if %cond3A_285 {
        %ge3A = arith.constant 1 : i32
        %ge3A_286 = arith.cmpi sge, %add3A_245, %ge3A : i32
        %convert_element_type3A_287 = arith.extui %ge3A_286 : i1 to i32
        %cond3A_288 = arith.constant 0 : i32
        %cond3A_289 = arith.cmpi ne, %convert_element_type3A_287, %cond3A_288 : i32
        scf.if %cond3A_289 {
          %sub3A = arith.constant 1 : i32
          %sub3A_306 = arith.subi %add3A_245, %sub3A : i32
          %mul3A_307 = arith.constant 128 : i32
          %mul3A_308 = arith.muli %sub3A_306, %mul3A_307 : i32
          %add3A_309 = arith.addi %mul3A_2, %mul3A_308 : i32
          %dma_wait3A_310 = arith.constant 2 : i32
          %dma_wait3A_311 = arith.constant 2 : i32
          %dma_wait3A_312 = arith.constant 0 : i32
          %dma_wait3A_313 = arith.constant 0 : i32
          %dma_wait3A_314 = tpu.memref_slice %arg6[%dma_wait3A_310, %dma_wait3A_312, %dma_wait3A_313] : memref<4x128x128xi32, #tpu.memory_space<vmem>> -> memref<1x128x128xi32, #tpu.memory_space<vmem>>
          %dma_wait3A_315 = tpu.memref_squeeze %dma_wait3A_314 : memref<1x128x128xi32, #tpu.memory_space<vmem>> -> memref<128x128xi32, #tpu.memory_space<vmem>>
          %dma_wait3A_316 = arith.constant 0 : i32
          %dma_wait3A_317 = tpu.memref_slice %arg4[%add3A_309, %dma_wait3A_316] : memref<802816x128xi32, #tpu.memory_space<hbm>> -> memref<128x128xi32, #tpu.memory_space<hbm>>
          %dma_wait3A_318 = tpu.memref_slice %arg8[%dma_wait3A_311] : memref<4x!tpu.dma_semaphore, #tpu.memory_space<semaphore_mem>> -> memref<1x!tpu.dma_semaphore, #tpu.memory_space<semaphore_mem>>
          %dma_wait3A_319 = tpu.memref_squeeze %dma_wait3A_318 : memref<1x!tpu.dma_semaphore, #tpu.memory_space<semaphore_mem>> -> memref<!tpu.dma_semaphore, #tpu.memory_space<semaphore_mem>>
          %dma_wait3A_320 = arith.constant 0 : i32
          %dma_wait3A_321 = tpu.memref_slice %arg4[%add3A_309, %dma_wait3A_320] : memref<802816x128xi32, #tpu.memory_space<hbm>> -> memref<128x128xi32, #tpu.memory_space<hbm>>
          %dma_wait3A_322 = arith.constant 0 : i32
          %dma_wait3A_323 = arith.constant 0 : i32
          %dma_wait3A_324 = tpu.memref_slice %arg6[%dma_wait3A_310, %dma_wait3A_322, %dma_wait3A_323] : memref<4x128x128xi32, #tpu.memory_space<vmem>> -> memref<1x128x128xi32, #tpu.memory_space<vmem>>
          %dma_wait3A_325 = tpu.memref_squeeze %dma_wait3A_324 : memref<1x128x128xi32, #tpu.memory_space<vmem>> -> memref<128x128xi32, #tpu.memory_space<vmem>>
          tpu.wait_dma2 semaphore(%dma_wait3A_319 : memref<!tpu.dma_semaphore, #tpu.memory_space<semaphore_mem>>) src(%dma_wait3A_325 : memref<128x128xi32, #tpu.memory_space<vmem>>) dst(%dma_wait3A_321 : memref<128x128xi32, #tpu.memory_space<hbm>>)
        } else {
        }
        %add3A_290 = arith.constant 3 : i32
        %add3A_291 = arith.addi %add3A_245, %add3A_290 : i32
        %mul3A_292 = arith.constant 128 : i32
        %mul3A_293 = arith.muli %add3A_291, %mul3A_292 : i32
        %dma_start3A_294 = arith.constant 2 : i32
        %dma_start3A_295 = arith.constant 2 : i32
        %dma_start3A_296 = arith.constant 0 : i32
        %dma_start3A_297 = arith.constant 0 : i32
        %dma_start3A_298 = tpu.memref_slice %arg6[%dma_start3A_294, %dma_start3A_296, %dma_start3A_297] : memref<4x128x128xi32, #tpu.memory_space<vmem>> -> memref<1x128x128xi32, #tpu.memory_space<vmem>>
        %dma_start3A_299 = tpu.memref_squeeze %dma_start3A_298 : memref<1x128x128xi32, #tpu.memory_space<vmem>> -> memref<128x128xi32, #tpu.memory_space<vmem>>
        %dma_start3A_300 = tpu.memref_slice %arg5[%mul3A_293] : memref<25088xi32, #tpu.memory_space<vmem>> -> memref<128xi32, #tpu.memory_space<vmem>>
        %dma_start3A_301 = arith.constant 0 : i32
        %dma_start3A_302 = arith.constant 0 : i32
        %dma_start3A_303 = tpu.memref_slice %arg2[%dma_start3A_301, %dma_start3A_302] : memref<50176x128xi32, #tpu.memory_space<hbm>> -> memref<50176x128xi32, #tpu.memory_space<hbm>>
        %dma_start3A_304 = tpu.memref_slice %arg7[%dma_start3A_295] : memref<4x!tpu.dma_semaphore, #tpu.memory_space<semaphore_mem>> -> memref<1x!tpu.dma_semaphore, #tpu.memory_space<semaphore_mem>>
        %dma_start3A_305 = tpu.memref_squeeze %dma_start3A_304 : memref<1x!tpu.dma_semaphore, #tpu.memory_space<semaphore_mem>> -> memref<!tpu.dma_semaphore, #tpu.memory_space<semaphore_mem>>
        tpu.enqueue_indirect_dma source(%dma_start3A_303 : memref<50176x128xi32, #tpu.memory_space<hbm>>) target(%dma_start3A_299 : memref<128x128xi32, #tpu.memory_space<vmem>>) offsets(%dma_start3A_300 : memref<128xi32, #tpu.memory_space<vmem>>) semaphore(%dma_start3A_305 : memref<!tpu.dma_semaphore, #tpu.memory_space<semaphore_mem>>)
      } else {
      }
    }
    %scan3A_44 = arith.constant 49 : i32
    %add3A_45 = arith.constant 24576 : i32
    %add3A_46 = arith.addi %mul3A_2, %add3A_45 : i32
    %dma_wait3A = arith.constant 0 : i32
    %dma_wait3A_47 = arith.constant 0 : i32
    %dma_wait3A_48 = arith.constant 0 : i32
    %dma_wait3A_49 = arith.constant 0 : i32
    %dma_wait3A_50 = tpu.memref_slice %arg6[%dma_wait3A, %dma_wait3A_48, %dma_wait3A_49] : memref<4x128x128xi32, #tpu.memory_space<vmem>> -> memref<1x128x128xi32, #tpu.memory_space<vmem>>
    %dma_wait3A_51 = tpu.memref_squeeze %dma_wait3A_50 : memref<1x128x128xi32, #tpu.memory_space<vmem>> -> memref<128x128xi32, #tpu.memory_space<vmem>>
    %dma_wait3A_52 = arith.constant 0 : i32
    %dma_wait3A_53 = tpu.memref_slice %arg4[%add3A_46, %dma_wait3A_52] : memref<802816x128xi32, #tpu.memory_space<hbm>> -> memref<128x128xi32, #tpu.memory_space<hbm>>
    %dma_wait3A_54 = tpu.memref_slice %arg8[%dma_wait3A_47] : memref<4x!tpu.dma_semaphore, #tpu.memory_space<semaphore_mem>> -> memref<1x!tpu.dma_semaphore, #tpu.memory_space<semaphore_mem>>
    %dma_wait3A_55 = tpu.memref_squeeze %dma_wait3A_54 : memref<1x!tpu.dma_semaphore, #tpu.memory_space<semaphore_mem>> -> memref<!tpu.dma_semaphore, #tpu.memory_space<semaphore_mem>>
    %dma_wait3A_56 = arith.constant 0 : i32
    %dma_wait3A_57 = tpu.memref_slice %arg4[%add3A_46, %dma_wait3A_56] : memref<802816x128xi32, #tpu.memory_space<hbm>> -> memref<128x128xi32, #tpu.memory_space<hbm>>
    %dma_wait3A_58 = arith.constant 0 : i32
    %dma_wait3A_59 = arith.constant 0 : i32
    %dma_wait3A_60 = tpu.memref_slice %arg6[%dma_wait3A, %dma_wait3A_58, %dma_wait3A_59] : memref<4x128x128xi32, #tpu.memory_space<vmem>> -> memref<1x128x128xi32, #tpu.memory_space<vmem>>
    %dma_wait3A_61 = tpu.memref_squeeze %dma_wait3A_60 : memref<1x128x128xi32, #tpu.memory_space<vmem>> -> memref<128x128xi32, #tpu.memory_space<vmem>>
    tpu.wait_dma2 semaphore(%dma_wait3A_55 : memref<!tpu.dma_semaphore, #tpu.memory_space<semaphore_mem>>) src(%dma_wait3A_61 : memref<128x128xi32, #tpu.memory_space<vmem>>) dst(%dma_wait3A_57 : memref<128x128xi32, #tpu.memory_space<hbm>>)
    %add3A_62 = arith.constant 24704 : i32
    %add3A_63 = arith.addi %mul3A_2, %add3A_62 : i32
    %dma_wait3A_64 = arith.constant 1 : i32
    %dma_wait3A_65 = arith.constant 1 : i32
    %dma_wait3A_66 = arith.constant 0 : i32
    %dma_wait3A_67 = arith.constant 0 : i32
    %dma_wait3A_68 = tpu.memref_slice %arg6[%dma_wait3A_64, %dma_wait3A_66, %dma_wait3A_67] : memref<4x128x128xi32, #tpu.memory_space<vmem>> -> memref<1x128x128xi32, #tpu.memory_space<vmem>>
    %dma_wait3A_69 = tpu.memref_squeeze %dma_wait3A_68 : memref<1x128x128xi32, #tpu.memory_space<vmem>> -> memref<128x128xi32, #tpu.memory_space<vmem>>
    %dma_wait3A_70 = arith.constant 0 : i32
    %dma_wait3A_71 = tpu.memref_slice %arg4[%add3A_63, %dma_wait3A_70] : memref<802816x128xi32, #tpu.memory_space<hbm>> -> memref<128x128xi32, #tpu.memory_space<hbm>>
    %dma_wait3A_72 = tpu.memref_slice %arg8[%dma_wait3A_65] : memref<4x!tpu.dma_semaphore, #tpu.memory_space<semaphore_mem>> -> memref<1x!tpu.dma_semaphore, #tpu.memory_space<semaphore_mem>>
    %dma_wait3A_73 = tpu.memref_squeeze %dma_wait3A_72 : memref<1x!tpu.dma_semaphore, #tpu.memory_space<semaphore_mem>> -> memref<!tpu.dma_semaphore, #tpu.memory_space<semaphore_mem>>
    %dma_wait3A_74 = arith.constant 0 : i32
    %dma_wait3A_75 = tpu.memref_slice %arg4[%add3A_63, %dma_wait3A_74] : memref<802816x128xi32, #tpu.memory_space<hbm>> -> memref<128x128xi32, #tpu.memory_space<hbm>>
    %dma_wait3A_76 = arith.constant 0 : i32
    %dma_wait3A_77 = arith.constant 0 : i32
    %dma_wait3A_78 = tpu.memref_slice %arg6[%dma_wait3A_64, %dma_wait3A_76, %dma_wait3A_77] : memref<4x128x128xi32, #tpu.memory_space<vmem>> -> memref<1x128x128xi32, #tpu.memory_space<vmem>>
    %dma_wait3A_79 = tpu.memref_squeeze %dma_wait3A_78 : memref<1x128x128xi32, #tpu.memory_space<vmem>> -> memref<128x128xi32, #tpu.memory_space<vmem>>
    tpu.wait_dma2 semaphore(%dma_wait3A_73 : memref<!tpu.dma_semaphore, #tpu.memory_space<semaphore_mem>>) src(%dma_wait3A_79 : memref<128x128xi32, #tpu.memory_space<vmem>>) dst(%dma_wait3A_75 : memref<128x128xi32, #tpu.memory_space<hbm>>)
    %add3A_80 = arith.constant 24832 : i32
    %add3A_81 = arith.addi %mul3A_2, %add3A_80 : i32
    %dma_wait3A_82 = arith.constant 2 : i32
    %dma_wait3A_83 = arith.constant 2 : i32
    %dma_wait3A_84 = arith.constant 0 : i32
    %dma_wait3A_85 = arith.constant 0 : i32
    %dma_wait3A_86 = tpu.memref_slice %arg6[%dma_wait3A_82, %dma_wait3A_84, %dma_wait3A_85] : memref<4x128x128xi32, #tpu.memory_space<vmem>> -> memref<1x128x128xi32, #tpu.memory_space<vmem>>
    %dma_wait3A_87 = tpu.memref_squeeze %dma_wait3A_86 : memref<1x128x128xi32, #tpu.memory_space<vmem>> -> memref<128x128xi32, #tpu.memory_space<vmem>>
    %dma_wait3A_88 = arith.constant 0 : i32
    %dma_wait3A_89 = tpu.memref_slice %arg4[%add3A_81, %dma_wait3A_88] : memref<802816x128xi32, #tpu.memory_space<hbm>> -> memref<128x128xi32, #tpu.memory_space<hbm>>
    %dma_wait3A_90 = tpu.memref_slice %arg8[%dma_wait3A_83] : memref<4x!tpu.dma_semaphore, #tpu.memory_space<semaphore_mem>> -> memref<1x!tpu.dma_semaphore, #tpu.memory_space<semaphore_mem>>
    %dma_wait3A_91 = tpu.memref_squeeze %dma_wait3A_90 : memref<1x!tpu.dma_semaphore, #tpu.memory_space<semaphore_mem>> -> memref<!tpu.dma_semaphore, #tpu.memory_space<semaphore_mem>>
    %dma_wait3A_92 = arith.constant 0 : i32
    %dma_wait3A_93 = tpu.memref_slice %arg4[%add3A_81, %dma_wait3A_92] : memref<802816x128xi32, #tpu.memory_space<hbm>> -> memref<128x128xi32, #tpu.memory_space<hbm>>
    %dma_wait3A_94 = arith.constant 0 : i32
    %dma_wait3A_95 = arith.constant 0 : i32
    %dma_wait3A_96 = tpu.memref_slice %arg6[%dma_wait3A_82, %dma_wait3A_94, %dma_wait3A_95] : memref<4x128x128xi32, #tpu.memory_space<vmem>> -> memref<1x128x128xi32, #tpu.memory_space<vmem>>
    %dma_wait3A_97 = tpu.memref_squeeze %dma_wait3A_96 : memref<1x128x128xi32, #tpu.memory_space<vmem>> -> memref<128x128xi32, #tpu.memory_space<vmem>>
    tpu.wait_dma2 semaphore(%dma_wait3A_91 : memref<!tpu.dma_semaphore, #tpu.memory_space<semaphore_mem>>) src(%dma_wait3A_97 : memref<128x128xi32, #tpu.memory_space<vmem>>) dst(%dma_wait3A_93 : memref<128x128xi32, #tpu.memory_space<hbm>>)
    %add3A_98 = arith.constant 24960 : i32
    %add3A_99 = arith.addi %mul3A_2, %add3A_98 : i32
    %dma_wait3A_100 = arith.constant 3 : i32
    %dma_wait3A_101 = arith.constant 3 : i32
    %dma_wait3A_102 = arith.constant 0 : i32
    %dma_wait3A_103 = arith.constant 0 : i32
    %dma_wait3A_104 = tpu.memref_slice %arg6[%dma_wait3A_100, %dma_wait3A_102, %dma_wait3A_103] : memref<4x128x128xi32, #tpu.memory_space<vmem>> -> memref<1x128x128xi32, #tpu.memory_space<vmem>>
    %dma_wait3A_105 = tpu.memref_squeeze %dma_wait3A_104 : memref<1x128x128xi32, #tpu.memory_space<vmem>> -> memref<128x128xi32, #tpu.memory_space<vmem>>
    %dma_wait3A_106 = arith.constant 0 : i32
    %dma_wait3A_107 = tpu.memref_slice %arg4[%add3A_99, %dma_wait3A_106] : memref<802816x128xi32, #tpu.memory_space<hbm>> -> memref<128x128xi32, #tpu.memory_space<hbm>>
    %dma_wait3A_108 = tpu.memref_slice %arg8[%dma_wait3A_101] : memref<4x!tpu.dma_semaphore, #tpu.memory_space<semaphore_mem>> -> memref<1x!tpu.dma_semaphore, #tpu.memory_space<semaphore_mem>>
    %dma_wait3A_109 = tpu.memref_squeeze %dma_wait3A_108 : memref<1x!tpu.dma_semaphore, #tpu.memory_space<semaphore_mem>> -> memref<!tpu.dma_semaphore, #tpu.memory_space<semaphore_mem>>
    %dma_wait3A_110 = arith.constant 0 : i32
    %dma_wait3A_111 = tpu.memref_slice %arg4[%add3A_99, %dma_wait3A_110] : memref<802816x128xi32, #tpu.memory_space<hbm>> -> memref<128x128xi32, #tpu.memory_space<hbm>>
    %dma_wait3A_112 = arith.constant 0 : i32
    %dma_wait3A_113 = arith.constant 0 : i32
    %dma_wait3A_114 = tpu.memref_slice %arg6[%dma_wait3A_100, %dma_wait3A_112, %dma_wait3A_113] : memref<4x128x128xi32, #tpu.memory_space<vmem>> -> memref<1x128x128xi32, #tpu.memory_space<vmem>>
    %dma_wait3A_115 = tpu.memref_squeeze %dma_wait3A_114 : memref<1x128x128xi32, #tpu.memory_space<vmem>> -> memref<128x128xi32, #tpu.memory_space<vmem>>
    tpu.wait_dma2 semaphore(%dma_wait3A_109 : memref<!tpu.dma_semaphore, #tpu.memory_space<semaphore_mem>>) src(%dma_wait3A_115 : memref<128x128xi32, #tpu.memory_space<vmem>>) dst(%dma_wait3A_111 : memref<128x128xi32, #tpu.memory_space<hbm>>)
    return
  }
}

#map = affine_map<(d0, d1) -> (0, 0)>
module attributes {stable_mosaic.version = 14 : i64} {
  func.func @k(%arg0: i32, %arg1: i32, %arg2: memref<50176x128xi32, #tpu.memory_space<hbm>>, %arg3: memref<1x802816xi32, #tpu.memory_space<hbm>>, %arg4: memref<802816x128xi32, #tpu.memory_space<hbm>>, %arg5: memref<25088xi32, #tpu.memory_space<vmem>>, %arg6: memref<4x128x128xi32, #tpu.memory_space<vmem>>, %arg7: memref<4x!tpu.dma_semaphore, #tpu.memory_space<semaphore_mem>>, %arg8: memref<4x!tpu.dma_semaphore, #tpu.memory_space<semaphore_mem>>) attributes {dimension_semantics = [#tpu.dimension_semantics<core_parallel>, #tpu.dimension_semantics<subcore_parallel>], iteration_bounds = array<i64: 2, 16>, scalar_prefetch = 0 : i64, scratch_operands = 4 : i64, tpu.core_type = #tpu.core_type<sc_vector_subcore>, window_params = [{transform_indices = #map}, {transform_indices = #map}, {transform_indices = #map}]} {
    %mul3A = arith.constant 2 : i32
    %mul3A_0 = arith.muli %arg1, %mul3A : i32
    %add3A = arith.addi %mul3A_0, %arg0 : i32
    %mul3A_1 = arith.constant 25088 : i32
    %mul3A_2 = arith.muli %add3A, %mul3A_1 : i32
    %run_scoped3A = arith.constant 0 : i32
    "tpu.region"() ({
      %run_scoped3A_116 = tpu.sem_alloc : memref<!tpu.dma_semaphore, #tpu.memory_space<semaphore_mem>>
      %dma_start3A_117 = tpu.memref_slice %arg3[%run_scoped3A, %mul3A_2] : memref<1x802816xi32, #tpu.memory_space<hbm>> -> memref<1x25088xi32, #tpu.memory_space<hbm>>
      %dma_start3A_118 = tpu.memref_squeeze %dma_start3A_117 : memref<1x25088xi32, #tpu.memory_space<hbm>> -> memref<25088xi32, #tpu.memory_space<hbm>>
      %dma_start3A_119 = tpu.memref_slice %arg3[%run_scoped3A, %mul3A_2] : memref<1x802816xi32, #tpu.memory_space<hbm>> -> memref<1x25088xi32, #tpu.memory_space<hbm>>
      %dma_start3A_120 = tpu.memref_squeeze %dma_start3A_119 : memref<1x25088xi32, #tpu.memory_space<hbm>> -> memref<25088xi32, #tpu.memory_space<hbm>>
      tpu.enqueue_dma source(%dma_start3A_120 : memref<25088xi32, #tpu.memory_space<hbm>>) target(%arg5 : memref<25088xi32, #tpu.memory_space<vmem>>) target_semaphore(%run_scoped3A_116 : memref<!tpu.dma_semaphore, #tpu.memory_space<semaphore_mem>>)
      %dma_wait3A_121 = tpu.memref_slice %arg3[%run_scoped3A, %mul3A_2] : memref<1x802816xi32, #tpu.memory_space<hbm>> -> memref<1x25088xi32, #tpu.memory_space<hbm>>
      %dma_wait3A_122 = tpu.memref_squeeze %dma_wait3A_121 : memref<1x25088xi32, #tpu.memory_space<hbm>> -> memref<25088xi32, #tpu.memory_space<hbm>>
      %dma_wait3A_123 = tpu.memref_slice %arg3[%run_scoped3A, %mul3A_2] : memref<1x802816xi32, #tpu.memory_space<hbm>> -> memref<1x25088xi32, #tpu.memory_space<hbm>>
      %dma_wait3A_124 = tpu.memref_squeeze %dma_wait3A_123 : memref<1x25088xi32, #tpu.memory_space<hbm>> -> memref<25088xi32, #tpu.memory_space<hbm>>
      tpu.wait_dma2 semaphore(%run_scoped3A_116 : memref<!tpu.dma_semaphore, #tpu.memory_space<semaphore_mem>>) src(%dma_wait3A_124 : memref<25088xi32, #tpu.memory_space<hbm>>) dst(%arg5 : memref<25088xi32, #tpu.memory_space<vmem>>)
      tpu.yield
    }) : () -> ()
    %dma_start3A = arith.constant 0 : i32
    %dma_start3A_3 = arith.constant 0 : i32
    %dma_start3A_4 = arith.constant 0 : i32
    %dma_start3A_5 = arith.constant 0 : i32
    %dma_start3A_6 = tpu.memref_slice %arg6[%dma_start3A, %dma_start3A_4, %dma_start3A_5] : memref<4x128x128xi32, #tpu.memory_space<vmem>> -> memref<1x128x128xi32, #tpu.memory_space<vmem>>
    %dma_start3A_7 = tpu.memref_squeeze %dma_start3A_6 : memref<1x128x128xi32, #tpu.memory_space<vmem>> -> memref<128x128xi32, #tpu.memory_space<vmem>>
    %dma_start3A_8 = arith.constant 0 : i32
    %dma_start3A_9 = tpu.memref_slice %arg5[%dma_start3A_8] : memref<25088xi32, #tpu.memory_space<vmem>> -> memref<128xi32, #tpu.memory_space<vmem>>
    %dma_start3A_10 = arith.constant 0 : i32
    %dma_start3A_11 = arith.constant 0 : i32
    %dma_start3A_12 = tpu.memref_slice %arg2[%dma_start3A_10, %dma_start3A_11] : memref<50176x128xi32, #tpu.memory_space<hbm>> -> memref<50176x128xi32, #tpu.memory_space<hbm>>
    %dma_start3A_13 = tpu.memref_slice %arg7[%dma_start3A_3] : memref<4x!tpu.dma_semaphore, #tpu.memory_space<semaphore_mem>> -> memref<1x!tpu.dma_semaphore, #tpu.memory_space<semaphore_mem>>
    %dma_start3A_14 = tpu.memref_squeeze %dma_start3A_13 : memref<1x!tpu.dma_semaphore, #tpu.memory_space<semaphore_mem>> -> memref<!tpu.dma_semaphore, #tpu.memory_space<semaphore_mem>>
    tpu.enqueue_indirect_dma source(%dma_start3A_12 : memref<50176x128xi32, #tpu.memory_space<hbm>>) target(%dma_start3A_7 : memref<128x128xi32, #tpu.memory_space<vmem>>) offsets(%dma_start3A_9 : memref<128xi32, #tpu.memory_space<vmem>>) semaphore(%dma_start3A_14 : memref<!tpu.dma_semaphore, #tpu.memory_space<semaphore_mem>>)
    %dma_start3A_15 = arith.constant 1 : i32
    %dma_start3A_16 = arith.constant 1 : i32
    %dma_start3A_17 = arith.constant 0 : i32
    %dma_start3A_18 = arith.constant 0 : i32
    %dma_start3A_19 = tpu.memref_slice %arg6[%dma_start3A_15, %dma_start3A_17, %dma_start3A_18] : memref<4x128x128xi32, #tpu.memory_space<vmem>> -> memref<1x128x128xi32, #tpu.memory_space<vmem>>
    %dma_start3A_20 = tpu.memref_squeeze %dma_start3A_19 : memref<1x128x128xi32, #tpu.memory_space<vmem>> -> memref<128x128xi32, #tpu.memory_space<vmem>>
    %dma_start3A_21 = arith.constant 128 : i32
    %dma_start3A_22 = tpu.memref_slice %arg5[%dma_start3A_21] : memref<25088xi32, #tpu.memory_space<vmem>> -> memref<128xi32, #tpu.memory_space<vmem>>
    %dma_start3A_23 = arith.constant 0 : i32
    %dma_start3A_24 = arith.constant 0 : i32
    %dma_start3A_25 = tpu.memref_slice %arg2[%dma_start3A_23, %dma_start3A_24] : memref<50176x128xi32, #tpu.memory_space<hbm>> -> memref<50176x128xi32, #tpu.memory_space<hbm>>
    %dma_start3A_26 = tpu.memref_slice %arg7[%dma_start3A_16] : memref<4x!tpu.dma_semaphore, #tpu.memory_space<semaphore_mem>> -> memref<1x!tpu.dma_semaphore, #tpu.memory_space<semaphore_mem>>
    %dma_start3A_27 = tpu.memref_squeeze %dma_start3A_26 : memref<1x!tpu.dma_semaphore, #tpu.memory_space<semaphore_mem>> -> memref<!tpu.dma_semaphore, #tpu.memory_space<semaphore_mem>>
    tpu.enqueue_indirect_dma source(%dma_start3A_25 : memref<50176x128xi32, #tpu.memory_space<hbm>>) target(%dma_start3A_20 : memref<128x128xi32, #tpu.memory_space<vmem>>) offsets(%dma_start3A_22 : memref<128xi32, #tpu.memory_space<vmem>>) semaphore(%dma_start3A_27 : memref<!tpu.dma_semaphore, #tpu.memory_space<semaphore_mem>>)
    %dma_start3A_28 = arith.constant 2 : i32
    %dma_start3A_29 = arith.constant 2 : i32
    %dma_start3A_30 = arith.constant 0 : i32
    %dma_start3A_31 = arith.constant 0 : i32
    %dma_start3A_32 = tpu.memref_slice %arg6[%dma_start3A_28, %dma_start3A_30, %dma_start3A_31] : memref<4x128x128xi32, #tpu.memory_space<vmem>> -> memref<1x128x128xi32, #tpu.memory_space<vmem>>
    %dma_start3A_33 = tpu.memref_squeeze %dma_start3A_32 : memref<1x128x128xi32, #tpu.memory_space<vmem>> -> memref<128x128xi32, #tpu.memory_space<vmem>>
    %dma_start3A_34 = arith.constant 256 : i32
    %dma_start3A_35 = tpu.memref_slice %arg5[%dma_start3A_34] : memref<25088xi32, #tpu.memory_space<vmem>> -> memref<128xi32, #tpu.memory_space<vmem>>
    %dma_start3A_36 = arith.constant 0 : i32
    %dma_start3A_37 = arith.constant 0 : i32
    %dma_start3A_38 = tpu.memref_slice %arg2[%dma_start3A_36, %dma_start3A_37] : memref<50176x128xi32, #tpu.memory_space<hbm>> -> memref<50176x128xi32, #tpu.memory_space<hbm>>
    %dma_start3A_39 = tpu.memref_slice %arg7[%dma_start3A_29] : memref<4x!tpu.dma_semaphore, #tpu.memory_space<semaphore_mem>> -> memref<1x!tpu.dma_semaphore, #tpu.memory_space<semaphore_mem>>
    %dma_start3A_40 = tpu.memref_squeeze %dma_start3A_39 : memref<1x!tpu.dma_semaphore, #tpu.memory_space<semaphore_mem>> -> memref<!tpu.dma_semaphore, #tpu.memory_space<semaphore_mem>>
    tpu.enqueue_indirect_dma source(%dma_start3A_38 : memref<50176x128xi32, #tpu.memory_space<hbm>>) target(%dma_start3A_33 : memref<128x128xi32, #tpu.memory_space<vmem>>) offsets(%dma_start3A_35 : memref<128xi32, #tpu.memory_space<vmem>>) semaphore(%dma_start3A_40 : memref<!tpu.dma_semaphore, #tpu.memory_space<semaphore_mem>>)
    %scan3A = arith.constant 0 : i32
    %scan3A_41 = arith.constant 49 : i32
    %scan3A_42 = arith.addi %scan3A, %scan3A_41 : i32
    %scan3A_43 = arith.constant 1 : i32
    scf.for %scan3A_116 = %scan3A to %scan3A_42 step %scan3A_43  : i32 {
      %mul3A_117 = arith.constant 4 : i32
      %mul3A_118 = arith.muli %scan3A_116, %mul3A_117 : i32
      %add3A_119 = arith.constant 0 : i32
      %add3A_120 = arith.addi %add3A_119, %mul3A_118 : i32
      %add3A_121 = arith.constant 0 : i32
      %add3A_122 = arith.addi %add3A_120, %add3A_121 : i32
      %mul3A_123 = arith.constant 128 : i32
      %mul3A_124 = arith.muli %add3A_122, %mul3A_123 : i32
      %dma_wait3A_125 = arith.constant 0 : i32
      %dma_wait3A_126 = arith.constant 0 : i32
      %dma_wait3A_127 = arith.constant 0 : i32
      %dma_wait3A_128 = arith.constant 0 : i32
      %dma_wait3A_129 = tpu.memref_slice %arg6[%dma_wait3A_125, %dma_wait3A_127, %dma_wait3A_128] : memref<4x128x128xi32, #tpu.memory_space<vmem>> -> memref<1x128x128xi32, #tpu.memory_space<vmem>>
      %dma_wait3A_130 = tpu.memref_squeeze %dma_wait3A_129 : memref<1x128x128xi32, #tpu.memory_space<vmem>> -> memref<128x128xi32, #tpu.memory_space<vmem>>
      %dma_wait3A_131 = tpu.memref_slice %arg5[%mul3A_124] : memref<25088xi32, #tpu.memory_space<vmem>> -> memref<128xi32, #tpu.memory_space<vmem>>
      %dma_wait3A_132 = arith.constant 0 : i32
      %dma_wait3A_133 = arith.constant 0 : i32
      %dma_wait3A_134 = tpu.memref_slice %arg2[%dma_wait3A_132, %dma_wait3A_133] : memref<50176x128xi32, #tpu.memory_space<hbm>> -> memref<50176x128xi32, #tpu.memory_space<hbm>>
      %dma_wait3A_135 = tpu.memref_slice %arg7[%dma_wait3A_126] : memref<4x!tpu.dma_semaphore, #tpu.memory_space<semaphore_mem>> -> memref<1x!tpu.dma_semaphore, #tpu.memory_space<semaphore_mem>>
      %dma_wait3A_136 = tpu.memref_squeeze %dma_wait3A_135 : memref<1x!tpu.dma_semaphore, #tpu.memory_space<semaphore_mem>> -> memref<!tpu.dma_semaphore, #tpu.memory_space<semaphore_mem>>
      tpu.wait_indirect_dma semaphore(%dma_wait3A_136 : memref<!tpu.dma_semaphore, #tpu.memory_space<semaphore_mem>>) src(%dma_wait3A_134 : memref<50176x128xi32, #tpu.memory_space<hbm>>) dst(%dma_wait3A_130 : memref<128x128xi32, #tpu.memory_space<vmem>>)
      %mul3A_137 = arith.constant 128 : i32
      %mul3A_138 = arith.muli %add3A_122, %mul3A_137 : i32
      %add3A_139 = arith.addi %mul3A_2, %mul3A_138 : i32
      %dma_start3A_140 = arith.constant 0 : i32
      %dma_start3A_141 = arith.constant 0 : i32
      %dma_start3A_142 = arith.constant 0 : i32
      %dma_start3A_143 = arith.constant 0 : i32
      %dma_start3A_144 = tpu.memref_slice %arg6[%dma_start3A_140, %dma_start3A_142, %dma_start3A_143] : memref<4x128x128xi32, #tpu.memory_space<vmem>> -> memref<1x128x128xi32, #tpu.memory_space<vmem>>
      %dma_start3A_145 = tpu.memref_squeeze %dma_start3A_144 : memref<1x128x128xi32, #tpu.memory_space<vmem>> -> memref<128x128xi32, #tpu.memory_space<vmem>>
      %dma_start3A_146 = arith.constant 0 : i32
      %dma_start3A_147 = tpu.memref_slice %arg4[%add3A_139, %dma_start3A_146] : memref<802816x128xi32, #tpu.memory_space<hbm>> -> memref<128x128xi32, #tpu.memory_space<hbm>>
      %dma_start3A_148 = tpu.memref_slice %arg8[%dma_start3A_141] : memref<4x!tpu.dma_semaphore, #tpu.memory_space<semaphore_mem>> -> memref<1x!tpu.dma_semaphore, #tpu.memory_space<semaphore_mem>>
      %dma_start3A_149 = tpu.memref_squeeze %dma_start3A_148 : memref<1x!tpu.dma_semaphore, #tpu.memory_space<semaphore_mem>> -> memref<!tpu.dma_semaphore, #tpu.memory_space<semaphore_mem>>
      %dma_start3A_150 = arith.constant 0 : i32
      %dma_start3A_151 = tpu.memref_slice %arg4[%add3A_139, %dma_start3A_150] : memref<802816x128xi32, #tpu.memory_space<hbm>> -> memref<128x128xi32, #tpu.memory_space<hbm>>
      %dma_start3A_152 = arith.constant 0 : i32
      %dma_start3A_153 = arith.constant 0 : i32
      %dma_start3A_154 = tpu.memref_slice %arg6[%dma_start3A_140, %dma_start3A_152, %dma_start3A_153] : memref<4x128x128xi32, #tpu.memory_space<vmem>> -> memref<1x128x128xi32, #tpu.memory_space<vmem>>
      %dma_start3A_155 = tpu.memref_squeeze %dma_start3A_154 : memref<1x128x128xi32, #tpu.memory_space<vmem>> -> memref<128x128xi32, #tpu.memory_space<vmem>>
      tpu.enqueue_dma source(%dma_start3A_155 : memref<128x128xi32, #tpu.memory_space<vmem>>) target(%dma_start3A_151 : memref<128x128xi32, #tpu.memory_space<hbm>>) target_semaphore(%dma_start3A_149 : memref<!tpu.dma_semaphore, #tpu.memory_space<semaphore_mem>>)
      %add3A_156 = arith.constant 3 : i32
      %add3A_157 = arith.addi %add3A_122, %add3A_156 : i32
      %lt3A = arith.constant 196 : i32
      %lt3A_158 = arith.cmpi slt, %add3A_157, %lt3A : i32
      %convert_element_type3A = arith.extui %lt3A_158 : i1 to i32
      %cond3A = arith.constant 0 : i32
      %cond3A_159 = arith.cmpi ne, %convert_element_type3A, %cond3A : i32
      scf.if %cond3A_159 {
        %ge3A = arith.constant 1 : i32
        %ge3A_286 = arith.cmpi sge, %add3A_122, %ge3A : i32
        %convert_element_type3A_287 = arith.extui %ge3A_286 : i1 to i32
        %cond3A_288 = arith.constant 0 : i32
        %cond3A_289 = arith.cmpi ne, %convert_element_type3A_287, %cond3A_288 : i32
        scf.if %cond3A_289 {
          %sub3A = arith.constant 1 : i32
          %sub3A_306 = arith.subi %add3A_122, %sub3A : i32
          %mul3A_307 = arith.constant 128 : i32
          %mul3A_308 = arith.muli %sub3A_306, %mul3A_307 : i32
          %add3A_309 = arith.addi %mul3A_2, %mul3A_308 : i32
          %dma_wait3A_310 = arith.constant 3 : i32
          %dma_wait3A_311 = arith.constant 3 : i32
          %dma_wait3A_312 = arith.constant 0 : i32
          %dma_wait3A_313 = arith.constant 0 : i32
          %dma_wait3A_314 = tpu.memref_slice %arg6[%dma_wait3A_310, %dma_wait3A_312, %dma_wait3A_313] : memref<4x128x128xi32, #tpu.memory_space<vmem>> -> memref<1x128x128xi32, #tpu.memory_space<vmem>>
          %dma_wait3A_315 = tpu.memref_squeeze %dma_wait3A_314 : memref<1x128x128xi32, #tpu.memory_space<vmem>> -> memref<128x128xi32, #tpu.memory_space<vmem>>
          %dma_wait3A_316 = arith.constant 0 : i32
          %dma_wait3A_317 = tpu.memref_slice %arg4[%add3A_309, %dma_wait3A_316] : memref<802816x128xi32, #tpu.memory_space<hbm>> -> memref<128x128xi32, #tpu.memory_space<hbm>>
          %dma_wait3A_318 = tpu.memref_slice %arg8[%dma_wait3A_311] : memref<4x!tpu.dma_semaphore, #tpu.memory_space<semaphore_mem>> -> memref<1x!tpu.dma_semaphore, #tpu.memory_space<semaphore_mem>>
          %dma_wait3A_319 = tpu.memref_squeeze %dma_wait3A_318 : memref<1x!tpu.dma_semaphore, #tpu.memory_space<semaphore_mem>> -> memref<!tpu.dma_semaphore, #tpu.memory_space<semaphore_mem>>
          %dma_wait3A_320 = arith.constant 0 : i32
          %dma_wait3A_321 = tpu.memref_slice %arg4[%add3A_309, %dma_wait3A_320] : memref<802816x128xi32, #tpu.memory_space<hbm>> -> memref<128x128xi32, #tpu.memory_space<hbm>>
          %dma_wait3A_322 = arith.constant 0 : i32
          %dma_wait3A_323 = arith.constant 0 : i32
          %dma_wait3A_324 = tpu.memref_slice %arg6[%dma_wait3A_310, %dma_wait3A_322, %dma_wait3A_323] : memref<4x128x128xi32, #tpu.memory_space<vmem>> -> memref<1x128x128xi32, #tpu.memory_space<vmem>>
          %dma_wait3A_325 = tpu.memref_squeeze %dma_wait3A_324 : memref<1x128x128xi32, #tpu.memory_space<vmem>> -> memref<128x128xi32, #tpu.memory_space<vmem>>
          tpu.wait_dma2 semaphore(%dma_wait3A_319 : memref<!tpu.dma_semaphore, #tpu.memory_space<semaphore_mem>>) src(%dma_wait3A_325 : memref<128x128xi32, #tpu.memory_space<vmem>>) dst(%dma_wait3A_321 : memref<128x128xi32, #tpu.memory_space<hbm>>)
        } else {
        }
        %add3A_290 = arith.constant 3 : i32
        %add3A_291 = arith.addi %add3A_122, %add3A_290 : i32
        %mul3A_292 = arith.constant 128 : i32
        %mul3A_293 = arith.muli %add3A_291, %mul3A_292 : i32
        %dma_start3A_294 = arith.constant 3 : i32
        %dma_start3A_295 = arith.constant 3 : i32
        %dma_start3A_296 = arith.constant 0 : i32
        %dma_start3A_297 = arith.constant 0 : i32
        %dma_start3A_298 = tpu.memref_slice %arg6[%dma_start3A_294, %dma_start3A_296, %dma_start3A_297] : memref<4x128x128xi32, #tpu.memory_space<vmem>> -> memref<1x128x128xi32, #tpu.memory_space<vmem>>
        %dma_start3A_299 = tpu.memref_squeeze %dma_start3A_298 : memref<1x128x128xi32, #tpu.memory_space<vmem>> -> memref<128x128xi32, #tpu.memory_space<vmem>>
        %dma_start3A_300 = tpu.memref_slice %arg5[%mul3A_293] : memref<25088xi32, #tpu.memory_space<vmem>> -> memref<128xi32, #tpu.memory_space<vmem>>
        %dma_start3A_301 = arith.constant 0 : i32
        %dma_start3A_302 = arith.constant 0 : i32
        %dma_start3A_303 = tpu.memref_slice %arg2[%dma_start3A_301, %dma_start3A_302] : memref<50176x128xi32, #tpu.memory_space<hbm>> -> memref<50176x128xi32, #tpu.memory_space<hbm>>
        %dma_start3A_304 = tpu.memref_slice %arg7[%dma_start3A_295] : memref<4x!tpu.dma_semaphore, #tpu.memory_space<semaphore_mem>> -> memref<1x!tpu.dma_semaphore, #tpu.memory_space<semaphore_mem>>
        %dma_start3A_305 = tpu.memref_squeeze %dma_start3A_304 : memref<1x!tpu.dma_semaphore, #tpu.memory_space<semaphore_mem>> -> memref<!tpu.dma_semaphore, #tpu.memory_space<semaphore_mem>>
        tpu.enqueue_indirect_dma source(%dma_start3A_303 : memref<50176x128xi32, #tpu.memory_space<hbm>>) target(%dma_start3A_299 : memref<128x128xi32, #tpu.memory_space<vmem>>) offsets(%dma_start3A_300 : memref<128xi32, #tpu.memory_space<vmem>>) semaphore(%dma_start3A_305 : memref<!tpu.dma_semaphore, #tpu.memory_space<semaphore_mem>>)
      } else {
      }
      %add3A_160 = arith.constant 1 : i32
      %add3A_161 = arith.addi %add3A_120, %add3A_160 : i32
      %mul3A_162 = arith.constant 128 : i32
      %mul3A_163 = arith.muli %add3A_161, %mul3A_162 : i32
      %dma_wait3A_164 = arith.constant 1 : i32
      %dma_wait3A_165 = arith.constant 1 : i32
      %dma_wait3A_166 = arith.constant 0 : i32
      %dma_wait3A_167 = arith.constant 0 : i32
      %dma_wait3A_168 = tpu.memref_slice %arg6[%dma_wait3A_164, %dma_wait3A_166, %dma_wait3A_167] : memref<4x128x128xi32, #tpu.memory_space<vmem>> -> memref<1x128x128xi32, #tpu.memory_space<vmem>>
      %dma_wait3A_169 = tpu.memref_squeeze %dma_wait3A_168 : memref<1x128x128xi32, #tpu.memory_space<vmem>> -> memref<128x128xi32, #tpu.memory_space<vmem>>
      %dma_wait3A_170 = tpu.memref_slice %arg5[%mul3A_163] : memref<25088xi32, #tpu.memory_space<vmem>> -> memref<128xi32, #tpu.memory_space<vmem>>
      %dma_wait3A_171 = arith.constant 0 : i32
      %dma_wait3A_172 = arith.constant 0 : i32
      %dma_wait3A_173 = tpu.memref_slice %arg2[%dma_wait3A_171, %dma_wait3A_172] : memref<50176x128xi32, #tpu.memory_space<hbm>> -> memref<50176x128xi32, #tpu.memory_space<hbm>>
      %dma_wait3A_174 = tpu.memref_slice %arg7[%dma_wait3A_165] : memref<4x!tpu.dma_semaphore, #tpu.memory_space<semaphore_mem>> -> memref<1x!tpu.dma_semaphore, #tpu.memory_space<semaphore_mem>>
      %dma_wait3A_175 = tpu.memref_squeeze %dma_wait3A_174 : memref<1x!tpu.dma_semaphore, #tpu.memory_space<semaphore_mem>> -> memref<!tpu.dma_semaphore, #tpu.memory_space<semaphore_mem>>
      tpu.wait_indirect_dma semaphore(%dma_wait3A_175 : memref<!tpu.dma_semaphore, #tpu.memory_space<semaphore_mem>>) src(%dma_wait3A_173 : memref<50176x128xi32, #tpu.memory_space<hbm>>) dst(%dma_wait3A_169 : memref<128x128xi32, #tpu.memory_space<vmem>>)
      %mul3A_176 = arith.constant 128 : i32
      %mul3A_177 = arith.muli %add3A_161, %mul3A_176 : i32
      %add3A_178 = arith.addi %mul3A_2, %mul3A_177 : i32
      %dma_start3A_179 = arith.constant 1 : i32
      %dma_start3A_180 = arith.constant 1 : i32
      %dma_start3A_181 = arith.constant 0 : i32
      %dma_start3A_182 = arith.constant 0 : i32
      %dma_start3A_183 = tpu.memref_slice %arg6[%dma_start3A_179, %dma_start3A_181, %dma_start3A_182] : memref<4x128x128xi32, #tpu.memory_space<vmem>> -> memref<1x128x128xi32, #tpu.memory_space<vmem>>
      %dma_start3A_184 = tpu.memref_squeeze %dma_start3A_183 : memref<1x128x128xi32, #tpu.memory_space<vmem>> -> memref<128x128xi32, #tpu.memory_space<vmem>>
      %dma_start3A_185 = arith.constant 0 : i32
      %dma_start3A_186 = tpu.memref_slice %arg4[%add3A_178, %dma_start3A_185] : memref<802816x128xi32, #tpu.memory_space<hbm>> -> memref<128x128xi32, #tpu.memory_space<hbm>>
      %dma_start3A_187 = tpu.memref_slice %arg8[%dma_start3A_180] : memref<4x!tpu.dma_semaphore, #tpu.memory_space<semaphore_mem>> -> memref<1x!tpu.dma_semaphore, #tpu.memory_space<semaphore_mem>>
      %dma_start3A_188 = tpu.memref_squeeze %dma_start3A_187 : memref<1x!tpu.dma_semaphore, #tpu.memory_space<semaphore_mem>> -> memref<!tpu.dma_semaphore, #tpu.memory_space<semaphore_mem>>
      %dma_start3A_189 = arith.constant 0 : i32
      %dma_start3A_190 = tpu.memref_slice %arg4[%add3A_178, %dma_start3A_189] : memref<802816x128xi32, #tpu.memory_space<hbm>> -> memref<128x128xi32, #tpu.memory_space<hbm>>
      %dma_start3A_191 = arith.constant 0 : i32
      %dma_start3A_192 = arith.constant 0 : i32
      %dma_start3A_193 = tpu.memref_slice %arg6[%dma_start3A_179, %dma_start3A_191, %dma_start3A_192] : memref<4x128x128xi32, #tpu.memory_space<vmem>> -> memref<1x128x128xi32, #tpu.memory_space<vmem>>
      %dma_start3A_194 = tpu.memref_squeeze %dma_start3A_193 : memref<1x128x128xi32, #tpu.memory_space<vmem>> -> memref<128x128xi32, #tpu.memory_space<vmem>>
      tpu.enqueue_dma source(%dma_start3A_194 : memref<128x128xi32, #tpu.memory_space<vmem>>) target(%dma_start3A_190 : memref<128x128xi32, #tpu.memory_space<hbm>>) target_semaphore(%dma_start3A_188 : memref<!tpu.dma_semaphore, #tpu.memory_space<semaphore_mem>>)
      %add3A_195 = arith.constant 3 : i32
      %add3A_196 = arith.addi %add3A_161, %add3A_195 : i32
      %lt3A_197 = arith.constant 196 : i32
      %lt3A_198 = arith.cmpi slt, %add3A_196, %lt3A_197 : i32
      %convert_element_type3A_199 = arith.extui %lt3A_198 : i1 to i32
      %cond3A_200 = arith.constant 0 : i32
      %cond3A_201 = arith.cmpi ne, %convert_element_type3A_199, %cond3A_200 : i32
      scf.if %cond3A_201 {
        %ge3A = arith.constant 1 : i32
        %ge3A_286 = arith.cmpi sge, %add3A_161, %ge3A : i32
        %convert_element_type3A_287 = arith.extui %ge3A_286 : i1 to i32
        %cond3A_288 = arith.constant 0 : i32
        %cond3A_289 = arith.cmpi ne, %convert_element_type3A_287, %cond3A_288 : i32
        scf.if %cond3A_289 {
          %sub3A = arith.constant 1 : i32
          %sub3A_306 = arith.subi %add3A_161, %sub3A : i32
          %mul3A_307 = arith.constant 128 : i32
          %mul3A_308 = arith.muli %sub3A_306, %mul3A_307 : i32
          %add3A_309 = arith.addi %mul3A_2, %mul3A_308 : i32
          %dma_wait3A_310 = arith.constant 0 : i32
          %dma_wait3A_311 = arith.constant 0 : i32
          %dma_wait3A_312 = arith.constant 0 : i32
          %dma_wait3A_313 = arith.constant 0 : i32
          %dma_wait3A_314 = tpu.memref_slice %arg6[%dma_wait3A_310, %dma_wait3A_312, %dma_wait3A_313] : memref<4x128x128xi32, #tpu.memory_space<vmem>> -> memref<1x128x128xi32, #tpu.memory_space<vmem>>
          %dma_wait3A_315 = tpu.memref_squeeze %dma_wait3A_314 : memref<1x128x128xi32, #tpu.memory_space<vmem>> -> memref<128x128xi32, #tpu.memory_space<vmem>>
          %dma_wait3A_316 = arith.constant 0 : i32
          %dma_wait3A_317 = tpu.memref_slice %arg4[%add3A_309, %dma_wait3A_316] : memref<802816x128xi32, #tpu.memory_space<hbm>> -> memref<128x128xi32, #tpu.memory_space<hbm>>
          %dma_wait3A_318 = tpu.memref_slice %arg8[%dma_wait3A_311] : memref<4x!tpu.dma_semaphore, #tpu.memory_space<semaphore_mem>> -> memref<1x!tpu.dma_semaphore, #tpu.memory_space<semaphore_mem>>
          %dma_wait3A_319 = tpu.memref_squeeze %dma_wait3A_318 : memref<1x!tpu.dma_semaphore, #tpu.memory_space<semaphore_mem>> -> memref<!tpu.dma_semaphore, #tpu.memory_space<semaphore_mem>>
          %dma_wait3A_320 = arith.constant 0 : i32
          %dma_wait3A_321 = tpu.memref_slice %arg4[%add3A_309, %dma_wait3A_320] : memref<802816x128xi32, #tpu.memory_space<hbm>> -> memref<128x128xi32, #tpu.memory_space<hbm>>
          %dma_wait3A_322 = arith.constant 0 : i32
          %dma_wait3A_323 = arith.constant 0 : i32
          %dma_wait3A_324 = tpu.memref_slice %arg6[%dma_wait3A_310, %dma_wait3A_322, %dma_wait3A_323] : memref<4x128x128xi32, #tpu.memory_space<vmem>> -> memref<1x128x128xi32, #tpu.memory_space<vmem>>
          %dma_wait3A_325 = tpu.memref_squeeze %dma_wait3A_324 : memref<1x128x128xi32, #tpu.memory_space<vmem>> -> memref<128x128xi32, #tpu.memory_space<vmem>>
          tpu.wait_dma2 semaphore(%dma_wait3A_319 : memref<!tpu.dma_semaphore, #tpu.memory_space<semaphore_mem>>) src(%dma_wait3A_325 : memref<128x128xi32, #tpu.memory_space<vmem>>) dst(%dma_wait3A_321 : memref<128x128xi32, #tpu.memory_space<hbm>>)
        } else {
        }
        %add3A_290 = arith.constant 3 : i32
        %add3A_291 = arith.addi %add3A_161, %add3A_290 : i32
        %mul3A_292 = arith.constant 128 : i32
        %mul3A_293 = arith.muli %add3A_291, %mul3A_292 : i32
        %dma_start3A_294 = arith.constant 0 : i32
        %dma_start3A_295 = arith.constant 0 : i32
        %dma_start3A_296 = arith.constant 0 : i32
        %dma_start3A_297 = arith.constant 0 : i32
        %dma_start3A_298 = tpu.memref_slice %arg6[%dma_start3A_294, %dma_start3A_296, %dma_start3A_297] : memref<4x128x128xi32, #tpu.memory_space<vmem>> -> memref<1x128x128xi32, #tpu.memory_space<vmem>>
        %dma_start3A_299 = tpu.memref_squeeze %dma_start3A_298 : memref<1x128x128xi32, #tpu.memory_space<vmem>> -> memref<128x128xi32, #tpu.memory_space<vmem>>
        %dma_start3A_300 = tpu.memref_slice %arg5[%mul3A_293] : memref<25088xi32, #tpu.memory_space<vmem>> -> memref<128xi32, #tpu.memory_space<vmem>>
        %dma_start3A_301 = arith.constant 0 : i32
        %dma_start3A_302 = arith.constant 0 : i32
        %dma_start3A_303 = tpu.memref_slice %arg2[%dma_start3A_301, %dma_start3A_302] : memref<50176x128xi32, #tpu.memory_space<hbm>> -> memref<50176x128xi32, #tpu.memory_space<hbm>>
        %dma_start3A_304 = tpu.memref_slice %arg7[%dma_start3A_295] : memref<4x!tpu.dma_semaphore, #tpu.memory_space<semaphore_mem>> -> memref<1x!tpu.dma_semaphore, #tpu.memory_space<semaphore_mem>>
        %dma_start3A_305 = tpu.memref_squeeze %dma_start3A_304 : memref<1x!tpu.dma_semaphore, #tpu.memory_space<semaphore_mem>> -> memref<!tpu.dma_semaphore, #tpu.memory_space<semaphore_mem>>
        tpu.enqueue_indirect_dma source(%dma_start3A_303 : memref<50176x128xi32, #tpu.memory_space<hbm>>) target(%dma_start3A_299 : memref<128x128xi32, #tpu.memory_space<vmem>>) offsets(%dma_start3A_300 : memref<128xi32, #tpu.memory_space<vmem>>) semaphore(%dma_start3A_305 : memref<!tpu.dma_semaphore, #tpu.memory_space<semaphore_mem>>)
      } else {
      }
      %add3A_202 = arith.constant 2 : i32
      %add3A_203 = arith.addi %add3A_120, %add3A_202 : i32
      %mul3A_204 = arith.constant 128 : i32
      %mul3A_205 = arith.muli %add3A_203, %mul3A_204 : i32
      %dma_wait3A_206 = arith.constant 2 : i32
      %dma_wait3A_207 = arith.constant 2 : i32
      %dma_wait3A_208 = arith.constant 0 : i32
      %dma_wait3A_209 = arith.constant 0 : i32
      %dma_wait3A_210 = tpu.memref_slice %arg6[%dma_wait3A_206, %dma_wait3A_208, %dma_wait3A_209] : memref<4x128x128xi32, #tpu.memory_space<vmem>> -> memref<1x128x128xi32, #tpu.memory_space<vmem>>
      %dma_wait3A_211 = tpu.memref_squeeze %dma_wait3A_210 : memref<1x128x128xi32, #tpu.memory_space<vmem>> -> memref<128x128xi32, #tpu.memory_space<vmem>>
      %dma_wait3A_212 = tpu.memref_slice %arg5[%mul3A_205] : memref<25088xi32, #tpu.memory_space<vmem>> -> memref<128xi32, #tpu.memory_space<vmem>>
      %dma_wait3A_213 = arith.constant 0 : i32
      %dma_wait3A_214 = arith.constant 0 : i32
      %dma_wait3A_215 = tpu.memref_slice %arg2[%dma_wait3A_213, %dma_wait3A_214] : memref<50176x128xi32, #tpu.memory_space<hbm>> -> memref<50176x128xi32, #tpu.memory_space<hbm>>
      %dma_wait3A_216 = tpu.memref_slice %arg7[%dma_wait3A_207] : memref<4x!tpu.dma_semaphore, #tpu.memory_space<semaphore_mem>> -> memref<1x!tpu.dma_semaphore, #tpu.memory_space<semaphore_mem>>
      %dma_wait3A_217 = tpu.memref_squeeze %dma_wait3A_216 : memref<1x!tpu.dma_semaphore, #tpu.memory_space<semaphore_mem>> -> memref<!tpu.dma_semaphore, #tpu.memory_space<semaphore_mem>>
      tpu.wait_indirect_dma semaphore(%dma_wait3A_217 : memref<!tpu.dma_semaphore, #tpu.memory_space<semaphore_mem>>) src(%dma_wait3A_215 : memref<50176x128xi32, #tpu.memory_space<hbm>>) dst(%dma_wait3A_211 : memref<128x128xi32, #tpu.memory_space<vmem>>)
      %mul3A_218 = arith.constant 128 : i32
      %mul3A_219 = arith.muli %add3A_203, %mul3A_218 : i32
      %add3A_220 = arith.addi %mul3A_2, %mul3A_219 : i32
      %dma_start3A_221 = arith.constant 2 : i32
      %dma_start3A_222 = arith.constant 2 : i32
      %dma_start3A_223 = arith.constant 0 : i32
      %dma_start3A_224 = arith.constant 0 : i32
      %dma_start3A_225 = tpu.memref_slice %arg6[%dma_start3A_221, %dma_start3A_223, %dma_start3A_224] : memref<4x128x128xi32, #tpu.memory_space<vmem>> -> memref<1x128x128xi32, #tpu.memory_space<vmem>>
      %dma_start3A_226 = tpu.memref_squeeze %dma_start3A_225 : memref<1x128x128xi32, #tpu.memory_space<vmem>> -> memref<128x128xi32, #tpu.memory_space<vmem>>
      %dma_start3A_227 = arith.constant 0 : i32
      %dma_start3A_228 = tpu.memref_slice %arg4[%add3A_220, %dma_start3A_227] : memref<802816x128xi32, #tpu.memory_space<hbm>> -> memref<128x128xi32, #tpu.memory_space<hbm>>
      %dma_start3A_229 = tpu.memref_slice %arg8[%dma_start3A_222] : memref<4x!tpu.dma_semaphore, #tpu.memory_space<semaphore_mem>> -> memref<1x!tpu.dma_semaphore, #tpu.memory_space<semaphore_mem>>
      %dma_start3A_230 = tpu.memref_squeeze %dma_start3A_229 : memref<1x!tpu.dma_semaphore, #tpu.memory_space<semaphore_mem>> -> memref<!tpu.dma_semaphore, #tpu.memory_space<semaphore_mem>>
      %dma_start3A_231 = arith.constant 0 : i32
      %dma_start3A_232 = tpu.memref_slice %arg4[%add3A_220, %dma_start3A_231] : memref<802816x128xi32, #tpu.memory_space<hbm>> -> memref<128x128xi32, #tpu.memory_space<hbm>>
      %dma_start3A_233 = arith.constant 0 : i32
      %dma_start3A_234 = arith.constant 0 : i32
      %dma_start3A_235 = tpu.memref_slice %arg6[%dma_start3A_221, %dma_start3A_233, %dma_start3A_234] : memref<4x128x128xi32, #tpu.memory_space<vmem>> -> memref<1x128x128xi32, #tpu.memory_space<vmem>>
      %dma_start3A_236 = tpu.memref_squeeze %dma_start3A_235 : memref<1x128x128xi32, #tpu.memory_space<vmem>> -> memref<128x128xi32, #tpu.memory_space<vmem>>
      tpu.enqueue_dma source(%dma_start3A_236 : memref<128x128xi32, #tpu.memory_space<vmem>>) target(%dma_start3A_232 : memref<128x128xi32, #tpu.memory_space<hbm>>) target_semaphore(%dma_start3A_230 : memref<!tpu.dma_semaphore, #tpu.memory_space<semaphore_mem>>)
      %add3A_237 = arith.constant 3 : i32
      %add3A_238 = arith.addi %add3A_203, %add3A_237 : i32
      %lt3A_239 = arith.constant 196 : i32
      %lt3A_240 = arith.cmpi slt, %add3A_238, %lt3A_239 : i32
      %convert_element_type3A_241 = arith.extui %lt3A_240 : i1 to i32
      %cond3A_242 = arith.constant 0 : i32
      %cond3A_243 = arith.cmpi ne, %convert_element_type3A_241, %cond3A_242 : i32
      scf.if %cond3A_243 {
        %ge3A = arith.constant 1 : i32
        %ge3A_286 = arith.cmpi sge, %add3A_203, %ge3A : i32
        %convert_element_type3A_287 = arith.extui %ge3A_286 : i1 to i32
        %cond3A_288 = arith.constant 0 : i32
        %cond3A_289 = arith.cmpi ne, %convert_element_type3A_287, %cond3A_288 : i32
        scf.if %cond3A_289 {
          %sub3A = arith.constant 1 : i32
          %sub3A_306 = arith.subi %add3A_203, %sub3A : i32
          %mul3A_307 = arith.constant 128 : i32
          %mul3A_308 = arith.muli %sub3A_306, %mul3A_307 : i32
          %add3A_309 = arith.addi %mul3A_2, %mul3A_308 : i32
          %dma_wait3A_310 = arith.constant 1 : i32
          %dma_wait3A_311 = arith.constant 1 : i32
          %dma_wait3A_312 = arith.constant 0 : i32
          %dma_wait3A_313 = arith.constant 0 : i32
          %dma_wait3A_314 = tpu.memref_slice %arg6[%dma_wait3A_310, %dma_wait3A_312, %dma_wait3A_313] : memref<4x128x128xi32, #tpu.memory_space<vmem>> -> memref<1x128x128xi32, #tpu.memory_space<vmem>>
          %dma_wait3A_315 = tpu.memref_squeeze %dma_wait3A_314 : memref<1x128x128xi32, #tpu.memory_space<vmem>> -> memref<128x128xi32, #tpu.memory_space<vmem>>
          %dma_wait3A_316 = arith.constant 0 : i32
          %dma_wait3A_317 = tpu.memref_slice %arg4[%add3A_309, %dma_wait3A_316] : memref<802816x128xi32, #tpu.memory_space<hbm>> -> memref<128x128xi32, #tpu.memory_space<hbm>>
          %dma_wait3A_318 = tpu.memref_slice %arg8[%dma_wait3A_311] : memref<4x!tpu.dma_semaphore, #tpu.memory_space<semaphore_mem>> -> memref<1x!tpu.dma_semaphore, #tpu.memory_space<semaphore_mem>>
          %dma_wait3A_319 = tpu.memref_squeeze %dma_wait3A_318 : memref<1x!tpu.dma_semaphore, #tpu.memory_space<semaphore_mem>> -> memref<!tpu.dma_semaphore, #tpu.memory_space<semaphore_mem>>
          %dma_wait3A_320 = arith.constant 0 : i32
          %dma_wait3A_321 = tpu.memref_slice %arg4[%add3A_309, %dma_wait3A_320] : memref<802816x128xi32, #tpu.memory_space<hbm>> -> memref<128x128xi32, #tpu.memory_space<hbm>>
          %dma_wait3A_322 = arith.constant 0 : i32
          %dma_wait3A_323 = arith.constant 0 : i32
          %dma_wait3A_324 = tpu.memref_slice %arg6[%dma_wait3A_310, %dma_wait3A_322, %dma_wait3A_323] : memref<4x128x128xi32, #tpu.memory_space<vmem>> -> memref<1x128x128xi32, #tpu.memory_space<vmem>>
          %dma_wait3A_325 = tpu.memref_squeeze %dma_wait3A_324 : memref<1x128x128xi32, #tpu.memory_space<vmem>> -> memref<128x128xi32, #tpu.memory_space<vmem>>
          tpu.wait_dma2 semaphore(%dma_wait3A_319 : memref<!tpu.dma_semaphore, #tpu.memory_space<semaphore_mem>>) src(%dma_wait3A_325 : memref<128x128xi32, #tpu.memory_space<vmem>>) dst(%dma_wait3A_321 : memref<128x128xi32, #tpu.memory_space<hbm>>)
        } else {
        }
        %add3A_290 = arith.constant 3 : i32
        %add3A_291 = arith.addi %add3A_203, %add3A_290 : i32
        %mul3A_292 = arith.constant 128 : i32
        %mul3A_293 = arith.muli %add3A_291, %mul3A_292 : i32
        %dma_start3A_294 = arith.constant 1 : i32
        %dma_start3A_295 = arith.constant 1 : i32
        %dma_start3A_296 = arith.constant 0 : i32
        %dma_start3A_297 = arith.constant 0 : i32
        %dma_start3A_298 = tpu.memref_slice %arg6[%dma_start3A_294, %dma_start3A_296, %dma_start3A_297] : memref<4x128x128xi32, #tpu.memory_space<vmem>> -> memref<1x128x128xi32, #tpu.memory_space<vmem>>
        %dma_start3A_299 = tpu.memref_squeeze %dma_start3A_298 : memref<1x128x128xi32, #tpu.memory_space<vmem>> -> memref<128x128xi32, #tpu.memory_space<vmem>>
        %dma_start3A_300 = tpu.memref_slice %arg5[%mul3A_293] : memref<25088xi32, #tpu.memory_space<vmem>> -> memref<128xi32, #tpu.memory_space<vmem>>
        %dma_start3A_301 = arith.constant 0 : i32
        %dma_start3A_302 = arith.constant 0 : i32
        %dma_start3A_303 = tpu.memref_slice %arg2[%dma_start3A_301, %dma_start3A_302] : memref<50176x128xi32, #tpu.memory_space<hbm>> -> memref<50176x128xi32, #tpu.memory_space<hbm>>
        %dma_start3A_304 = tpu.memref_slice %arg7[%dma_start3A_295] : memref<4x!tpu.dma_semaphore, #tpu.memory_space<semaphore_mem>> -> memref<1x!tpu.dma_semaphore, #tpu.memory_space<semaphore_mem>>
        %dma_start3A_305 = tpu.memref_squeeze %dma_start3A_304 : memref<1x!tpu.dma_semaphore, #tpu.memory_space<semaphore_mem>> -> memref<!tpu.dma_semaphore, #tpu.memory_space<semaphore_mem>>
        tpu.enqueue_indirect_dma source(%dma_start3A_303 : memref<50176x128xi32, #tpu.memory_space<hbm>>) target(%dma_start3A_299 : memref<128x128xi32, #tpu.memory_space<vmem>>) offsets(%dma_start3A_300 : memref<128xi32, #tpu.memory_space<vmem>>) semaphore(%dma_start3A_305 : memref<!tpu.dma_semaphore, #tpu.memory_space<semaphore_mem>>)
      } else {
      }
      %add3A_244 = arith.constant 3 : i32
      %add3A_245 = arith.addi %add3A_120, %add3A_244 : i32
      %mul3A_246 = arith.constant 128 : i32
      %mul3A_247 = arith.muli %add3A_245, %mul3A_246 : i32
      %dma_wait3A_248 = arith.constant 3 : i32
      %dma_wait3A_249 = arith.constant 3 : i32
      %dma_wait3A_250 = arith.constant 0 : i32
      %dma_wait3A_251 = arith.constant 0 : i32
      %dma_wait3A_252 = tpu.memref_slice %arg6[%dma_wait3A_248, %dma_wait3A_250, %dma_wait3A_251] : memref<4x128x128xi32, #tpu.memory_space<vmem>> -> memref<1x128x128xi32, #tpu.memory_space<vmem>>
      %dma_wait3A_253 = tpu.memref_squeeze %dma_wait3A_252 : memref<1x128x128xi32, #tpu.memory_space<vmem>> -> memref<128x128xi32, #tpu.memory_space<vmem>>
      %dma_wait3A_254 = tpu.memref_slice %arg5[%mul3A_247] : memref<25088xi32, #tpu.memory_space<vmem>> -> memref<128xi32, #tpu.memory_space<vmem>>
      %dma_wait3A_255 = arith.constant 0 : i32
      %dma_wait3A_256 = arith.constant 0 : i32
      %dma_wait3A_257 = tpu.memref_slice %arg2[%dma_wait3A_255, %dma_wait3A_256] : memref<50176x128xi32, #tpu.memory_space<hbm>> -> memref<50176x128xi32, #tpu.memory_space<hbm>>
      %dma_wait3A_258 = tpu.memref_slice %arg7[%dma_wait3A_249] : memref<4x!tpu.dma_semaphore, #tpu.memory_space<semaphore_mem>> -> memref<1x!tpu.dma_semaphore, #tpu.memory_space<semaphore_mem>>
      %dma_wait3A_259 = tpu.memref_squeeze %dma_wait3A_258 : memref<1x!tpu.dma_semaphore, #tpu.memory_space<semaphore_mem>> -> memref<!tpu.dma_semaphore, #tpu.memory_space<semaphore_mem>>
      tpu.wait_indirect_dma semaphore(%dma_wait3A_259 : memref<!tpu.dma_semaphore, #tpu.memory_space<semaphore_mem>>) src(%dma_wait3A_257 : memref<50176x128xi32, #tpu.memory_space<hbm>>) dst(%dma_wait3A_253 : memref<128x128xi32, #tpu.memory_space<vmem>>)
      %mul3A_260 = arith.constant 128 : i32
      %mul3A_261 = arith.muli %add3A_245, %mul3A_260 : i32
      %add3A_262 = arith.addi %mul3A_2, %mul3A_261 : i32
      %dma_start3A_263 = arith.constant 3 : i32
      %dma_start3A_264 = arith.constant 3 : i32
      %dma_start3A_265 = arith.constant 0 : i32
      %dma_start3A_266 = arith.constant 0 : i32
      %dma_start3A_267 = tpu.memref_slice %arg6[%dma_start3A_263, %dma_start3A_265, %dma_start3A_266] : memref<4x128x128xi32, #tpu.memory_space<vmem>> -> memref<1x128x128xi32, #tpu.memory_space<vmem>>
      %dma_start3A_268 = tpu.memref_squeeze %dma_start3A_267 : memref<1x128x128xi32, #tpu.memory_space<vmem>> -> memref<128x128xi32, #tpu.memory_space<vmem>>
      %dma_start3A_269 = arith.constant 0 : i32
      %dma_start3A_270 = tpu.memref_slice %arg4[%add3A_262, %dma_start3A_269] : memref<802816x128xi32, #tpu.memory_space<hbm>> -> memref<128x128xi32, #tpu.memory_space<hbm>>
      %dma_start3A_271 = tpu.memref_slice %arg8[%dma_start3A_264] : memref<4x!tpu.dma_semaphore, #tpu.memory_space<semaphore_mem>> -> memref<1x!tpu.dma_semaphore, #tpu.memory_space<semaphore_mem>>
      %dma_start3A_272 = tpu.memref_squeeze %dma_start3A_271 : memref<1x!tpu.dma_semaphore, #tpu.memory_space<semaphore_mem>> -> memref<!tpu.dma_semaphore, #tpu.memory_space<semaphore_mem>>
      %dma_start3A_273 = arith.constant 0 : i32
      %dma_start3A_274 = tpu.memref_slice %arg4[%add3A_262, %dma_start3A_273] : memref<802816x128xi32, #tpu.memory_space<hbm>> -> memref<128x128xi32, #tpu.memory_space<hbm>>
      %dma_start3A_275 = arith.constant 0 : i32
      %dma_start3A_276 = arith.constant 0 : i32
      %dma_start3A_277 = tpu.memref_slice %arg6[%dma_start3A_263, %dma_start3A_275, %dma_start3A_276] : memref<4x128x128xi32, #tpu.memory_space<vmem>> -> memref<1x128x128xi32, #tpu.memory_space<vmem>>
      %dma_start3A_278 = tpu.memref_squeeze %dma_start3A_277 : memref<1x128x128xi32, #tpu.memory_space<vmem>> -> memref<128x128xi32, #tpu.memory_space<vmem>>
      tpu.enqueue_dma source(%dma_start3A_278 : memref<128x128xi32, #tpu.memory_space<vmem>>) target(%dma_start3A_274 : memref<128x128xi32, #tpu.memory_space<hbm>>) target_semaphore(%dma_start3A_272 : memref<!tpu.dma_semaphore, #tpu.memory_space<semaphore_mem>>)
      %add3A_279 = arith.constant 3 : i32
      %add3A_280 = arith.addi %add3A_245, %add3A_279 : i32
      %lt3A_281 = arith.constant 196 : i32
      %lt3A_282 = arith.cmpi slt, %add3A_280, %lt3A_281 : i32
      %convert_element_type3A_283 = arith.extui %lt3A_282 : i1 to i32
      %cond3A_284 = arith.constant 0 : i32
      %cond3A_285 = arith.cmpi ne, %convert_element_type3A_283, %cond3A_284 : i32
      scf.if %cond3A_285 {
        %ge3A = arith.constant 1 : i32
        %ge3A_286 = arith.cmpi sge, %add3A_245, %ge3A : i32
        %convert_element_type3A_287 = arith.extui %ge3A_286 : i1 to i32
        %cond3A_288 = arith.constant 0 : i32
        %cond3A_289 = arith.cmpi ne, %convert_element_type3A_287, %cond3A_288 : i32
        scf.if %cond3A_289 {
          %sub3A = arith.constant 1 : i32
          %sub3A_306 = arith.subi %add3A_245, %sub3A : i32
          %mul3A_307 = arith.constant 128 : i32
          %mul3A_308 = arith.muli %sub3A_306, %mul3A_307 : i32
          %add3A_309 = arith.addi %mul3A_2, %mul3A_308 : i32
          %dma_wait3A_310 = arith.constant 2 : i32
          %dma_wait3A_311 = arith.constant 2 : i32
          %dma_wait3A_312 = arith.constant 0 : i32
          %dma_wait3A_313 = arith.constant 0 : i32
          %dma_wait3A_314 = tpu.memref_slice %arg6[%dma_wait3A_310, %dma_wait3A_312, %dma_wait3A_313] : memref<4x128x128xi32, #tpu.memory_space<vmem>> -> memref<1x128x128xi32, #tpu.memory_space<vmem>>
          %dma_wait3A_315 = tpu.memref_squeeze %dma_wait3A_314 : memref<1x128x128xi32, #tpu.memory_space<vmem>> -> memref<128x128xi32, #tpu.memory_space<vmem>>
          %dma_wait3A_316 = arith.constant 0 : i32
          %dma_wait3A_317 = tpu.memref_slice %arg4[%add3A_309, %dma_wait3A_316] : memref<802816x128xi32, #tpu.memory_space<hbm>> -> memref<128x128xi32, #tpu.memory_space<hbm>>
          %dma_wait3A_318 = tpu.memref_slice %arg8[%dma_wait3A_311] : memref<4x!tpu.dma_semaphore, #tpu.memory_space<semaphore_mem>> -> memref<1x!tpu.dma_semaphore, #tpu.memory_space<semaphore_mem>>
          %dma_wait3A_319 = tpu.memref_squeeze %dma_wait3A_318 : memref<1x!tpu.dma_semaphore, #tpu.memory_space<semaphore_mem>> -> memref<!tpu.dma_semaphore, #tpu.memory_space<semaphore_mem>>
          %dma_wait3A_320 = arith.constant 0 : i32
          %dma_wait3A_321 = tpu.memref_slice %arg4[%add3A_309, %dma_wait3A_320] : memref<802816x128xi32, #tpu.memory_space<hbm>> -> memref<128x128xi32, #tpu.memory_space<hbm>>
          %dma_wait3A_322 = arith.constant 0 : i32
          %dma_wait3A_323 = arith.constant 0 : i32
          %dma_wait3A_324 = tpu.memref_slice %arg6[%dma_wait3A_310, %dma_wait3A_322, %dma_wait3A_323] : memref<4x128x128xi32, #tpu.memory_space<vmem>> -> memref<1x128x128xi32, #tpu.memory_space<vmem>>
          %dma_wait3A_325 = tpu.memref_squeeze %dma_wait3A_324 : memref<1x128x128xi32, #tpu.memory_space<vmem>> -> memref<128x128xi32, #tpu.memory_space<vmem>>
          tpu.wait_dma2 semaphore(%dma_wait3A_319 : memref<!tpu.dma_semaphore, #tpu.memory_space<semaphore_mem>>) src(%dma_wait3A_325 : memref<128x128xi32, #tpu.memory_space<vmem>>) dst(%dma_wait3A_321 : memref<128x128xi32, #tpu.memory_space<hbm>>)
        } else {
        }
        %add3A_290 = arith.constant 3 : i32
        %add3A_291 = arith.addi %add3A_245, %add3A_290 : i32
        %mul3A_292 = arith.constant 128 : i32
        %mul3A_293 = arith.muli %add3A_291, %mul3A_292 : i32
        %dma_start3A_294 = arith.constant 2 : i32
        %dma_start3A_295 = arith.constant 2 : i32
        %dma_start3A_296 = arith.constant 0 : i32
        %dma_start3A_297 = arith.constant 0 : i32
        %dma_start3A_298 = tpu.memref_slice %arg6[%dma_start3A_294, %dma_start3A_296, %dma_start3A_297] : memref<4x128x128xi32, #tpu.memory_space<vmem>> -> memref<1x128x128xi32, #tpu.memory_space<vmem>>
        %dma_start3A_299 = tpu.memref_squeeze %dma_start3A_298 : memref<1x128x128xi32, #tpu.memory_space<vmem>> -> memref<128x128xi32, #tpu.memory_space<vmem>>
        %dma_start3A_300 = tpu.memref_slice %arg5[%mul3A_293] : memref<25088xi32, #tpu.memory_space<vmem>> -> memref<128xi32, #tpu.memory_space<vmem>>
        %dma_start3A_301 = arith.constant 0 : i32
        %dma_start3A_302 = arith.constant 0 : i32
        %dma_start3A_303 = tpu.memref_slice %arg2[%dma_start3A_301, %dma_start3A_302] : memref<50176x128xi32, #tpu.memory_space<hbm>> -> memref<50176x128xi32, #tpu.memory_space<hbm>>
        %dma_start3A_304 = tpu.memref_slice %arg7[%dma_start3A_295] : memref<4x!tpu.dma_semaphore, #tpu.memory_space<semaphore_mem>> -> memref<1x!tpu.dma_semaphore, #tpu.memory_space<semaphore_mem>>
        %dma_start3A_305 = tpu.memref_squeeze %dma_start3A_304 : memref<1x!tpu.dma_semaphore, #tpu.memory_space<semaphore_mem>> -> memref<!tpu.dma_semaphore, #tpu.memory_space<semaphore_mem>>
        tpu.enqueue_indirect_dma source(%dma_start3A_303 : memref<50176x128xi32, #tpu.memory_space<hbm>>) target(%dma_start3A_299 : memref<128x128xi32, #tpu.memory_space<vmem>>) offsets(%dma_start3A_300 : memref<128xi32, #tpu.memory_space<vmem>>) semaphore(%dma_start3A_305 : memref<!tpu.dma_semaphore, #tpu.memory_space<semaphore_mem>>)
      } else {
      }
    }
    %scan3A_44 = arith.constant 49 : i32
    %add3A_45 = arith.constant 24576 : i32
    %add3A_46 = arith.addi %mul3A_2, %add3A_45 : i32
    %dma_wait3A = arith.constant 0 : i32
    %dma_wait3A_47 = arith.constant 0 : i32
    %dma_wait3A_48 = arith.constant 0 : i32
    %dma_wait3A_49 = arith.constant 0 : i32
    %dma_wait3A_50 = tpu.memref_slice %arg6[%dma_wait3A, %dma_wait3A_48, %dma_wait3A_49] : memref<4x128x128xi32, #tpu.memory_space<vmem>> -> memref<1x128x128xi32, #tpu.memory_space<vmem>>
    %dma_wait3A_51 = tpu.memref_squeeze %dma_wait3A_50 : memref<1x128x128xi32, #tpu.memory_space<vmem>> -> memref<128x128xi32, #tpu.memory_space<vmem>>
    %dma_wait3A_52 = arith.constant 0 : i32
    %dma_wait3A_53 = tpu.memref_slice %arg4[%add3A_46, %dma_wait3A_52] : memref<802816x128xi32, #tpu.memory_space<hbm>> -> memref<128x128xi32, #tpu.memory_space<hbm>>
    %dma_wait3A_54 = tpu.memref_slice %arg8[%dma_wait3A_47] : memref<4x!tpu.dma_semaphore, #tpu.memory_space<semaphore_mem>> -> memref<1x!tpu.dma_semaphore, #tpu.memory_space<semaphore_mem>>
    %dma_wait3A_55 = tpu.memref_squeeze %dma_wait3A_54 : memref<1x!tpu.dma_semaphore, #tpu.memory_space<semaphore_mem>> -> memref<!tpu.dma_semaphore, #tpu.memory_space<semaphore_mem>>
    %dma_wait3A_56 = arith.constant 0 : i32
    %dma_wait3A_57 = tpu.memref_slice %arg4[%add3A_46, %dma_wait3A_56] : memref<802816x128xi32, #tpu.memory_space<hbm>> -> memref<128x128xi32, #tpu.memory_space<hbm>>
    %dma_wait3A_58 = arith.constant 0 : i32
    %dma_wait3A_59 = arith.constant 0 : i32
    %dma_wait3A_60 = tpu.memref_slice %arg6[%dma_wait3A, %dma_wait3A_58, %dma_wait3A_59] : memref<4x128x128xi32, #tpu.memory_space<vmem>> -> memref<1x128x128xi32, #tpu.memory_space<vmem>>
    %dma_wait3A_61 = tpu.memref_squeeze %dma_wait3A_60 : memref<1x128x128xi32, #tpu.memory_space<vmem>> -> memref<128x128xi32, #tpu.memory_space<vmem>>
    tpu.wait_dma2 semaphore(%dma_wait3A_55 : memref<!tpu.dma_semaphore, #tpu.memory_space<semaphore_mem>>) src(%dma_wait3A_61 : memref<128x128xi32, #tpu.memory_space<vmem>>) dst(%dma_wait3A_57 : memref<128x128xi32, #tpu.memory_space<hbm>>)
    %add3A_62 = arith.constant 24704 : i32
    %add3A_63 = arith.addi %mul3A_2, %add3A_62 : i32
    %dma_wait3A_64 = arith.constant 1 : i32
    %dma_wait3A_65 = arith.constant 1 : i32
    %dma_wait3A_66 = arith.constant 0 : i32
    %dma_wait3A_67 = arith.constant 0 : i32
    %dma_wait3A_68 = tpu.memref_slice %arg6[%dma_wait3A_64, %dma_wait3A_66, %dma_wait3A_67] : memref<4x128x128xi32, #tpu.memory_space<vmem>> -> memref<1x128x128xi32, #tpu.memory_space<vmem>>
    %dma_wait3A_69 = tpu.memref_squeeze %dma_wait3A_68 : memref<1x128x128xi32, #tpu.memory_space<vmem>> -> memref<128x128xi32, #tpu.memory_space<vmem>>
    %dma_wait3A_70 = arith.constant 0 : i32
    %dma_wait3A_71 = tpu.memref_slice %arg4[%add3A_63, %dma_wait3A_70] : memref<802816x128xi32, #tpu.memory_space<hbm>> -> memref<128x128xi32, #tpu.memory_space<hbm>>
    %dma_wait3A_72 = tpu.memref_slice %arg8[%dma_wait3A_65] : memref<4x!tpu.dma_semaphore, #tpu.memory_space<semaphore_mem>> -> memref<1x!tpu.dma_semaphore, #tpu.memory_space<semaphore_mem>>
    %dma_wait3A_73 = tpu.memref_squeeze %dma_wait3A_72 : memref<1x!tpu.dma_semaphore, #tpu.memory_space<semaphore_mem>> -> memref<!tpu.dma_semaphore, #tpu.memory_space<semaphore_mem>>
    %dma_wait3A_74 = arith.constant 0 : i32
    %dma_wait3A_75 = tpu.memref_slice %arg4[%add3A_63, %dma_wait3A_74] : memref<802816x128xi32, #tpu.memory_space<hbm>> -> memref<128x128xi32, #tpu.memory_space<hbm>>
    %dma_wait3A_76 = arith.constant 0 : i32
    %dma_wait3A_77 = arith.constant 0 : i32
    %dma_wait3A_78 = tpu.memref_slice %arg6[%dma_wait3A_64, %dma_wait3A_76, %dma_wait3A_77] : memref<4x128x128xi32, #tpu.memory_space<vmem>> -> memref<1x128x128xi32, #tpu.memory_space<vmem>>
    %dma_wait3A_79 = tpu.memref_squeeze %dma_wait3A_78 : memref<1x128x128xi32, #tpu.memory_space<vmem>> -> memref<128x128xi32, #tpu.memory_space<vmem>>
    tpu.wait_dma2 semaphore(%dma_wait3A_73 : memref<!tpu.dma_semaphore, #tpu.memory_space<semaphore_mem>>) src(%dma_wait3A_79 : memref<128x128xi32, #tpu.memory_space<vmem>>) dst(%dma_wait3A_75 : memref<128x128xi32, #tpu.memory_space<hbm>>)
    %add3A_80 = arith.constant 24832 : i32
    %add3A_81 = arith.addi %mul3A_2, %add3A_80 : i32
    %dma_wait3A_82 = arith.constant 2 : i32
    %dma_wait3A_83 = arith.constant 2 : i32
    %dma_wait3A_84 = arith.constant 0 : i32
    %dma_wait3A_85 = arith.constant 0 : i32
    %dma_wait3A_86 = tpu.memref_slice %arg6[%dma_wait3A_82, %dma_wait3A_84, %dma_wait3A_85] : memref<4x128x128xi32, #tpu.memory_space<vmem>> -> memref<1x128x128xi32, #tpu.memory_space<vmem>>
    %dma_wait3A_87 = tpu.memref_squeeze %dma_wait3A_86 : memref<1x128x128xi32, #tpu.memory_space<vmem>> -> memref<128x128xi32, #tpu.memory_space<vmem>>
    %dma_wait3A_88 = arith.constant 0 : i32
    %dma_wait3A_89 = tpu.memref_slice %arg4[%add3A_81, %dma_wait3A_88] : memref<802816x128xi32, #tpu.memory_space<hbm>> -> memref<128x128xi32, #tpu.memory_space<hbm>>
    %dma_wait3A_90 = tpu.memref_slice %arg8[%dma_wait3A_83] : memref<4x!tpu.dma_semaphore, #tpu.memory_space<semaphore_mem>> -> memref<1x!tpu.dma_semaphore, #tpu.memory_space<semaphore_mem>>
    %dma_wait3A_91 = tpu.memref_squeeze %dma_wait3A_90 : memref<1x!tpu.dma_semaphore, #tpu.memory_space<semaphore_mem>> -> memref<!tpu.dma_semaphore, #tpu.memory_space<semaphore_mem>>
    %dma_wait3A_92 = arith.constant 0 : i32
    %dma_wait3A_93 = tpu.memref_slice %arg4[%add3A_81, %dma_wait3A_92] : memref<802816x128xi32, #tpu.memory_space<hbm>> -> memref<128x128xi32, #tpu.memory_space<hbm>>
    %dma_wait3A_94 = arith.constant 0 : i32
    %dma_wait3A_95 = arith.constant 0 : i32
    %dma_wait3A_96 = tpu.memref_slice %arg6[%dma_wait3A_82, %dma_wait3A_94, %dma_wait3A_95] : memref<4x128x128xi32, #tpu.memory_space<vmem>> -> memref<1x128x128xi32, #tpu.memory_space<vmem>>
    %dma_wait3A_97 = tpu.memref_squeeze %dma_wait3A_96 : memref<1x128x128xi32, #tpu.memory_space<vmem>> -> memref<128x128xi32, #tpu.memory_space<vmem>>
    tpu.wait_dma2 semaphore(%dma_wait3A_91 : memref<!tpu.dma_semaphore, #tpu.memory_space<semaphore_mem>>) src(%dma_wait3A_97 : memref<128x128xi32, #tpu.memory_space<vmem>>) dst(%dma_wait3A_93 : memref<128x128xi32, #tpu.memory_space<hbm>>)
    %add3A_98 = arith.constant 24960 : i32
    %add3A_99 = arith.addi %mul3A_2, %add3A_98 : i32
    %dma_wait3A_100 = arith.constant 3 : i32
    %dma_wait3A_101 = arith.constant 3 : i32
    %dma_wait3A_102 = arith.constant 0 : i32
    %dma_wait3A_103 = arith.constant 0 : i32
    %dma_wait3A_104 = tpu.memref_slice %arg6[%dma_wait3A_100, %dma_wait3A_102, %dma_wait3A_103] : memref<4x128x128xi32, #tpu.memory_space<vmem>> -> memref<1x128x128xi32, #tpu.memory_space<vmem>>
    %dma_wait3A_105 = tpu.memref_squeeze %dma_wait3A_104 : memref<1x128x128xi32, #tpu.memory_space<vmem>> -> memref<128x128xi32, #tpu.memory_space<vmem>>
    %dma_wait3A_106 = arith.constant 0 : i32
    %dma_wait3A_107 = tpu.memref_slice %arg4[%add3A_99, %dma_wait3A_106] : memref<802816x128xi32, #tpu.memory_space<hbm>> -> memref<128x128xi32, #tpu.memory_space<hbm>>
    %dma_wait3A_108 = tpu.memref_slice %arg8[%dma_wait3A_101] : memref<4x!tpu.dma_semaphore, #tpu.memory_space<semaphore_mem>> -> memref<1x!tpu.dma_semaphore, #tpu.memory_space<semaphore_mem>>
    %dma_wait3A_109 = tpu.memref_squeeze %dma_wait3A_108 : memref<1x!tpu.dma_semaphore, #tpu.memory_space<semaphore_mem>> -> memref<!tpu.dma_semaphore, #tpu.memory_space<semaphore_mem>>
    %dma_wait3A_110 = arith.constant 0 : i32
    %dma_wait3A_111 = tpu.memref_slice %arg4[%add3A_99, %dma_wait3A_110] : memref<802816x128xi32, #tpu.memory_space<hbm>> -> memref<128x128xi32, #tpu.memory_space<hbm>>
    %dma_wait3A_112 = arith.constant 0 : i32
    %dma_wait3A_113 = arith.constant 0 : i32
    %dma_wait3A_114 = tpu.memref_slice %arg6[%dma_wait3A_100, %dma_wait3A_112, %dma_wait3A_113] : memref<4x128x128xi32, #tpu.memory_space<vmem>> -> memref<1x128x128xi32, #tpu.memory_space<vmem>>
    %dma_wait3A_115 = tpu.memref_squeeze %dma_wait3A_114 : memref<1x128x128xi32, #tpu.memory_space<vmem>> -> memref<128x128xi32, #tpu.memory_space<vmem>>
    tpu.wait_dma2 semaphore(%dma_wait3A_109 : memref<!tpu.dma_semaphore, #tpu.memory_space<semaphore_mem>>) src(%dma_wait3A_115 : memref<128x128xi32, #tpu.memory_space<vmem>>) dst(%dma_wait3A_111 : memref<128x128xi32, #tpu.memory_space<hbm>>)
    return
  }
}

#map = affine_map<(d0, d1) -> (0, 0)>
module attributes {stable_mosaic.version = 14 : i64} {
  func.func @k(%arg0: i32, %arg1: i32, %arg2: memref<50176x128xi32, #tpu.memory_space<hbm>>, %arg3: memref<1x802816xi32, #tpu.memory_space<hbm>>, %arg4: memref<802816x128xi32, #tpu.memory_space<hbm>>, %arg5: memref<25088xi32, #tpu.memory_space<vmem>>, %arg6: memref<4x128x128xi32, #tpu.memory_space<vmem>>, %arg7: memref<4x!tpu.dma_semaphore, #tpu.memory_space<semaphore_mem>>, %arg8: memref<4x!tpu.dma_semaphore, #tpu.memory_space<semaphore_mem>>) attributes {dimension_semantics = [#tpu.dimension_semantics<core_parallel>, #tpu.dimension_semantics<subcore_parallel>], iteration_bounds = array<i64: 2, 16>, scalar_prefetch = 0 : i64, scratch_operands = 4 : i64, tpu.core_type = #tpu.core_type<sc_vector_subcore>, window_params = [{transform_indices = #map}, {transform_indices = #map}, {transform_indices = #map}]} {
    %mul3A = arith.constant 2 : i32
    %mul3A_0 = arith.muli %arg1, %mul3A : i32
    %add3A = arith.addi %mul3A_0, %arg0 : i32
    %mul3A_1 = arith.constant 25088 : i32
    %mul3A_2 = arith.muli %add3A, %mul3A_1 : i32
    %run_scoped3A = arith.constant 0 : i32
    "tpu.region"() ({
      %run_scoped3A_116 = tpu.sem_alloc : memref<!tpu.dma_semaphore, #tpu.memory_space<semaphore_mem>>
      %dma_start3A_117 = tpu.memref_slice %arg3[%run_scoped3A, %mul3A_2] : memref<1x802816xi32, #tpu.memory_space<hbm>> -> memref<1x25088xi32, #tpu.memory_space<hbm>>
      %dma_start3A_118 = tpu.memref_squeeze %dma_start3A_117 : memref<1x25088xi32, #tpu.memory_space<hbm>> -> memref<25088xi32, #tpu.memory_space<hbm>>
      %dma_start3A_119 = tpu.memref_slice %arg3[%run_scoped3A, %mul3A_2] : memref<1x802816xi32, #tpu.memory_space<hbm>> -> memref<1x25088xi32, #tpu.memory_space<hbm>>
      %dma_start3A_120 = tpu.memref_squeeze %dma_start3A_119 : memref<1x25088xi32, #tpu.memory_space<hbm>> -> memref<25088xi32, #tpu.memory_space<hbm>>
      tpu.enqueue_dma source(%dma_start3A_120 : memref<25088xi32, #tpu.memory_space<hbm>>) target(%arg5 : memref<25088xi32, #tpu.memory_space<vmem>>) target_semaphore(%run_scoped3A_116 : memref<!tpu.dma_semaphore, #tpu.memory_space<semaphore_mem>>)
      %dma_wait3A_121 = tpu.memref_slice %arg3[%run_scoped3A, %mul3A_2] : memref<1x802816xi32, #tpu.memory_space<hbm>> -> memref<1x25088xi32, #tpu.memory_space<hbm>>
      %dma_wait3A_122 = tpu.memref_squeeze %dma_wait3A_121 : memref<1x25088xi32, #tpu.memory_space<hbm>> -> memref<25088xi32, #tpu.memory_space<hbm>>
      %dma_wait3A_123 = tpu.memref_slice %arg3[%run_scoped3A, %mul3A_2] : memref<1x802816xi32, #tpu.memory_space<hbm>> -> memref<1x25088xi32, #tpu.memory_space<hbm>>
      %dma_wait3A_124 = tpu.memref_squeeze %dma_wait3A_123 : memref<1x25088xi32, #tpu.memory_space<hbm>> -> memref<25088xi32, #tpu.memory_space<hbm>>
      tpu.wait_dma2 semaphore(%run_scoped3A_116 : memref<!tpu.dma_semaphore, #tpu.memory_space<semaphore_mem>>) src(%dma_wait3A_124 : memref<25088xi32, #tpu.memory_space<hbm>>) dst(%arg5 : memref<25088xi32, #tpu.memory_space<vmem>>)
      tpu.yield
    }) : () -> ()
    %dma_start3A = arith.constant 0 : i32
    %dma_start3A_3 = arith.constant 0 : i32
    %dma_start3A_4 = arith.constant 0 : i32
    %dma_start3A_5 = arith.constant 0 : i32
    %dma_start3A_6 = tpu.memref_slice %arg6[%dma_start3A, %dma_start3A_4, %dma_start3A_5] : memref<4x128x128xi32, #tpu.memory_space<vmem>> -> memref<1x128x128xi32, #tpu.memory_space<vmem>>
    %dma_start3A_7 = tpu.memref_squeeze %dma_start3A_6 : memref<1x128x128xi32, #tpu.memory_space<vmem>> -> memref<128x128xi32, #tpu.memory_space<vmem>>
    %dma_start3A_8 = arith.constant 0 : i32
    %dma_start3A_9 = tpu.memref_slice %arg5[%dma_start3A_8] : memref<25088xi32, #tpu.memory_space<vmem>> -> memref<128xi32, #tpu.memory_space<vmem>>
    %dma_start3A_10 = arith.constant 0 : i32
    %dma_start3A_11 = arith.constant 0 : i32
    %dma_start3A_12 = tpu.memref_slice %arg2[%dma_start3A_10, %dma_start3A_11] : memref<50176x128xi32, #tpu.memory_space<hbm>> -> memref<50176x128xi32, #tpu.memory_space<hbm>>
    %dma_start3A_13 = tpu.memref_slice %arg7[%dma_start3A_3] : memref<4x!tpu.dma_semaphore, #tpu.memory_space<semaphore_mem>> -> memref<1x!tpu.dma_semaphore, #tpu.memory_space<semaphore_mem>>
    %dma_start3A_14 = tpu.memref_squeeze %dma_start3A_13 : memref<1x!tpu.dma_semaphore, #tpu.memory_space<semaphore_mem>> -> memref<!tpu.dma_semaphore, #tpu.memory_space<semaphore_mem>>
    tpu.enqueue_indirect_dma source(%dma_start3A_12 : memref<50176x128xi32, #tpu.memory_space<hbm>>) target(%dma_start3A_7 : memref<128x128xi32, #tpu.memory_space<vmem>>) offsets(%dma_start3A_9 : memref<128xi32, #tpu.memory_space<vmem>>) semaphore(%dma_start3A_14 : memref<!tpu.dma_semaphore, #tpu.memory_space<semaphore_mem>>)
    %dma_start3A_15 = arith.constant 1 : i32
    %dma_start3A_16 = arith.constant 1 : i32
    %dma_start3A_17 = arith.constant 0 : i32
    %dma_start3A_18 = arith.constant 0 : i32
    %dma_start3A_19 = tpu.memref_slice %arg6[%dma_start3A_15, %dma_start3A_17, %dma_start3A_18] : memref<4x128x128xi32, #tpu.memory_space<vmem>> -> memref<1x128x128xi32, #tpu.memory_space<vmem>>
    %dma_start3A_20 = tpu.memref_squeeze %dma_start3A_19 : memref<1x128x128xi32, #tpu.memory_space<vmem>> -> memref<128x128xi32, #tpu.memory_space<vmem>>
    %dma_start3A_21 = arith.constant 128 : i32
    %dma_start3A_22 = tpu.memref_slice %arg5[%dma_start3A_21] : memref<25088xi32, #tpu.memory_space<vmem>> -> memref<128xi32, #tpu.memory_space<vmem>>
    %dma_start3A_23 = arith.constant 0 : i32
    %dma_start3A_24 = arith.constant 0 : i32
    %dma_start3A_25 = tpu.memref_slice %arg2[%dma_start3A_23, %dma_start3A_24] : memref<50176x128xi32, #tpu.memory_space<hbm>> -> memref<50176x128xi32, #tpu.memory_space<hbm>>
    %dma_start3A_26 = tpu.memref_slice %arg7[%dma_start3A_16] : memref<4x!tpu.dma_semaphore, #tpu.memory_space<semaphore_mem>> -> memref<1x!tpu.dma_semaphore, #tpu.memory_space<semaphore_mem>>
    %dma_start3A_27 = tpu.memref_squeeze %dma_start3A_26 : memref<1x!tpu.dma_semaphore, #tpu.memory_space<semaphore_mem>> -> memref<!tpu.dma_semaphore, #tpu.memory_space<semaphore_mem>>
    tpu.enqueue_indirect_dma source(%dma_start3A_25 : memref<50176x128xi32, #tpu.memory_space<hbm>>) target(%dma_start3A_20 : memref<128x128xi32, #tpu.memory_space<vmem>>) offsets(%dma_start3A_22 : memref<128xi32, #tpu.memory_space<vmem>>) semaphore(%dma_start3A_27 : memref<!tpu.dma_semaphore, #tpu.memory_space<semaphore_mem>>)
    %dma_start3A_28 = arith.constant 2 : i32
    %dma_start3A_29 = arith.constant 2 : i32
    %dma_start3A_30 = arith.constant 0 : i32
    %dma_start3A_31 = arith.constant 0 : i32
    %dma_start3A_32 = tpu.memref_slice %arg6[%dma_start3A_28, %dma_start3A_30, %dma_start3A_31] : memref<4x128x128xi32, #tpu.memory_space<vmem>> -> memref<1x128x128xi32, #tpu.memory_space<vmem>>
    %dma_start3A_33 = tpu.memref_squeeze %dma_start3A_32 : memref<1x128x128xi32, #tpu.memory_space<vmem>> -> memref<128x128xi32, #tpu.memory_space<vmem>>
    %dma_start3A_34 = arith.constant 256 : i32
    %dma_start3A_35 = tpu.memref_slice %arg5[%dma_start3A_34] : memref<25088xi32, #tpu.memory_space<vmem>> -> memref<128xi32, #tpu.memory_space<vmem>>
    %dma_start3A_36 = arith.constant 0 : i32
    %dma_start3A_37 = arith.constant 0 : i32
    %dma_start3A_38 = tpu.memref_slice %arg2[%dma_start3A_36, %dma_start3A_37] : memref<50176x128xi32, #tpu.memory_space<hbm>> -> memref<50176x128xi32, #tpu.memory_space<hbm>>
    %dma_start3A_39 = tpu.memref_slice %arg7[%dma_start3A_29] : memref<4x!tpu.dma_semaphore, #tpu.memory_space<semaphore_mem>> -> memref<1x!tpu.dma_semaphore, #tpu.memory_space<semaphore_mem>>
    %dma_start3A_40 = tpu.memref_squeeze %dma_start3A_39 : memref<1x!tpu.dma_semaphore, #tpu.memory_space<semaphore_mem>> -> memref<!tpu.dma_semaphore, #tpu.memory_space<semaphore_mem>>
    tpu.enqueue_indirect_dma source(%dma_start3A_38 : memref<50176x128xi32, #tpu.memory_space<hbm>>) target(%dma_start3A_33 : memref<128x128xi32, #tpu.memory_space<vmem>>) offsets(%dma_start3A_35 : memref<128xi32, #tpu.memory_space<vmem>>) semaphore(%dma_start3A_40 : memref<!tpu.dma_semaphore, #tpu.memory_space<semaphore_mem>>)
    %scan3A = arith.constant 0 : i32
    %scan3A_41 = arith.constant 49 : i32
    %scan3A_42 = arith.addi %scan3A, %scan3A_41 : i32
    %scan3A_43 = arith.constant 1 : i32
    scf.for %scan3A_116 = %scan3A to %scan3A_42 step %scan3A_43  : i32 {
      %mul3A_117 = arith.constant 4 : i32
      %mul3A_118 = arith.muli %scan3A_116, %mul3A_117 : i32
      %add3A_119 = arith.constant 0 : i32
      %add3A_120 = arith.addi %add3A_119, %mul3A_118 : i32
      %add3A_121 = arith.constant 0 : i32
      %add3A_122 = arith.addi %add3A_120, %add3A_121 : i32
      %mul3A_123 = arith.constant 128 : i32
      %mul3A_124 = arith.muli %add3A_122, %mul3A_123 : i32
      %dma_wait3A_125 = arith.constant 0 : i32
      %dma_wait3A_126 = arith.constant 0 : i32
      %dma_wait3A_127 = arith.constant 0 : i32
      %dma_wait3A_128 = arith.constant 0 : i32
      %dma_wait3A_129 = tpu.memref_slice %arg6[%dma_wait3A_125, %dma_wait3A_127, %dma_wait3A_128] : memref<4x128x128xi32, #tpu.memory_space<vmem>> -> memref<1x128x128xi32, #tpu.memory_space<vmem>>
      %dma_wait3A_130 = tpu.memref_squeeze %dma_wait3A_129 : memref<1x128x128xi32, #tpu.memory_space<vmem>> -> memref<128x128xi32, #tpu.memory_space<vmem>>
      %dma_wait3A_131 = tpu.memref_slice %arg5[%mul3A_124] : memref<25088xi32, #tpu.memory_space<vmem>> -> memref<128xi32, #tpu.memory_space<vmem>>
      %dma_wait3A_132 = arith.constant 0 : i32
      %dma_wait3A_133 = arith.constant 0 : i32
      %dma_wait3A_134 = tpu.memref_slice %arg2[%dma_wait3A_132, %dma_wait3A_133] : memref<50176x128xi32, #tpu.memory_space<hbm>> -> memref<50176x128xi32, #tpu.memory_space<hbm>>
      %dma_wait3A_135 = tpu.memref_slice %arg7[%dma_wait3A_126] : memref<4x!tpu.dma_semaphore, #tpu.memory_space<semaphore_mem>> -> memref<1x!tpu.dma_semaphore, #tpu.memory_space<semaphore_mem>>
      %dma_wait3A_136 = tpu.memref_squeeze %dma_wait3A_135 : memref<1x!tpu.dma_semaphore, #tpu.memory_space<semaphore_mem>> -> memref<!tpu.dma_semaphore, #tpu.memory_space<semaphore_mem>>
      tpu.wait_indirect_dma semaphore(%dma_wait3A_136 : memref<!tpu.dma_semaphore, #tpu.memory_space<semaphore_mem>>) src(%dma_wait3A_134 : memref<50176x128xi32, #tpu.memory_space<hbm>>) dst(%dma_wait3A_130 : memref<128x128xi32, #tpu.memory_space<vmem>>)
      %mul3A_137 = arith.constant 128 : i32
      %mul3A_138 = arith.muli %add3A_122, %mul3A_137 : i32
      %add3A_139 = arith.addi %mul3A_2, %mul3A_138 : i32
      %dma_start3A_140 = arith.constant 0 : i32
      %dma_start3A_141 = arith.constant 0 : i32
      %dma_start3A_142 = arith.constant 0 : i32
      %dma_start3A_143 = arith.constant 0 : i32
      %dma_start3A_144 = tpu.memref_slice %arg6[%dma_start3A_140, %dma_start3A_142, %dma_start3A_143] : memref<4x128x128xi32, #tpu.memory_space<vmem>> -> memref<1x128x128xi32, #tpu.memory_space<vmem>>
      %dma_start3A_145 = tpu.memref_squeeze %dma_start3A_144 : memref<1x128x128xi32, #tpu.memory_space<vmem>> -> memref<128x128xi32, #tpu.memory_space<vmem>>
      %dma_start3A_146 = arith.constant 0 : i32
      %dma_start3A_147 = tpu.memref_slice %arg4[%add3A_139, %dma_start3A_146] : memref<802816x128xi32, #tpu.memory_space<hbm>> -> memref<128x128xi32, #tpu.memory_space<hbm>>
      %dma_start3A_148 = tpu.memref_slice %arg8[%dma_start3A_141] : memref<4x!tpu.dma_semaphore, #tpu.memory_space<semaphore_mem>> -> memref<1x!tpu.dma_semaphore, #tpu.memory_space<semaphore_mem>>
      %dma_start3A_149 = tpu.memref_squeeze %dma_start3A_148 : memref<1x!tpu.dma_semaphore, #tpu.memory_space<semaphore_mem>> -> memref<!tpu.dma_semaphore, #tpu.memory_space<semaphore_mem>>
      %dma_start3A_150 = arith.constant 0 : i32
      %dma_start3A_151 = tpu.memref_slice %arg4[%add3A_139, %dma_start3A_150] : memref<802816x128xi32, #tpu.memory_space<hbm>> -> memref<128x128xi32, #tpu.memory_space<hbm>>
      %dma_start3A_152 = arith.constant 0 : i32
      %dma_start3A_153 = arith.constant 0 : i32
      %dma_start3A_154 = tpu.memref_slice %arg6[%dma_start3A_140, %dma_start3A_152, %dma_start3A_153] : memref<4x128x128xi32, #tpu.memory_space<vmem>> -> memref<1x128x128xi32, #tpu.memory_space<vmem>>
      %dma_start3A_155 = tpu.memref_squeeze %dma_start3A_154 : memref<1x128x128xi32, #tpu.memory_space<vmem>> -> memref<128x128xi32, #tpu.memory_space<vmem>>
      tpu.enqueue_dma source(%dma_start3A_155 : memref<128x128xi32, #tpu.memory_space<vmem>>) target(%dma_start3A_151 : memref<128x128xi32, #tpu.memory_space<hbm>>) target_semaphore(%dma_start3A_149 : memref<!tpu.dma_semaphore, #tpu.memory_space<semaphore_mem>>)
      %add3A_156 = arith.constant 3 : i32
      %add3A_157 = arith.addi %add3A_122, %add3A_156 : i32
      %lt3A = arith.constant 196 : i32
      %lt3A_158 = arith.cmpi slt, %add3A_157, %lt3A : i32
      %convert_element_type3A = arith.extui %lt3A_158 : i1 to i32
      %cond3A = arith.constant 0 : i32
      %cond3A_159 = arith.cmpi ne, %convert_element_type3A, %cond3A : i32
      scf.if %cond3A_159 {
        %ge3A = arith.constant 1 : i32
        %ge3A_286 = arith.cmpi sge, %add3A_122, %ge3A : i32
        %convert_element_type3A_287 = arith.extui %ge3A_286 : i1 to i32
        %cond3A_288 = arith.constant 0 : i32
        %cond3A_289 = arith.cmpi ne, %convert_element_type3A_287, %cond3A_288 : i32
        scf.if %cond3A_289 {
          %sub3A = arith.constant 1 : i32
          %sub3A_306 = arith.subi %add3A_122, %sub3A : i32
          %mul3A_307 = arith.constant 128 : i32
          %mul3A_308 = arith.muli %sub3A_306, %mul3A_307 : i32
          %add3A_309 = arith.addi %mul3A_2, %mul3A_308 : i32
          %dma_wait3A_310 = arith.constant 3 : i32
          %dma_wait3A_311 = arith.constant 3 : i32
          %dma_wait3A_312 = arith.constant 0 : i32
          %dma_wait3A_313 = arith.constant 0 : i32
          %dma_wait3A_314 = tpu.memref_slice %arg6[%dma_wait3A_310, %dma_wait3A_312, %dma_wait3A_313] : memref<4x128x128xi32, #tpu.memory_space<vmem>> -> memref<1x128x128xi32, #tpu.memory_space<vmem>>
          %dma_wait3A_315 = tpu.memref_squeeze %dma_wait3A_314 : memref<1x128x128xi32, #tpu.memory_space<vmem>> -> memref<128x128xi32, #tpu.memory_space<vmem>>
          %dma_wait3A_316 = arith.constant 0 : i32
          %dma_wait3A_317 = tpu.memref_slice %arg4[%add3A_309, %dma_wait3A_316] : memref<802816x128xi32, #tpu.memory_space<hbm>> -> memref<128x128xi32, #tpu.memory_space<hbm>>
          %dma_wait3A_318 = tpu.memref_slice %arg8[%dma_wait3A_311] : memref<4x!tpu.dma_semaphore, #tpu.memory_space<semaphore_mem>> -> memref<1x!tpu.dma_semaphore, #tpu.memory_space<semaphore_mem>>
          %dma_wait3A_319 = tpu.memref_squeeze %dma_wait3A_318 : memref<1x!tpu.dma_semaphore, #tpu.memory_space<semaphore_mem>> -> memref<!tpu.dma_semaphore, #tpu.memory_space<semaphore_mem>>
          %dma_wait3A_320 = arith.constant 0 : i32
          %dma_wait3A_321 = tpu.memref_slice %arg4[%add3A_309, %dma_wait3A_320] : memref<802816x128xi32, #tpu.memory_space<hbm>> -> memref<128x128xi32, #tpu.memory_space<hbm>>
          %dma_wait3A_322 = arith.constant 0 : i32
          %dma_wait3A_323 = arith.constant 0 : i32
          %dma_wait3A_324 = tpu.memref_slice %arg6[%dma_wait3A_310, %dma_wait3A_322, %dma_wait3A_323] : memref<4x128x128xi32, #tpu.memory_space<vmem>> -> memref<1x128x128xi32, #tpu.memory_space<vmem>>
          %dma_wait3A_325 = tpu.memref_squeeze %dma_wait3A_324 : memref<1x128x128xi32, #tpu.memory_space<vmem>> -> memref<128x128xi32, #tpu.memory_space<vmem>>
          tpu.wait_dma2 semaphore(%dma_wait3A_319 : memref<!tpu.dma_semaphore, #tpu.memory_space<semaphore_mem>>) src(%dma_wait3A_325 : memref<128x128xi32, #tpu.memory_space<vmem>>) dst(%dma_wait3A_321 : memref<128x128xi32, #tpu.memory_space<hbm>>)
        } else {
        }
        %add3A_290 = arith.constant 3 : i32
        %add3A_291 = arith.addi %add3A_122, %add3A_290 : i32
        %mul3A_292 = arith.constant 128 : i32
        %mul3A_293 = arith.muli %add3A_291, %mul3A_292 : i32
        %dma_start3A_294 = arith.constant 3 : i32
        %dma_start3A_295 = arith.constant 3 : i32
        %dma_start3A_296 = arith.constant 0 : i32
        %dma_start3A_297 = arith.constant 0 : i32
        %dma_start3A_298 = tpu.memref_slice %arg6[%dma_start3A_294, %dma_start3A_296, %dma_start3A_297] : memref<4x128x128xi32, #tpu.memory_space<vmem>> -> memref<1x128x128xi32, #tpu.memory_space<vmem>>
        %dma_start3A_299 = tpu.memref_squeeze %dma_start3A_298 : memref<1x128x128xi32, #tpu.memory_space<vmem>> -> memref<128x128xi32, #tpu.memory_space<vmem>>
        %dma_start3A_300 = tpu.memref_slice %arg5[%mul3A_293] : memref<25088xi32, #tpu.memory_space<vmem>> -> memref<128xi32, #tpu.memory_space<vmem>>
        %dma_start3A_301 = arith.constant 0 : i32
        %dma_start3A_302 = arith.constant 0 : i32
        %dma_start3A_303 = tpu.memref_slice %arg2[%dma_start3A_301, %dma_start3A_302] : memref<50176x128xi32, #tpu.memory_space<hbm>> -> memref<50176x128xi32, #tpu.memory_space<hbm>>
        %dma_start3A_304 = tpu.memref_slice %arg7[%dma_start3A_295] : memref<4x!tpu.dma_semaphore, #tpu.memory_space<semaphore_mem>> -> memref<1x!tpu.dma_semaphore, #tpu.memory_space<semaphore_mem>>
        %dma_start3A_305 = tpu.memref_squeeze %dma_start3A_304 : memref<1x!tpu.dma_semaphore, #tpu.memory_space<semaphore_mem>> -> memref<!tpu.dma_semaphore, #tpu.memory_space<semaphore_mem>>
        tpu.enqueue_indirect_dma source(%dma_start3A_303 : memref<50176x128xi32, #tpu.memory_space<hbm>>) target(%dma_start3A_299 : memref<128x128xi32, #tpu.memory_space<vmem>>) offsets(%dma_start3A_300 : memref<128xi32, #tpu.memory_space<vmem>>) semaphore(%dma_start3A_305 : memref<!tpu.dma_semaphore, #tpu.memory_space<semaphore_mem>>)
      } else {
      }
      %add3A_160 = arith.constant 1 : i32
      %add3A_161 = arith.addi %add3A_120, %add3A_160 : i32
      %mul3A_162 = arith.constant 128 : i32
      %mul3A_163 = arith.muli %add3A_161, %mul3A_162 : i32
      %dma_wait3A_164 = arith.constant 1 : i32
      %dma_wait3A_165 = arith.constant 1 : i32
      %dma_wait3A_166 = arith.constant 0 : i32
      %dma_wait3A_167 = arith.constant 0 : i32
      %dma_wait3A_168 = tpu.memref_slice %arg6[%dma_wait3A_164, %dma_wait3A_166, %dma_wait3A_167] : memref<4x128x128xi32, #tpu.memory_space<vmem>> -> memref<1x128x128xi32, #tpu.memory_space<vmem>>
      %dma_wait3A_169 = tpu.memref_squeeze %dma_wait3A_168 : memref<1x128x128xi32, #tpu.memory_space<vmem>> -> memref<128x128xi32, #tpu.memory_space<vmem>>
      %dma_wait3A_170 = tpu.memref_slice %arg5[%mul3A_163] : memref<25088xi32, #tpu.memory_space<vmem>> -> memref<128xi32, #tpu.memory_space<vmem>>
      %dma_wait3A_171 = arith.constant 0 : i32
      %dma_wait3A_172 = arith.constant 0 : i32
      %dma_wait3A_173 = tpu.memref_slice %arg2[%dma_wait3A_171, %dma_wait3A_172] : memref<50176x128xi32, #tpu.memory_space<hbm>> -> memref<50176x128xi32, #tpu.memory_space<hbm>>
      %dma_wait3A_174 = tpu.memref_slice %arg7[%dma_wait3A_165] : memref<4x!tpu.dma_semaphore, #tpu.memory_space<semaphore_mem>> -> memref<1x!tpu.dma_semaphore, #tpu.memory_space<semaphore_mem>>
      %dma_wait3A_175 = tpu.memref_squeeze %dma_wait3A_174 : memref<1x!tpu.dma_semaphore, #tpu.memory_space<semaphore_mem>> -> memref<!tpu.dma_semaphore, #tpu.memory_space<semaphore_mem>>
      tpu.wait_indirect_dma semaphore(%dma_wait3A_175 : memref<!tpu.dma_semaphore, #tpu.memory_space<semaphore_mem>>) src(%dma_wait3A_173 : memref<50176x128xi32, #tpu.memory_space<hbm>>) dst(%dma_wait3A_169 : memref<128x128xi32, #tpu.memory_space<vmem>>)
      %mul3A_176 = arith.constant 128 : i32
      %mul3A_177 = arith.muli %add3A_161, %mul3A_176 : i32
      %add3A_178 = arith.addi %mul3A_2, %mul3A_177 : i32
      %dma_start3A_179 = arith.constant 1 : i32
      %dma_start3A_180 = arith.constant 1 : i32
      %dma_start3A_181 = arith.constant 0 : i32
      %dma_start3A_182 = arith.constant 0 : i32
      %dma_start3A_183 = tpu.memref_slice %arg6[%dma_start3A_179, %dma_start3A_181, %dma_start3A_182] : memref<4x128x128xi32, #tpu.memory_space<vmem>> -> memref<1x128x128xi32, #tpu.memory_space<vmem>>
      %dma_start3A_184 = tpu.memref_squeeze %dma_start3A_183 : memref<1x128x128xi32, #tpu.memory_space<vmem>> -> memref<128x128xi32, #tpu.memory_space<vmem>>
      %dma_start3A_185 = arith.constant 0 : i32
      %dma_start3A_186 = tpu.memref_slice %arg4[%add3A_178, %dma_start3A_185] : memref<802816x128xi32, #tpu.memory_space<hbm>> -> memref<128x128xi32, #tpu.memory_space<hbm>>
      %dma_start3A_187 = tpu.memref_slice %arg8[%dma_start3A_180] : memref<4x!tpu.dma_semaphore, #tpu.memory_space<semaphore_mem>> -> memref<1x!tpu.dma_semaphore, #tpu.memory_space<semaphore_mem>>
      %dma_start3A_188 = tpu.memref_squeeze %dma_start3A_187 : memref<1x!tpu.dma_semaphore, #tpu.memory_space<semaphore_mem>> -> memref<!tpu.dma_semaphore, #tpu.memory_space<semaphore_mem>>
      %dma_start3A_189 = arith.constant 0 : i32
      %dma_start3A_190 = tpu.memref_slice %arg4[%add3A_178, %dma_start3A_189] : memref<802816x128xi32, #tpu.memory_space<hbm>> -> memref<128x128xi32, #tpu.memory_space<hbm>>
      %dma_start3A_191 = arith.constant 0 : i32
      %dma_start3A_192 = arith.constant 0 : i32
      %dma_start3A_193 = tpu.memref_slice %arg6[%dma_start3A_179, %dma_start3A_191, %dma_start3A_192] : memref<4x128x128xi32, #tpu.memory_space<vmem>> -> memref<1x128x128xi32, #tpu.memory_space<vmem>>
      %dma_start3A_194 = tpu.memref_squeeze %dma_start3A_193 : memref<1x128x128xi32, #tpu.memory_space<vmem>> -> memref<128x128xi32, #tpu.memory_space<vmem>>
      tpu.enqueue_dma source(%dma_start3A_194 : memref<128x128xi32, #tpu.memory_space<vmem>>) target(%dma_start3A_190 : memref<128x128xi32, #tpu.memory_space<hbm>>) target_semaphore(%dma_start3A_188 : memref<!tpu.dma_semaphore, #tpu.memory_space<semaphore_mem>>)
      %add3A_195 = arith.constant 3 : i32
      %add3A_196 = arith.addi %add3A_161, %add3A_195 : i32
      %lt3A_197 = arith.constant 196 : i32
      %lt3A_198 = arith.cmpi slt, %add3A_196, %lt3A_197 : i32
      %convert_element_type3A_199 = arith.extui %lt3A_198 : i1 to i32
      %cond3A_200 = arith.constant 0 : i32
      %cond3A_201 = arith.cmpi ne, %convert_element_type3A_199, %cond3A_200 : i32
      scf.if %cond3A_201 {
        %ge3A = arith.constant 1 : i32
        %ge3A_286 = arith.cmpi sge, %add3A_161, %ge3A : i32
        %convert_element_type3A_287 = arith.extui %ge3A_286 : i1 to i32
        %cond3A_288 = arith.constant 0 : i32
        %cond3A_289 = arith.cmpi ne, %convert_element_type3A_287, %cond3A_288 : i32
        scf.if %cond3A_289 {
          %sub3A = arith.constant 1 : i32
          %sub3A_306 = arith.subi %add3A_161, %sub3A : i32
          %mul3A_307 = arith.constant 128 : i32
          %mul3A_308 = arith.muli %sub3A_306, %mul3A_307 : i32
          %add3A_309 = arith.addi %mul3A_2, %mul3A_308 : i32
          %dma_wait3A_310 = arith.constant 0 : i32
          %dma_wait3A_311 = arith.constant 0 : i32
          %dma_wait3A_312 = arith.constant 0 : i32
          %dma_wait3A_313 = arith.constant 0 : i32
          %dma_wait3A_314 = tpu.memref_slice %arg6[%dma_wait3A_310, %dma_wait3A_312, %dma_wait3A_313] : memref<4x128x128xi32, #tpu.memory_space<vmem>> -> memref<1x128x128xi32, #tpu.memory_space<vmem>>
          %dma_wait3A_315 = tpu.memref_squeeze %dma_wait3A_314 : memref<1x128x128xi32, #tpu.memory_space<vmem>> -> memref<128x128xi32, #tpu.memory_space<vmem>>
          %dma_wait3A_316 = arith.constant 0 : i32
          %dma_wait3A_317 = tpu.memref_slice %arg4[%add3A_309, %dma_wait3A_316] : memref<802816x128xi32, #tpu.memory_space<hbm>> -> memref<128x128xi32, #tpu.memory_space<hbm>>
          %dma_wait3A_318 = tpu.memref_slice %arg8[%dma_wait3A_311] : memref<4x!tpu.dma_semaphore, #tpu.memory_space<semaphore_mem>> -> memref<1x!tpu.dma_semaphore, #tpu.memory_space<semaphore_mem>>
          %dma_wait3A_319 = tpu.memref_squeeze %dma_wait3A_318 : memref<1x!tpu.dma_semaphore, #tpu.memory_space<semaphore_mem>> -> memref<!tpu.dma_semaphore, #tpu.memory_space<semaphore_mem>>
          %dma_wait3A_320 = arith.constant 0 : i32
          %dma_wait3A_321 = tpu.memref_slice %arg4[%add3A_309, %dma_wait3A_320] : memref<802816x128xi32, #tpu.memory_space<hbm>> -> memref<128x128xi32, #tpu.memory_space<hbm>>
          %dma_wait3A_322 = arith.constant 0 : i32
          %dma_wait3A_323 = arith.constant 0 : i32
          %dma_wait3A_324 = tpu.memref_slice %arg6[%dma_wait3A_310, %dma_wait3A_322, %dma_wait3A_323] : memref<4x128x128xi32, #tpu.memory_space<vmem>> -> memref<1x128x128xi32, #tpu.memory_space<vmem>>
          %dma_wait3A_325 = tpu.memref_squeeze %dma_wait3A_324 : memref<1x128x128xi32, #tpu.memory_space<vmem>> -> memref<128x128xi32, #tpu.memory_space<vmem>>
          tpu.wait_dma2 semaphore(%dma_wait3A_319 : memref<!tpu.dma_semaphore, #tpu.memory_space<semaphore_mem>>) src(%dma_wait3A_325 : memref<128x128xi32, #tpu.memory_space<vmem>>) dst(%dma_wait3A_321 : memref<128x128xi32, #tpu.memory_space<hbm>>)
        } else {
        }
        %add3A_290 = arith.constant 3 : i32
        %add3A_291 = arith.addi %add3A_161, %add3A_290 : i32
        %mul3A_292 = arith.constant 128 : i32
        %mul3A_293 = arith.muli %add3A_291, %mul3A_292 : i32
        %dma_start3A_294 = arith.constant 0 : i32
        %dma_start3A_295 = arith.constant 0 : i32
        %dma_start3A_296 = arith.constant 0 : i32
        %dma_start3A_297 = arith.constant 0 : i32
        %dma_start3A_298 = tpu.memref_slice %arg6[%dma_start3A_294, %dma_start3A_296, %dma_start3A_297] : memref<4x128x128xi32, #tpu.memory_space<vmem>> -> memref<1x128x128xi32, #tpu.memory_space<vmem>>
        %dma_start3A_299 = tpu.memref_squeeze %dma_start3A_298 : memref<1x128x128xi32, #tpu.memory_space<vmem>> -> memref<128x128xi32, #tpu.memory_space<vmem>>
        %dma_start3A_300 = tpu.memref_slice %arg5[%mul3A_293] : memref<25088xi32, #tpu.memory_space<vmem>> -> memref<128xi32, #tpu.memory_space<vmem>>
        %dma_start3A_301 = arith.constant 0 : i32
        %dma_start3A_302 = arith.constant 0 : i32
        %dma_start3A_303 = tpu.memref_slice %arg2[%dma_start3A_301, %dma_start3A_302] : memref<50176x128xi32, #tpu.memory_space<hbm>> -> memref<50176x128xi32, #tpu.memory_space<hbm>>
        %dma_start3A_304 = tpu.memref_slice %arg7[%dma_start3A_295] : memref<4x!tpu.dma_semaphore, #tpu.memory_space<semaphore_mem>> -> memref<1x!tpu.dma_semaphore, #tpu.memory_space<semaphore_mem>>
        %dma_start3A_305 = tpu.memref_squeeze %dma_start3A_304 : memref<1x!tpu.dma_semaphore, #tpu.memory_space<semaphore_mem>> -> memref<!tpu.dma_semaphore, #tpu.memory_space<semaphore_mem>>
        tpu.enqueue_indirect_dma source(%dma_start3A_303 : memref<50176x128xi32, #tpu.memory_space<hbm>>) target(%dma_start3A_299 : memref<128x128xi32, #tpu.memory_space<vmem>>) offsets(%dma_start3A_300 : memref<128xi32, #tpu.memory_space<vmem>>) semaphore(%dma_start3A_305 : memref<!tpu.dma_semaphore, #tpu.memory_space<semaphore_mem>>)
      } else {
      }
      %add3A_202 = arith.constant 2 : i32
      %add3A_203 = arith.addi %add3A_120, %add3A_202 : i32
      %mul3A_204 = arith.constant 128 : i32
      %mul3A_205 = arith.muli %add3A_203, %mul3A_204 : i32
      %dma_wait3A_206 = arith.constant 2 : i32
      %dma_wait3A_207 = arith.constant 2 : i32
      %dma_wait3A_208 = arith.constant 0 : i32
      %dma_wait3A_209 = arith.constant 0 : i32
      %dma_wait3A_210 = tpu.memref_slice %arg6[%dma_wait3A_206, %dma_wait3A_208, %dma_wait3A_209] : memref<4x128x128xi32, #tpu.memory_space<vmem>> -> memref<1x128x128xi32, #tpu.memory_space<vmem>>
      %dma_wait3A_211 = tpu.memref_squeeze %dma_wait3A_210 : memref<1x128x128xi32, #tpu.memory_space<vmem>> -> memref<128x128xi32, #tpu.memory_space<vmem>>
      %dma_wait3A_212 = tpu.memref_slice %arg5[%mul3A_205] : memref<25088xi32, #tpu.memory_space<vmem>> -> memref<128xi32, #tpu.memory_space<vmem>>
      %dma_wait3A_213 = arith.constant 0 : i32
      %dma_wait3A_214 = arith.constant 0 : i32
      %dma_wait3A_215 = tpu.memref_slice %arg2[%dma_wait3A_213, %dma_wait3A_214] : memref<50176x128xi32, #tpu.memory_space<hbm>> -> memref<50176x128xi32, #tpu.memory_space<hbm>>
      %dma_wait3A_216 = tpu.memref_slice %arg7[%dma_wait3A_207] : memref<4x!tpu.dma_semaphore, #tpu.memory_space<semaphore_mem>> -> memref<1x!tpu.dma_semaphore, #tpu.memory_space<semaphore_mem>>
      %dma_wait3A_217 = tpu.memref_squeeze %dma_wait3A_216 : memref<1x!tpu.dma_semaphore, #tpu.memory_space<semaphore_mem>> -> memref<!tpu.dma_semaphore, #tpu.memory_space<semaphore_mem>>
      tpu.wait_indirect_dma semaphore(%dma_wait3A_217 : memref<!tpu.dma_semaphore, #tpu.memory_space<semaphore_mem>>) src(%dma_wait3A_215 : memref<50176x128xi32, #tpu.memory_space<hbm>>) dst(%dma_wait3A_211 : memref<128x128xi32, #tpu.memory_space<vmem>>)
      %mul3A_218 = arith.constant 128 : i32
      %mul3A_219 = arith.muli %add3A_203, %mul3A_218 : i32
      %add3A_220 = arith.addi %mul3A_2, %mul3A_219 : i32
      %dma_start3A_221 = arith.constant 2 : i32
      %dma_start3A_222 = arith.constant 2 : i32
      %dma_start3A_223 = arith.constant 0 : i32
      %dma_start3A_224 = arith.constant 0 : i32
      %dma_start3A_225 = tpu.memref_slice %arg6[%dma_start3A_221, %dma_start3A_223, %dma_start3A_224] : memref<4x128x128xi32, #tpu.memory_space<vmem>> -> memref<1x128x128xi32, #tpu.memory_space<vmem>>
      %dma_start3A_226 = tpu.memref_squeeze %dma_start3A_225 : memref<1x128x128xi32, #tpu.memory_space<vmem>> -> memref<128x128xi32, #tpu.memory_space<vmem>>
      %dma_start3A_227 = arith.constant 0 : i32
      %dma_start3A_228 = tpu.memref_slice %arg4[%add3A_220, %dma_start3A_227] : memref<802816x128xi32, #tpu.memory_space<hbm>> -> memref<128x128xi32, #tpu.memory_space<hbm>>
      %dma_start3A_229 = tpu.memref_slice %arg8[%dma_start3A_222] : memref<4x!tpu.dma_semaphore, #tpu.memory_space<semaphore_mem>> -> memref<1x!tpu.dma_semaphore, #tpu.memory_space<semaphore_mem>>
      %dma_start3A_230 = tpu.memref_squeeze %dma_start3A_229 : memref<1x!tpu.dma_semaphore, #tpu.memory_space<semaphore_mem>> -> memref<!tpu.dma_semaphore, #tpu.memory_space<semaphore_mem>>
      %dma_start3A_231 = arith.constant 0 : i32
      %dma_start3A_232 = tpu.memref_slice %arg4[%add3A_220, %dma_start3A_231] : memref<802816x128xi32, #tpu.memory_space<hbm>> -> memref<128x128xi32, #tpu.memory_space<hbm>>
      %dma_start3A_233 = arith.constant 0 : i32
      %dma_start3A_234 = arith.constant 0 : i32
      %dma_start3A_235 = tpu.memref_slice %arg6[%dma_start3A_221, %dma_start3A_233, %dma_start3A_234] : memref<4x128x128xi32, #tpu.memory_space<vmem>> -> memref<1x128x128xi32, #tpu.memory_space<vmem>>
      %dma_start3A_236 = tpu.memref_squeeze %dma_start3A_235 : memref<1x128x128xi32, #tpu.memory_space<vmem>> -> memref<128x128xi32, #tpu.memory_space<vmem>>
      tpu.enqueue_dma source(%dma_start3A_236 : memref<128x128xi32, #tpu.memory_space<vmem>>) target(%dma_start3A_232 : memref<128x128xi32, #tpu.memory_space<hbm>>) target_semaphore(%dma_start3A_230 : memref<!tpu.dma_semaphore, #tpu.memory_space<semaphore_mem>>)
      %add3A_237 = arith.constant 3 : i32
      %add3A_238 = arith.addi %add3A_203, %add3A_237 : i32
      %lt3A_239 = arith.constant 196 : i32
      %lt3A_240 = arith.cmpi slt, %add3A_238, %lt3A_239 : i32
      %convert_element_type3A_241 = arith.extui %lt3A_240 : i1 to i32
      %cond3A_242 = arith.constant 0 : i32
      %cond3A_243 = arith.cmpi ne, %convert_element_type3A_241, %cond3A_242 : i32
      scf.if %cond3A_243 {
        %ge3A = arith.constant 1 : i32
        %ge3A_286 = arith.cmpi sge, %add3A_203, %ge3A : i32
        %convert_element_type3A_287 = arith.extui %ge3A_286 : i1 to i32
        %cond3A_288 = arith.constant 0 : i32
        %cond3A_289 = arith.cmpi ne, %convert_element_type3A_287, %cond3A_288 : i32
        scf.if %cond3A_289 {
          %sub3A = arith.constant 1 : i32
          %sub3A_306 = arith.subi %add3A_203, %sub3A : i32
          %mul3A_307 = arith.constant 128 : i32
          %mul3A_308 = arith.muli %sub3A_306, %mul3A_307 : i32
          %add3A_309 = arith.addi %mul3A_2, %mul3A_308 : i32
          %dma_wait3A_310 = arith.constant 1 : i32
          %dma_wait3A_311 = arith.constant 1 : i32
          %dma_wait3A_312 = arith.constant 0 : i32
          %dma_wait3A_313 = arith.constant 0 : i32
          %dma_wait3A_314 = tpu.memref_slice %arg6[%dma_wait3A_310, %dma_wait3A_312, %dma_wait3A_313] : memref<4x128x128xi32, #tpu.memory_space<vmem>> -> memref<1x128x128xi32, #tpu.memory_space<vmem>>
          %dma_wait3A_315 = tpu.memref_squeeze %dma_wait3A_314 : memref<1x128x128xi32, #tpu.memory_space<vmem>> -> memref<128x128xi32, #tpu.memory_space<vmem>>
          %dma_wait3A_316 = arith.constant 0 : i32
          %dma_wait3A_317 = tpu.memref_slice %arg4[%add3A_309, %dma_wait3A_316] : memref<802816x128xi32, #tpu.memory_space<hbm>> -> memref<128x128xi32, #tpu.memory_space<hbm>>
          %dma_wait3A_318 = tpu.memref_slice %arg8[%dma_wait3A_311] : memref<4x!tpu.dma_semaphore, #tpu.memory_space<semaphore_mem>> -> memref<1x!tpu.dma_semaphore, #tpu.memory_space<semaphore_mem>>
          %dma_wait3A_319 = tpu.memref_squeeze %dma_wait3A_318 : memref<1x!tpu.dma_semaphore, #tpu.memory_space<semaphore_mem>> -> memref<!tpu.dma_semaphore, #tpu.memory_space<semaphore_mem>>
          %dma_wait3A_320 = arith.constant 0 : i32
          %dma_wait3A_321 = tpu.memref_slice %arg4[%add3A_309, %dma_wait3A_320] : memref<802816x128xi32, #tpu.memory_space<hbm>> -> memref<128x128xi32, #tpu.memory_space<hbm>>
          %dma_wait3A_322 = arith.constant 0 : i32
          %dma_wait3A_323 = arith.constant 0 : i32
          %dma_wait3A_324 = tpu.memref_slice %arg6[%dma_wait3A_310, %dma_wait3A_322, %dma_wait3A_323] : memref<4x128x128xi32, #tpu.memory_space<vmem>> -> memref<1x128x128xi32, #tpu.memory_space<vmem>>
          %dma_wait3A_325 = tpu.memref_squeeze %dma_wait3A_324 : memref<1x128x128xi32, #tpu.memory_space<vmem>> -> memref<128x128xi32, #tpu.memory_space<vmem>>
          tpu.wait_dma2 semaphore(%dma_wait3A_319 : memref<!tpu.dma_semaphore, #tpu.memory_space<semaphore_mem>>) src(%dma_wait3A_325 : memref<128x128xi32, #tpu.memory_space<vmem>>) dst(%dma_wait3A_321 : memref<128x128xi32, #tpu.memory_space<hbm>>)
        } else {
        }
        %add3A_290 = arith.constant 3 : i32
        %add3A_291 = arith.addi %add3A_203, %add3A_290 : i32
        %mul3A_292 = arith.constant 128 : i32
        %mul3A_293 = arith.muli %add3A_291, %mul3A_292 : i32
        %dma_start3A_294 = arith.constant 1 : i32
        %dma_start3A_295 = arith.constant 1 : i32
        %dma_start3A_296 = arith.constant 0 : i32
        %dma_start3A_297 = arith.constant 0 : i32
        %dma_start3A_298 = tpu.memref_slice %arg6[%dma_start3A_294, %dma_start3A_296, %dma_start3A_297] : memref<4x128x128xi32, #tpu.memory_space<vmem>> -> memref<1x128x128xi32, #tpu.memory_space<vmem>>
        %dma_start3A_299 = tpu.memref_squeeze %dma_start3A_298 : memref<1x128x128xi32, #tpu.memory_space<vmem>> -> memref<128x128xi32, #tpu.memory_space<vmem>>
        %dma_start3A_300 = tpu.memref_slice %arg5[%mul3A_293] : memref<25088xi32, #tpu.memory_space<vmem>> -> memref<128xi32, #tpu.memory_space<vmem>>
        %dma_start3A_301 = arith.constant 0 : i32
        %dma_start3A_302 = arith.constant 0 : i32
        %dma_start3A_303 = tpu.memref_slice %arg2[%dma_start3A_301, %dma_start3A_302] : memref<50176x128xi32, #tpu.memory_space<hbm>> -> memref<50176x128xi32, #tpu.memory_space<hbm>>
        %dma_start3A_304 = tpu.memref_slice %arg7[%dma_start3A_295] : memref<4x!tpu.dma_semaphore, #tpu.memory_space<semaphore_mem>> -> memref<1x!tpu.dma_semaphore, #tpu.memory_space<semaphore_mem>>
        %dma_start3A_305 = tpu.memref_squeeze %dma_start3A_304 : memref<1x!tpu.dma_semaphore, #tpu.memory_space<semaphore_mem>> -> memref<!tpu.dma_semaphore, #tpu.memory_space<semaphore_mem>>
        tpu.enqueue_indirect_dma source(%dma_start3A_303 : memref<50176x128xi32, #tpu.memory_space<hbm>>) target(%dma_start3A_299 : memref<128x128xi32, #tpu.memory_space<vmem>>) offsets(%dma_start3A_300 : memref<128xi32, #tpu.memory_space<vmem>>) semaphore(%dma_start3A_305 : memref<!tpu.dma_semaphore, #tpu.memory_space<semaphore_mem>>)
      } else {
      }
      %add3A_244 = arith.constant 3 : i32
      %add3A_245 = arith.addi %add3A_120, %add3A_244 : i32
      %mul3A_246 = arith.constant 128 : i32
      %mul3A_247 = arith.muli %add3A_245, %mul3A_246 : i32
      %dma_wait3A_248 = arith.constant 3 : i32
      %dma_wait3A_249 = arith.constant 3 : i32
      %dma_wait3A_250 = arith.constant 0 : i32
      %dma_wait3A_251 = arith.constant 0 : i32
      %dma_wait3A_252 = tpu.memref_slice %arg6[%dma_wait3A_248, %dma_wait3A_250, %dma_wait3A_251] : memref<4x128x128xi32, #tpu.memory_space<vmem>> -> memref<1x128x128xi32, #tpu.memory_space<vmem>>
      %dma_wait3A_253 = tpu.memref_squeeze %dma_wait3A_252 : memref<1x128x128xi32, #tpu.memory_space<vmem>> -> memref<128x128xi32, #tpu.memory_space<vmem>>
      %dma_wait3A_254 = tpu.memref_slice %arg5[%mul3A_247] : memref<25088xi32, #tpu.memory_space<vmem>> -> memref<128xi32, #tpu.memory_space<vmem>>
      %dma_wait3A_255 = arith.constant 0 : i32
      %dma_wait3A_256 = arith.constant 0 : i32
      %dma_wait3A_257 = tpu.memref_slice %arg2[%dma_wait3A_255, %dma_wait3A_256] : memref<50176x128xi32, #tpu.memory_space<hbm>> -> memref<50176x128xi32, #tpu.memory_space<hbm>>
      %dma_wait3A_258 = tpu.memref_slice %arg7[%dma_wait3A_249] : memref<4x!tpu.dma_semaphore, #tpu.memory_space<semaphore_mem>> -> memref<1x!tpu.dma_semaphore, #tpu.memory_space<semaphore_mem>>
      %dma_wait3A_259 = tpu.memref_squeeze %dma_wait3A_258 : memref<1x!tpu.dma_semaphore, #tpu.memory_space<semaphore_mem>> -> memref<!tpu.dma_semaphore, #tpu.memory_space<semaphore_mem>>
      tpu.wait_indirect_dma semaphore(%dma_wait3A_259 : memref<!tpu.dma_semaphore, #tpu.memory_space<semaphore_mem>>) src(%dma_wait3A_257 : memref<50176x128xi32, #tpu.memory_space<hbm>>) dst(%dma_wait3A_253 : memref<128x128xi32, #tpu.memory_space<vmem>>)
      %mul3A_260 = arith.constant 128 : i32
      %mul3A_261 = arith.muli %add3A_245, %mul3A_260 : i32
      %add3A_262 = arith.addi %mul3A_2, %mul3A_261 : i32
      %dma_start3A_263 = arith.constant 3 : i32
      %dma_start3A_264 = arith.constant 3 : i32
      %dma_start3A_265 = arith.constant 0 : i32
      %dma_start3A_266 = arith.constant 0 : i32
      %dma_start3A_267 = tpu.memref_slice %arg6[%dma_start3A_263, %dma_start3A_265, %dma_start3A_266] : memref<4x128x128xi32, #tpu.memory_space<vmem>> -> memref<1x128x128xi32, #tpu.memory_space<vmem>>
      %dma_start3A_268 = tpu.memref_squeeze %dma_start3A_267 : memref<1x128x128xi32, #tpu.memory_space<vmem>> -> memref<128x128xi32, #tpu.memory_space<vmem>>
      %dma_start3A_269 = arith.constant 0 : i32
      %dma_start3A_270 = tpu.memref_slice %arg4[%add3A_262, %dma_start3A_269] : memref<802816x128xi32, #tpu.memory_space<hbm>> -> memref<128x128xi32, #tpu.memory_space<hbm>>
      %dma_start3A_271 = tpu.memref_slice %arg8[%dma_start3A_264] : memref<4x!tpu.dma_semaphore, #tpu.memory_space<semaphore_mem>> -> memref<1x!tpu.dma_semaphore, #tpu.memory_space<semaphore_mem>>
      %dma_start3A_272 = tpu.memref_squeeze %dma_start3A_271 : memref<1x!tpu.dma_semaphore, #tpu.memory_space<semaphore_mem>> -> memref<!tpu.dma_semaphore, #tpu.memory_space<semaphore_mem>>
      %dma_start3A_273 = arith.constant 0 : i32
      %dma_start3A_274 = tpu.memref_slice %arg4[%add3A_262, %dma_start3A_273] : memref<802816x128xi32, #tpu.memory_space<hbm>> -> memref<128x128xi32, #tpu.memory_space<hbm>>
      %dma_start3A_275 = arith.constant 0 : i32
      %dma_start3A_276 = arith.constant 0 : i32
      %dma_start3A_277 = tpu.memref_slice %arg6[%dma_start3A_263, %dma_start3A_275, %dma_start3A_276] : memref<4x128x128xi32, #tpu.memory_space<vmem>> -> memref<1x128x128xi32, #tpu.memory_space<vmem>>
      %dma_start3A_278 = tpu.memref_squeeze %dma_start3A_277 : memref<1x128x128xi32, #tpu.memory_space<vmem>> -> memref<128x128xi32, #tpu.memory_space<vmem>>
      tpu.enqueue_dma source(%dma_start3A_278 : memref<128x128xi32, #tpu.memory_space<vmem>>) target(%dma_start3A_274 : memref<128x128xi32, #tpu.memory_space<hbm>>) target_semaphore(%dma_start3A_272 : memref<!tpu.dma_semaphore, #tpu.memory_space<semaphore_mem>>)
      %add3A_279 = arith.constant 3 : i32
      %add3A_280 = arith.addi %add3A_245, %add3A_279 : i32
      %lt3A_281 = arith.constant 196 : i32
      %lt3A_282 = arith.cmpi slt, %add3A_280, %lt3A_281 : i32
      %convert_element_type3A_283 = arith.extui %lt3A_282 : i1 to i32
      %cond3A_284 = arith.constant 0 : i32
      %cond3A_285 = arith.cmpi ne, %convert_element_type3A_283, %cond3A_284 : i32
      scf.if %cond3A_285 {
        %ge3A = arith.constant 1 : i32
        %ge3A_286 = arith.cmpi sge, %add3A_245, %ge3A : i32
        %convert_element_type3A_287 = arith.extui %ge3A_286 : i1 to i32
        %cond3A_288 = arith.constant 0 : i32
        %cond3A_289 = arith.cmpi ne, %convert_element_type3A_287, %cond3A_288 : i32
        scf.if %cond3A_289 {
          %sub3A = arith.constant 1 : i32
          %sub3A_306 = arith.subi %add3A_245, %sub3A : i32
          %mul3A_307 = arith.constant 128 : i32
          %mul3A_308 = arith.muli %sub3A_306, %mul3A_307 : i32
          %add3A_309 = arith.addi %mul3A_2, %mul3A_308 : i32
          %dma_wait3A_310 = arith.constant 2 : i32
          %dma_wait3A_311 = arith.constant 2 : i32
          %dma_wait3A_312 = arith.constant 0 : i32
          %dma_wait3A_313 = arith.constant 0 : i32
          %dma_wait3A_314 = tpu.memref_slice %arg6[%dma_wait3A_310, %dma_wait3A_312, %dma_wait3A_313] : memref<4x128x128xi32, #tpu.memory_space<vmem>> -> memref<1x128x128xi32, #tpu.memory_space<vmem>>
          %dma_wait3A_315 = tpu.memref_squeeze %dma_wait3A_314 : memref<1x128x128xi32, #tpu.memory_space<vmem>> -> memref<128x128xi32, #tpu.memory_space<vmem>>
          %dma_wait3A_316 = arith.constant 0 : i32
          %dma_wait3A_317 = tpu.memref_slice %arg4[%add3A_309, %dma_wait3A_316] : memref<802816x128xi32, #tpu.memory_space<hbm>> -> memref<128x128xi32, #tpu.memory_space<hbm>>
          %dma_wait3A_318 = tpu.memref_slice %arg8[%dma_wait3A_311] : memref<4x!tpu.dma_semaphore, #tpu.memory_space<semaphore_mem>> -> memref<1x!tpu.dma_semaphore, #tpu.memory_space<semaphore_mem>>
          %dma_wait3A_319 = tpu.memref_squeeze %dma_wait3A_318 : memref<1x!tpu.dma_semaphore, #tpu.memory_space<semaphore_mem>> -> memref<!tpu.dma_semaphore, #tpu.memory_space<semaphore_mem>>
          %dma_wait3A_320 = arith.constant 0 : i32
          %dma_wait3A_321 = tpu.memref_slice %arg4[%add3A_309, %dma_wait3A_320] : memref<802816x128xi32, #tpu.memory_space<hbm>> -> memref<128x128xi32, #tpu.memory_space<hbm>>
          %dma_wait3A_322 = arith.constant 0 : i32
          %dma_wait3A_323 = arith.constant 0 : i32
          %dma_wait3A_324 = tpu.memref_slice %arg6[%dma_wait3A_310, %dma_wait3A_322, %dma_wait3A_323] : memref<4x128x128xi32, #tpu.memory_space<vmem>> -> memref<1x128x128xi32, #tpu.memory_space<vmem>>
          %dma_wait3A_325 = tpu.memref_squeeze %dma_wait3A_324 : memref<1x128x128xi32, #tpu.memory_space<vmem>> -> memref<128x128xi32, #tpu.memory_space<vmem>>
          tpu.wait_dma2 semaphore(%dma_wait3A_319 : memref<!tpu.dma_semaphore, #tpu.memory_space<semaphore_mem>>) src(%dma_wait3A_325 : memref<128x128xi32, #tpu.memory_space<vmem>>) dst(%dma_wait3A_321 : memref<128x128xi32, #tpu.memory_space<hbm>>)
        } else {
        }
        %add3A_290 = arith.constant 3 : i32
        %add3A_291 = arith.addi %add3A_245, %add3A_290 : i32
        %mul3A_292 = arith.constant 128 : i32
        %mul3A_293 = arith.muli %add3A_291, %mul3A_292 : i32
        %dma_start3A_294 = arith.constant 2 : i32
        %dma_start3A_295 = arith.constant 2 : i32
        %dma_start3A_296 = arith.constant 0 : i32
        %dma_start3A_297 = arith.constant 0 : i32
        %dma_start3A_298 = tpu.memref_slice %arg6[%dma_start3A_294, %dma_start3A_296, %dma_start3A_297] : memref<4x128x128xi32, #tpu.memory_space<vmem>> -> memref<1x128x128xi32, #tpu.memory_space<vmem>>
        %dma_start3A_299 = tpu.memref_squeeze %dma_start3A_298 : memref<1x128x128xi32, #tpu.memory_space<vmem>> -> memref<128x128xi32, #tpu.memory_space<vmem>>
        %dma_start3A_300 = tpu.memref_slice %arg5[%mul3A_293] : memref<25088xi32, #tpu.memory_space<vmem>> -> memref<128xi32, #tpu.memory_space<vmem>>
        %dma_start3A_301 = arith.constant 0 : i32
        %dma_start3A_302 = arith.constant 0 : i32
        %dma_start3A_303 = tpu.memref_slice %arg2[%dma_start3A_301, %dma_start3A_302] : memref<50176x128xi32, #tpu.memory_space<hbm>> -> memref<50176x128xi32, #tpu.memory_space<hbm>>
        %dma_start3A_304 = tpu.memref_slice %arg7[%dma_start3A_295] : memref<4x!tpu.dma_semaphore, #tpu.memory_space<semaphore_mem>> -> memref<1x!tpu.dma_semaphore, #tpu.memory_space<semaphore_mem>>
        %dma_start3A_305 = tpu.memref_squeeze %dma_start3A_304 : memref<1x!tpu.dma_semaphore, #tpu.memory_space<semaphore_mem>> -> memref<!tpu.dma_semaphore, #tpu.memory_space<semaphore_mem>>
        tpu.enqueue_indirect_dma source(%dma_start3A_303 : memref<50176x128xi32, #tpu.memory_space<hbm>>) target(%dma_start3A_299 : memref<128x128xi32, #tpu.memory_space<vmem>>) offsets(%dma_start3A_300 : memref<128xi32, #tpu.memory_space<vmem>>) semaphore(%dma_start3A_305 : memref<!tpu.dma_semaphore, #tpu.memory_space<semaphore_mem>>)
      } else {
      }
    }
    %scan3A_44 = arith.constant 49 : i32
    %add3A_45 = arith.constant 24576 : i32
    %add3A_46 = arith.addi %mul3A_2, %add3A_45 : i32
    %dma_wait3A = arith.constant 0 : i32
    %dma_wait3A_47 = arith.constant 0 : i32
    %dma_wait3A_48 = arith.constant 0 : i32
    %dma_wait3A_49 = arith.constant 0 : i32
    %dma_wait3A_50 = tpu.memref_slice %arg6[%dma_wait3A, %dma_wait3A_48, %dma_wait3A_49] : memref<4x128x128xi32, #tpu.memory_space<vmem>> -> memref<1x128x128xi32, #tpu.memory_space<vmem>>
    %dma_wait3A_51 = tpu.memref_squeeze %dma_wait3A_50 : memref<1x128x128xi32, #tpu.memory_space<vmem>> -> memref<128x128xi32, #tpu.memory_space<vmem>>
    %dma_wait3A_52 = arith.constant 0 : i32
    %dma_wait3A_53 = tpu.memref_slice %arg4[%add3A_46, %dma_wait3A_52] : memref<802816x128xi32, #tpu.memory_space<hbm>> -> memref<128x128xi32, #tpu.memory_space<hbm>>
    %dma_wait3A_54 = tpu.memref_slice %arg8[%dma_wait3A_47] : memref<4x!tpu.dma_semaphore, #tpu.memory_space<semaphore_mem>> -> memref<1x!tpu.dma_semaphore, #tpu.memory_space<semaphore_mem>>
    %dma_wait3A_55 = tpu.memref_squeeze %dma_wait3A_54 : memref<1x!tpu.dma_semaphore, #tpu.memory_space<semaphore_mem>> -> memref<!tpu.dma_semaphore, #tpu.memory_space<semaphore_mem>>
    %dma_wait3A_56 = arith.constant 0 : i32
    %dma_wait3A_57 = tpu.memref_slice %arg4[%add3A_46, %dma_wait3A_56] : memref<802816x128xi32, #tpu.memory_space<hbm>> -> memref<128x128xi32, #tpu.memory_space<hbm>>
    %dma_wait3A_58 = arith.constant 0 : i32
    %dma_wait3A_59 = arith.constant 0 : i32
    %dma_wait3A_60 = tpu.memref_slice %arg6[%dma_wait3A, %dma_wait3A_58, %dma_wait3A_59] : memref<4x128x128xi32, #tpu.memory_space<vmem>> -> memref<1x128x128xi32, #tpu.memory_space<vmem>>
    %dma_wait3A_61 = tpu.memref_squeeze %dma_wait3A_60 : memref<1x128x128xi32, #tpu.memory_space<vmem>> -> memref<128x128xi32, #tpu.memory_space<vmem>>
    tpu.wait_dma2 semaphore(%dma_wait3A_55 : memref<!tpu.dma_semaphore, #tpu.memory_space<semaphore_mem>>) src(%dma_wait3A_61 : memref<128x128xi32, #tpu.memory_space<vmem>>) dst(%dma_wait3A_57 : memref<128x128xi32, #tpu.memory_space<hbm>>)
    %add3A_62 = arith.constant 24704 : i32
    %add3A_63 = arith.addi %mul3A_2, %add3A_62 : i32
    %dma_wait3A_64 = arith.constant 1 : i32
    %dma_wait3A_65 = arith.constant 1 : i32
    %dma_wait3A_66 = arith.constant 0 : i32
    %dma_wait3A_67 = arith.constant 0 : i32
    %dma_wait3A_68 = tpu.memref_slice %arg6[%dma_wait3A_64, %dma_wait3A_66, %dma_wait3A_67] : memref<4x128x128xi32, #tpu.memory_space<vmem>> -> memref<1x128x128xi32, #tpu.memory_space<vmem>>
    %dma_wait3A_69 = tpu.memref_squeeze %dma_wait3A_68 : memref<1x128x128xi32, #tpu.memory_space<vmem>> -> memref<128x128xi32, #tpu.memory_space<vmem>>
    %dma_wait3A_70 = arith.constant 0 : i32
    %dma_wait3A_71 = tpu.memref_slice %arg4[%add3A_63, %dma_wait3A_70] : memref<802816x128xi32, #tpu.memory_space<hbm>> -> memref<128x128xi32, #tpu.memory_space<hbm>>
    %dma_wait3A_72 = tpu.memref_slice %arg8[%dma_wait3A_65] : memref<4x!tpu.dma_semaphore, #tpu.memory_space<semaphore_mem>> -> memref<1x!tpu.dma_semaphore, #tpu.memory_space<semaphore_mem>>
    %dma_wait3A_73 = tpu.memref_squeeze %dma_wait3A_72 : memref<1x!tpu.dma_semaphore, #tpu.memory_space<semaphore_mem>> -> memref<!tpu.dma_semaphore, #tpu.memory_space<semaphore_mem>>
    %dma_wait3A_74 = arith.constant 0 : i32
    %dma_wait3A_75 = tpu.memref_slice %arg4[%add3A_63, %dma_wait3A_74] : memref<802816x128xi32, #tpu.memory_space<hbm>> -> memref<128x128xi32, #tpu.memory_space<hbm>>
    %dma_wait3A_76 = arith.constant 0 : i32
    %dma_wait3A_77 = arith.constant 0 : i32
    %dma_wait3A_78 = tpu.memref_slice %arg6[%dma_wait3A_64, %dma_wait3A_76, %dma_wait3A_77] : memref<4x128x128xi32, #tpu.memory_space<vmem>> -> memref<1x128x128xi32, #tpu.memory_space<vmem>>
    %dma_wait3A_79 = tpu.memref_squeeze %dma_wait3A_78 : memref<1x128x128xi32, #tpu.memory_space<vmem>> -> memref<128x128xi32, #tpu.memory_space<vmem>>
    tpu.wait_dma2 semaphore(%dma_wait3A_73 : memref<!tpu.dma_semaphore, #tpu.memory_space<semaphore_mem>>) src(%dma_wait3A_79 : memref<128x128xi32, #tpu.memory_space<vmem>>) dst(%dma_wait3A_75 : memref<128x128xi32, #tpu.memory_space<hbm>>)
    %add3A_80 = arith.constant 24832 : i32
    %add3A_81 = arith.addi %mul3A_2, %add3A_80 : i32
    %dma_wait3A_82 = arith.constant 2 : i32
    %dma_wait3A_83 = arith.constant 2 : i32
    %dma_wait3A_84 = arith.constant 0 : i32
    %dma_wait3A_85 = arith.constant 0 : i32
    %dma_wait3A_86 = tpu.memref_slice %arg6[%dma_wait3A_82, %dma_wait3A_84, %dma_wait3A_85] : memref<4x128x128xi32, #tpu.memory_space<vmem>> -> memref<1x128x128xi32, #tpu.memory_space<vmem>>
    %dma_wait3A_87 = tpu.memref_squeeze %dma_wait3A_86 : memref<1x128x128xi32, #tpu.memory_space<vmem>> -> memref<128x128xi32, #tpu.memory_space<vmem>>
    %dma_wait3A_88 = arith.constant 0 : i32
    %dma_wait3A_89 = tpu.memref_slice %arg4[%add3A_81, %dma_wait3A_88] : memref<802816x128xi32, #tpu.memory_space<hbm>> -> memref<128x128xi32, #tpu.memory_space<hbm>>
    %dma_wait3A_90 = tpu.memref_slice %arg8[%dma_wait3A_83] : memref<4x!tpu.dma_semaphore, #tpu.memory_space<semaphore_mem>> -> memref<1x!tpu.dma_semaphore, #tpu.memory_space<semaphore_mem>>
    %dma_wait3A_91 = tpu.memref_squeeze %dma_wait3A_90 : memref<1x!tpu.dma_semaphore, #tpu.memory_space<semaphore_mem>> -> memref<!tpu.dma_semaphore, #tpu.memory_space<semaphore_mem>>
    %dma_wait3A_92 = arith.constant 0 : i32
    %dma_wait3A_93 = tpu.memref_slice %arg4[%add3A_81, %dma_wait3A_92] : memref<802816x128xi32, #tpu.memory_space<hbm>> -> memref<128x128xi32, #tpu.memory_space<hbm>>
    %dma_wait3A_94 = arith.constant 0 : i32
    %dma_wait3A_95 = arith.constant 0 : i32
    %dma_wait3A_96 = tpu.memref_slice %arg6[%dma_wait3A_82, %dma_wait3A_94, %dma_wait3A_95] : memref<4x128x128xi32, #tpu.memory_space<vmem>> -> memref<1x128x128xi32, #tpu.memory_space<vmem>>
    %dma_wait3A_97 = tpu.memref_squeeze %dma_wait3A_96 : memref<1x128x128xi32, #tpu.memory_space<vmem>> -> memref<128x128xi32, #tpu.memory_space<vmem>>
    tpu.wait_dma2 semaphore(%dma_wait3A_91 : memref<!tpu.dma_semaphore, #tpu.memory_space<semaphore_mem>>) src(%dma_wait3A_97 : memref<128x128xi32, #tpu.memory_space<vmem>>) dst(%dma_wait3A_93 : memref<128x128xi32, #tpu.memory_space<hbm>>)
    %add3A_98 = arith.constant 24960 : i32
    %add3A_99 = arith.addi %mul3A_2, %add3A_98 : i32
    %dma_wait3A_100 = arith.constant 3 : i32
    %dma_wait3A_101 = arith.constant 3 : i32
    %dma_wait3A_102 = arith.constant 0 : i32
    %dma_wait3A_103 = arith.constant 0 : i32
    %dma_wait3A_104 = tpu.memref_slice %arg6[%dma_wait3A_100, %dma_wait3A_102, %dma_wait3A_103] : memref<4x128x128xi32, #tpu.memory_space<vmem>> -> memref<1x128x128xi32, #tpu.memory_space<vmem>>
    %dma_wait3A_105 = tpu.memref_squeeze %dma_wait3A_104 : memref<1x128x128xi32, #tpu.memory_space<vmem>> -> memref<128x128xi32, #tpu.memory_space<vmem>>
    %dma_wait3A_106 = arith.constant 0 : i32
    %dma_wait3A_107 = tpu.memref_slice %arg4[%add3A_99, %dma_wait3A_106] : memref<802816x128xi32, #tpu.memory_space<hbm>> -> memref<128x128xi32, #tpu.memory_space<hbm>>
    %dma_wait3A_108 = tpu.memref_slice %arg8[%dma_wait3A_101] : memref<4x!tpu.dma_semaphore, #tpu.memory_space<semaphore_mem>> -> memref<1x!tpu.dma_semaphore, #tpu.memory_space<semaphore_mem>>
    %dma_wait3A_109 = tpu.memref_squeeze %dma_wait3A_108 : memref<1x!tpu.dma_semaphore, #tpu.memory_space<semaphore_mem>> -> memref<!tpu.dma_semaphore, #tpu.memory_space<semaphore_mem>>
    %dma_wait3A_110 = arith.constant 0 : i32
    %dma_wait3A_111 = tpu.memref_slice %arg4[%add3A_99, %dma_wait3A_110] : memref<802816x128xi32, #tpu.memory_space<hbm>> -> memref<128x128xi32, #tpu.memory_space<hbm>>
    %dma_wait3A_112 = arith.constant 0 : i32
    %dma_wait3A_113 = arith.constant 0 : i32
    %dma_wait3A_114 = tpu.memref_slice %arg6[%dma_wait3A_100, %dma_wait3A_112, %dma_wait3A_113] : memref<4x128x128xi32, #tpu.memory_space<vmem>> -> memref<1x128x128xi32, #tpu.memory_space<vmem>>
    %dma_wait3A_115 = tpu.memref_squeeze %dma_wait3A_114 : memref<1x128x128xi32, #tpu.memory_space<vmem>> -> memref<128x128xi32, #tpu.memory_space<vmem>>
    tpu.wait_dma2 semaphore(%dma_wait3A_109 : memref<!tpu.dma_semaphore, #tpu.memory_space<semaphore_mem>>) src(%dma_wait3A_115 : memref<128x128xi32, #tpu.memory_space<vmem>>) dst(%dma_wait3A_111 : memref<128x128xi32, #tpu.memory_space<hbm>>)
    return
  }
}

module attributes {stable_mosaic.version = 14 : i64} {
  func.func @body(%arg0: i32, %arg1: memref<512x256xf32, #tpu.memory_space<vmem>>, %arg2: memref<256x256xf32, #tpu.memory_space<vmem>>, %arg3: memref<1x256xf32, #tpu.memory_space<vmem>>, %arg4: memref<512x256xf32, #tpu.memory_space<vmem>>, %arg5: memref<512x128xi32, #tpu.memory_space<vmem>>) attributes {dimension_semantics = [#tpu.dimension_semantics<arbitrary>], iteration_bounds = array<i64: 98>, scalar_prefetch = 0 : i64, scratch_operands = 0 : i64, tpu.core_type = #tpu.core_type<tc>, window_params = [{transform_indices = @transform_0, window_bounds = array<i64: 512, 256>}, {pipeline_mode = #tpu.pipeline_mode<synchronous>, transform_indices = @transform_1, window_bounds = array<i64: 256, 256>}, {pipeline_mode = #tpu.pipeline_mode<synchronous>, transform_indices = @transform_2, window_bounds = array<i64: 1, 256>}, {transform_indices = @transform_3, window_bounds = array<i64: 512, 256>}, {transform_indices = @transform_4, window_bounds = array<i64: 512, 128>}]} {
    %get3A = arith.constant 0 : index
    %get3A_0 = arith.constant 0 : index
    %get3A_1 = vector.load %arg1[%get3A, %get3A_0] : memref<512x256xf32, #tpu.memory_space<vmem>>, vector<512x256xf32>
    %get3A_2 = arith.constant 0 : index
    %get3A_3 = arith.constant 0 : index
    %get3A_4 = vector.load %arg2[%get3A_2, %get3A_3] : memref<256x256xf32, #tpu.memory_space<vmem>>, vector<256x256xf32>
    %dot_general3A = arith.constant dense<0.000000e+00> : vector<512x256xf32>
    %dot_general3A_5 = tpu.matmul %get3A_1, %get3A_4, %dot_general3A {dimension_numbers = #tpu.dot_dimension_numbers<[1], [0], [0], [1], [0, 0, 1, 1], [], []>, precision = #tpu.contract_precision<fp32>, transpose_lhs_hint = false} : vector<512x256xf32>, vector<256x256xf32>, vector<512x256xf32> -> vector<512x256xf32>
    %get3A_6 = arith.constant 0 : index
    %get3A_7 = arith.constant 0 : index
    %get3A_8 = vector.load %arg3[%get3A_6, %get3A_7] : memref<1x256xf32, #tpu.memory_space<vmem>>, vector<1x256xf32>
    %add3A = vector.broadcast %get3A_8 : vector<1x256xf32> to vector<512x256xf32>
    %add3A_9 = arith.addf %dot_general3A_5, %add3A : vector<512x256xf32>
    %max3A = arith.constant 0.000000e+00 : f32
    %max3A_10 = vector.broadcast %max3A : f32 to vector<512x256xf32>
    %max3A_11 = arith.maximumf %add3A_9, %max3A_10 : vector<512x256xf32>
    %mul3A = arith.constant 512 : i32
    %mul3A_12 = arith.muli %arg0, %mul3A : i32
    %iota3A = tpu.iota {dimensions = array<i32: 0>} : vector<512x256xi32>
    %add3A_13 = vector.broadcast %mul3A_12 : i32 to vector<512x256xi32>
    %add3A_14 = arith.addi %add3A_13, %iota3A : vector<512x256xi32>
    %lt3A = arith.constant 50000 : i32
    %lt3A_15 = vector.broadcast %lt3A : i32 to vector<512x256xi32>
    %lt3A_16 = arith.cmpi slt, %add3A_14, %lt3A_15 : vector<512x256xi32>
    %jit3A = arith.constant 0.000000e+00 : f32
    %broadcast_in_dim3A = vector.broadcast %jit3A : f32 to vector<512x256xf32>
    %select_n3A = arith.select %lt3A_16, %max3A_11, %broadcast_in_dim3A : vector<512x256xi1>, vector<512x256xf32>
    %swap3A = arith.constant 0 : index
    %swap3A_17 = arith.constant 0 : index
    %swap3A_18 = vector.load %arg4[%swap3A, %swap3A_17] : memref<512x256xf32, #tpu.memory_space<vmem>>, vector<512x256xf32>
    tpu.vector_store %arg4[%swap3A, %swap3A_17], %select_n3A {strides = array<i32>} : memref<512x256xf32, #tpu.memory_space<vmem>>, vector<512x256xf32>,
    %slice3A = vector.extract_strided_slice %select_n3A {offsets = [0, 0], sizes = [512, 128], strides = [1, 1]} : vector<512x256xf32> to vector<512x128xf32>
    %bitcast_convert_type3A = tpu.bitcast %slice3A : vector<512x128xf32> -> vector<512x128xi32>
    %slice3A_19 = vector.extract_strided_slice %select_n3A {offsets = [0, 128], sizes = [512, 128], strides = [1, 1]} : vector<512x256xf32> to vector<512x128xf32>
    %bitcast_convert_type3A_20 = tpu.bitcast %slice3A_19 : vector<512x128xf32> -> vector<512x128xi32>
    %add3A_21 = arith.constant 32768 : i32
    %add3A_22 = vector.broadcast %add3A_21 : i32 to vector<512x128xi32>
    %add3A_23 = arith.addi %bitcast_convert_type3A, %add3A_22 : vector<512x128xi32>
    %shift_right_logical3A = arith.constant 16 : i32
    %shift_right_logical3A_24 = vector.broadcast %shift_right_logical3A : i32 to vector<512x128xi32>
    %shift_right_logical3A_25 = arith.shrui %add3A_23, %shift_right_logical3A_24 : vector<512x128xi32>
    %add3A_26 = arith.constant 32768 : i32
    %add3A_27 = vector.broadcast %add3A_26 : i32 to vector<512x128xi32>
    %add3A_28 = arith.addi %bitcast_convert_type3A_20, %add3A_27 : vector<512x128xi32>
    %and3A = arith.constant -65536 : i32
    %and3A_29 = vector.broadcast %and3A : i32 to vector<512x128xi32>
    %and3A_30 = arith.andi %add3A_28, %and3A_29 : vector<512x128xi32>
    %or3A = arith.ori %shift_right_logical3A_25, %and3A_30 : vector<512x128xi32>
    %swap3A_31 = arith.constant 0 : index
    %swap3A_32 = arith.constant 0 : index
    %swap3A_33 = vector.load %arg5[%swap3A_31, %swap3A_32] : memref<512x128xi32, #tpu.memory_space<vmem>>, vector<512x128xi32>
    tpu.vector_store %arg5[%swap3A_31, %swap3A_32], %or3A {strides = array<i32>} : memref<512x128xi32, #tpu.memory_space<vmem>>, vector<512x128xi32>,
    return
  }
  func.func @transform_0(%arg0: i32) -> (i32, i32) {
    %c0_i32 = arith.constant 0 : i32
    %c0_i32_0 = arith.constant 0 : i32
    return %arg0, %c0_i32 : i32, i32
  }
  func.func @transform_1(%arg0: i32) -> (i32, i32) {
    %c0_i32 = arith.constant 0 : i32
    %c0_i32_0 = arith.constant 0 : i32
    %c0_i32_1 = arith.constant 0 : i32
    return %c0_i32, %c0_i32_0 : i32, i32
  }
  func.func @transform_2(%arg0: i32) -> (i32, i32) {
    %c0_i32 = arith.constant 0 : i32
    %c0_i32_0 = arith.constant 0 : i32
    %c0_i32_1 = arith.constant 0 : i32
    return %c0_i32, %c0_i32_0 : i32, i32
  }
  func.func @transform_3(%arg0: i32) -> (i32, i32) {
    %c0_i32 = arith.constant 0 : i32
    %c0_i32_0 = arith.constant 0 : i32
    return %arg0, %c0_i32 : i32, i32
  }
  func.func @transform_4(%arg0: i32) -> (i32, i32) {
    %c0_i32 = arith.constant 0 : i32
    %c0_i32_0 = arith.constant 0 : i32
    return %arg0, %c0_i32 : i32, i32
  }
}

module attributes {stable_mosaic.version = 14 : i64} {
  func.func @body(%arg0: i32, %arg1: memref<16x512x128xi32, #tpu.memory_space<vmem>>, %arg2: memref<512x256xf32, #tpu.memory_space<vmem>>, %arg3: memref<4x256xf32, #tpu.memory_space<vmem>>, %arg4: memref<256x256xf32, #tpu.memory_space<vmem>>, %arg5: memref<512x128xi32, #tpu.memory_space<vmem>>) attributes {dimension_semantics = [#tpu.dimension_semantics<arbitrary>], iteration_bounds = array<i64: 98>, scalar_prefetch = 0 : i64, scratch_operands = 0 : i64, tpu.core_type = #tpu.core_type<tc>, window_params = [{transform_indices = @transform_0, window_bounds = array<i64: 16, 512, 128>}, {transform_indices = @transform_1, window_bounds = array<i64: 512, 256>}, {pipeline_mode = #tpu.pipeline_mode<synchronous>, transform_indices = @transform_2, window_bounds = array<i64: 4, 256>}, {pipeline_mode = #tpu.pipeline_mode<synchronous>, transform_indices = @transform_3, window_bounds = array<i64: 256, 256>}, {transform_indices = @transform_4, window_bounds = array<i64: 512, 128>}]} {
    %get3A = arith.constant 0 : index
    %get3A_0 = arith.constant 0 : index
    %get3A_1 = arith.constant 0 : index
    %get3A_2 = vector.load %arg1[%get3A, %get3A_0, %get3A_1] : memref<16x512x128xi32, #tpu.memory_space<vmem>>, vector<16x512x128xi32>
    %bitcast_convert_type3A = tpu.bitcast %get3A_2 : vector<16x512x128xi32> -> vector<16x512x128xf32>
    %shift_left3A = arith.constant 16 : i32
    %shift_left3A_3 = vector.broadcast %shift_left3A : i32 to vector<16x512x128xi32>
    %shift_left3A_4 = arith.shli %get3A_2, %shift_left3A_3 : vector<16x512x128xi32>
    %bitcast_convert_type3A_5 = tpu.bitcast %shift_left3A_4 : vector<16x512x128xi32> -> vector<16x512x128xf32>
    %reshape3A = vector.shape_cast %bitcast_convert_type3A_5 : vector<16x512x128xf32> to vector<4x4x512x128xf32>
    %reduce_sum3A = arith.constant dense<0.000000e+00> : vector<4x512x128xf32>
    %reduce_sum3A_6 = vector.multi_reduction <add>, %reshape3A, %reduce_sum3A [0] : vector<4x4x512x128xf32> to vector<4x512x128xf32>
    %reshape3A_7 = vector.shape_cast %bitcast_convert_type3A : vector<16x512x128xf32> to vector<4x4x512x128xf32>
    %reduce_sum3A_8 = arith.constant dense<0.000000e+00> : vector<4x512x128xf32>
    %reduce_sum3A_9 = vector.multi_reduction <add>, %reshape3A_7, %reduce_sum3A_8 [0] : vector<4x4x512x128xf32> to vector<4x512x128xf32>
    %get3A_10 = arith.constant 0 : index
    %get3A_11 = arith.constant 0 : index
    %get3A_12 = vector.load %arg3[%get3A_10, %get3A_11] : memref<4x256xf32, #tpu.memory_space<vmem>>, vector<4x256xf32>
    %slice3A = vector.extract_strided_slice %get3A_12 {offsets = [0, 0], sizes = [4, 128], strides = [1, 1]} : vector<4x256xf32> to vector<4x128xf32>
    %broadcast_in_dim3A = vector.shape_cast %slice3A : vector<4x128xf32> to vector<4x1x128xf32>
    %mul3A = vector.broadcast %broadcast_in_dim3A : vector<4x1x128xf32> to vector<4x512x128xf32>
    %mul3A_13 = arith.mulf %reduce_sum3A_6, %mul3A : vector<4x512x128xf32>
    %reduce_sum3A_14 = arith.constant dense<0.000000e+00> : vector<512x128xf32>
    %reduce_sum3A_15 = vector.multi_reduction <add>, %mul3A_13, %reduce_sum3A_14 [0] : vector<4x512x128xf32> to vector<512x128xf32>
    %slice3A_16 = vector.extract_strided_slice %get3A_12 {offsets = [0, 128], sizes = [4, 128], strides = [1, 1]} : vector<4x256xf32> to vector<4x128xf32>
    %broadcast_in_dim3A_17 = vector.shape_cast %slice3A_16 : vector<4x128xf32> to vector<4x1x128xf32>
    %mul3A_18 = vector.broadcast %broadcast_in_dim3A_17 : vector<4x1x128xf32> to vector<4x512x128xf32>
    %mul3A_19 = arith.mulf %reduce_sum3A_9, %mul3A_18 : vector<4x512x128xf32>
    %reduce_sum3A_20 = arith.constant dense<0.000000e+00> : vector<512x128xf32>
    %reduce_sum3A_21 = vector.multi_reduction <add>, %mul3A_19, %reduce_sum3A_20 [0] : vector<4x512x128xf32> to vector<512x128xf32>
    %get3A_22 = arith.constant 0 : index
    %get3A_23 = arith.constant 0 : index
    %get3A_24 = vector.load %arg4[%get3A_22, %get3A_23] : memref<256x256xf32, #tpu.memory_space<vmem>>, vector<128x256xf32>
    %dot_general3A = arith.constant dense<0.000000e+00> : vector<512x256xf32>
    %dot_general3A_25 = tpu.matmul %reduce_sum3A_15, %get3A_24, %dot_general3A {dimension_numbers = #tpu.dot_dimension_numbers<[1], [0], [0], [1], [0, 0, 1, 1], [], []>, transpose_lhs_hint = false} : vector<512x128xf32>, vector<128x256xf32>, vector<512x256xf32> -> vector<512x256xf32>
    %get3A_26 = arith.constant 128 : index
    %get3A_27 = arith.constant 0 : index
    %get3A_28 = vector.load %arg4[%get3A_26, %get3A_27] : memref<256x256xf32, #tpu.memory_space<vmem>>, vector<128x256xf32>
    %dot_general3A_29 = arith.constant dense<0.000000e+00> : vector<512x256xf32>
    %dot_general3A_30 = tpu.matmul %reduce_sum3A_21, %get3A_28, %dot_general3A_29 {dimension_numbers = #tpu.dot_dimension_numbers<[1], [0], [0], [1], [0, 0, 1, 1], [], []>, transpose_lhs_hint = false} : vector<512x128xf32>, vector<128x256xf32>, vector<512x256xf32> -> vector<512x256xf32>
    %add3A = arith.addf %dot_general3A_25, %dot_general3A_30 : vector<512x256xf32>
    %max3A = arith.constant 0.000000e+00 : f32
    %max3A_31 = vector.broadcast %max3A : f32 to vector<512x256xf32>
    %max3A_32 = arith.maximumf %add3A, %max3A_31 : vector<512x256xf32>
    %get3A_33 = arith.constant 0 : index
    %get3A_34 = arith.constant 0 : index
    %get3A_35 = vector.load %arg2[%get3A_33, %get3A_34] : memref<512x256xf32, #tpu.memory_space<vmem>>, vector<512x256xf32>
    %mul3A_36 = arith.constant 1.000000e-01 : f32
    %mul3A_37 = vector.broadcast %mul3A_36 : f32 to vector<512x256xf32>
    %mul3A_38 = arith.mulf %mul3A_37, %get3A_35 : vector<512x256xf32>
    %mul3A_39 = arith.constant 0.899999976 : f32
    %mul3A_40 = vector.broadcast %mul3A_39 : f32 to vector<512x256xf32>
    %mul3A_41 = arith.mulf %mul3A_40, %max3A_32 : vector<512x256xf32>
    %add3A_42 = arith.addf %mul3A_38, %mul3A_41 : vector<512x256xf32>
    %slice3A_43 = vector.extract_strided_slice %add3A_42 {offsets = [0, 0], sizes = [512, 128], strides = [1, 1]} : vector<512x256xf32> to vector<512x128xf32>
    %bitcast_convert_type3A_44 = tpu.bitcast %slice3A_43 : vector<512x128xf32> -> vector<512x128xi32>
    %slice3A_45 = vector.extract_strided_slice %add3A_42 {offsets = [0, 128], sizes = [512, 128], strides = [1, 1]} : vector<512x256xf32> to vector<512x128xf32>
    %bitcast_convert_type3A_46 = tpu.bitcast %slice3A_45 : vector<512x128xf32> -> vector<512x128xi32>
    %add3A_47 = arith.constant 32768 : i32
    %add3A_48 = vector.broadcast %add3A_47 : i32 to vector<512x128xi32>
    %add3A_49 = arith.addi %bitcast_convert_type3A_44, %add3A_48 : vector<512x128xi32>
    %shift_right_logical3A = arith.constant 16 : i32
    %shift_right_logical3A_50 = vector.broadcast %shift_right_logical3A : i32 to vector<512x128xi32>
    %shift_right_logical3A_51 = arith.shrui %add3A_49, %shift_right_logical3A_50 : vector<512x128xi32>
    %add3A_52 = arith.constant 32768 : i32
    %add3A_53 = vector.broadcast %add3A_52 : i32 to vector<512x128xi32>
    %add3A_54 = arith.addi %bitcast_convert_type3A_46, %add3A_53 : vector<512x128xi32>
    %and3A = arith.constant -65536 : i32
    %and3A_55 = vector.broadcast %and3A : i32 to vector<512x128xi32>
    %and3A_56 = arith.andi %add3A_54, %and3A_55 : vector<512x128xi32>
    %or3A = arith.ori %shift_right_logical3A_51, %and3A_56 : vector<512x128xi32>
    %swap3A = arith.constant 0 : index
    %swap3A_57 = arith.constant 0 : index
    %swap3A_58 = vector.load %arg5[%swap3A, %swap3A_57] : memref<512x128xi32, #tpu.memory_space<vmem>>, vector<512x128xi32>
    tpu.vector_store %arg5[%swap3A, %swap3A_57], %or3A {strides = array<i32>} : memref<512x128xi32, #tpu.memory_space<vmem>>, vector<512x128xi32>,
    return
  }
  func.func @transform_0(%arg0: i32) -> (i32, i32, i32) {
    %c0_i32 = arith.constant 0 : i32
    %c0_i32_0 = arith.constant 0 : i32
    %c0_i32_1 = arith.constant 0 : i32
    return %c0_i32, %arg0, %c0_i32_0 : i32, i32, i32
  }
  func.func @transform_1(%arg0: i32) -> (i32, i32) {
    %add3A = arith.constant 0 : i32
    %add3A_0 = arith.addi %arg0, %add3A : i32
    %c0_i32 = arith.constant 0 : i32
    %c0_i32_1 = arith.constant 0 : i32
    return %add3A_0, %c0_i32 : i32, i32
  }
  func.func @transform_2(%arg0: i32) -> (i32, i32) {
    %c0_i32 = arith.constant 0 : i32
    %c0_i32_0 = arith.constant 0 : i32
    %c0_i32_1 = arith.constant 0 : i32
    return %c0_i32, %c0_i32_0 : i32, i32
  }
  func.func @transform_3(%arg0: i32) -> (i32, i32) {
    %c0_i32 = arith.constant 0 : i32
    %c0_i32_0 = arith.constant 0 : i32
    %c0_i32_1 = arith.constant 0 : i32
    return %c0_i32, %c0_i32_0 : i32, i32
  }
  func.func @transform_4(%arg0: i32) -> (i32, i32) {
    %c0_i32 = arith.constant 0 : i32
    %c0_i32_0 = arith.constant 0 : i32
    return %arg0, %c0_i32 : i32, i32
  }
}

module attributes {stable_mosaic.version = 14 : i64} {
  func.func @body(%arg0: i32, %arg1: memref<16x512x128xi32, #tpu.memory_space<vmem>>, %arg2: memref<512x256xf32, #tpu.memory_space<vmem>>, %arg3: memref<4x256xf32, #tpu.memory_space<vmem>>, %arg4: memref<256x256xf32, #tpu.memory_space<vmem>>, %arg5: memref<256x128xf32, #tpu.memory_space<vmem>>, %arg6: memref<1x128xf32, #tpu.memory_space<vmem>>, %arg7: memref<512x128xf32, #tpu.memory_space<vmem>>) attributes {dimension_semantics = [#tpu.dimension_semantics<arbitrary>], iteration_bounds = array<i64: 98>, scalar_prefetch = 0 : i64, scratch_operands = 0 : i64, tpu.core_type = #tpu.core_type<tc>, window_params = [{transform_indices = @transform_0, window_bounds = array<i64: 16, 512, 128>}, {transform_indices = @transform_1, window_bounds = array<i64: 512, 256>}, {pipeline_mode = #tpu.pipeline_mode<synchronous>, transform_indices = @transform_2, window_bounds = array<i64: 4, 256>}, {pipeline_mode = #tpu.pipeline_mode<synchronous>, transform_indices = @transform_3, window_bounds = array<i64: 256, 256>}, {pipeline_mode = #tpu.pipeline_mode<synchronous>, transform_indices = @transform_4, window_bounds = array<i64: 256, 128>}, {pipeline_mode = #tpu.pipeline_mode<synchronous>, transform_indices = @transform_5, window_bounds = array<i64: 1, 128>}, {transform_indices = @transform_6, window_bounds = array<i64: 512, 128>}]} {
    %get3A = arith.constant 0 : index
    %get3A_0 = arith.constant 0 : index
    %get3A_1 = arith.constant 0 : index
    %get3A_2 = vector.load %arg1[%get3A, %get3A_0, %get3A_1] : memref<16x512x128xi32, #tpu.memory_space<vmem>>, vector<16x512x128xi32>
    %bitcast_convert_type3A = tpu.bitcast %get3A_2 : vector<16x512x128xi32> -> vector<16x512x128xf32>
    %shift_left3A = arith.constant 16 : i32
    %shift_left3A_3 = vector.broadcast %shift_left3A : i32 to vector<16x512x128xi32>
    %shift_left3A_4 = arith.shli %get3A_2, %shift_left3A_3 : vector<16x512x128xi32>
    %bitcast_convert_type3A_5 = tpu.bitcast %shift_left3A_4 : vector<16x512x128xi32> -> vector<16x512x128xf32>
    %reshape3A = vector.shape_cast %bitcast_convert_type3A_5 : vector<16x512x128xf32> to vector<4x4x512x128xf32>
    %reduce_sum3A = arith.constant dense<0.000000e+00> : vector<4x512x128xf32>
    %reduce_sum3A_6 = vector.multi_reduction <add>, %reshape3A, %reduce_sum3A [0] : vector<4x4x512x128xf32> to vector<4x512x128xf32>
    %reshape3A_7 = vector.shape_cast %bitcast_convert_type3A : vector<16x512x128xf32> to vector<4x4x512x128xf32>
    %reduce_sum3A_8 = arith.constant dense<0.000000e+00> : vector<4x512x128xf32>
    %reduce_sum3A_9 = vector.multi_reduction <add>, %reshape3A_7, %reduce_sum3A_8 [0] : vector<4x4x512x128xf32> to vector<4x512x128xf32>
    %get3A_10 = arith.constant 0 : index
    %get3A_11 = arith.constant 0 : index
    %get3A_12 = vector.load %arg3[%get3A_10, %get3A_11] : memref<4x256xf32, #tpu.memory_space<vmem>>, vector<4x256xf32>
    %slice3A = vector.extract_strided_slice %get3A_12 {offsets = [0, 0], sizes = [4, 128], strides = [1, 1]} : vector<4x256xf32> to vector<4x128xf32>
    %broadcast_in_dim3A = vector.shape_cast %slice3A : vector<4x128xf32> to vector<4x1x128xf32>
    %mul3A = vector.broadcast %broadcast_in_dim3A : vector<4x1x128xf32> to vector<4x512x128xf32>
    %mul3A_13 = arith.mulf %reduce_sum3A_6, %mul3A : vector<4x512x128xf32>
    %reduce_sum3A_14 = arith.constant dense<0.000000e+00> : vector<512x128xf32>
    %reduce_sum3A_15 = vector.multi_reduction <add>, %mul3A_13, %reduce_sum3A_14 [0] : vector<4x512x128xf32> to vector<512x128xf32>
    %slice3A_16 = vector.extract_strided_slice %get3A_12 {offsets = [0, 128], sizes = [4, 128], strides = [1, 1]} : vector<4x256xf32> to vector<4x128xf32>
    %broadcast_in_dim3A_17 = vector.shape_cast %slice3A_16 : vector<4x128xf32> to vector<4x1x128xf32>
    %mul3A_18 = vector.broadcast %broadcast_in_dim3A_17 : vector<4x1x128xf32> to vector<4x512x128xf32>
    %mul3A_19 = arith.mulf %reduce_sum3A_9, %mul3A_18 : vector<4x512x128xf32>
    %reduce_sum3A_20 = arith.constant dense<0.000000e+00> : vector<512x128xf32>
    %reduce_sum3A_21 = vector.multi_reduction <add>, %mul3A_19, %reduce_sum3A_20 [0] : vector<4x512x128xf32> to vector<512x128xf32>
    %get3A_22 = arith.constant 0 : index
    %get3A_23 = arith.constant 0 : index
    %get3A_24 = vector.load %arg4[%get3A_22, %get3A_23] : memref<256x256xf32, #tpu.memory_space<vmem>>, vector<128x256xf32>
    %dot_general3A = arith.constant dense<0.000000e+00> : vector<512x256xf32>
    %dot_general3A_25 = tpu.matmul %reduce_sum3A_15, %get3A_24, %dot_general3A {dimension_numbers = #tpu.dot_dimension_numbers<[1], [0], [0], [1], [0, 0, 1, 1], [], []>, transpose_lhs_hint = false} : vector<512x128xf32>, vector<128x256xf32>, vector<512x256xf32> -> vector<512x256xf32>
    %get3A_26 = arith.constant 128 : index
    %get3A_27 = arith.constant 0 : index
    %get3A_28 = vector.load %arg4[%get3A_26, %get3A_27] : memref<256x256xf32, #tpu.memory_space<vmem>>, vector<128x256xf32>
    %dot_general3A_29 = arith.constant dense<0.000000e+00> : vector<512x256xf32>
    %dot_general3A_30 = tpu.matmul %reduce_sum3A_21, %get3A_28, %dot_general3A_29 {dimension_numbers = #tpu.dot_dimension_numbers<[1], [0], [0], [1], [0, 0, 1, 1], [], []>, transpose_lhs_hint = false} : vector<512x128xf32>, vector<128x256xf32>, vector<512x256xf32> -> vector<512x256xf32>
    %add3A = arith.addf %dot_general3A_25, %dot_general3A_30 : vector<512x256xf32>
    %max3A = arith.constant 0.000000e+00 : f32
    %max3A_31 = vector.broadcast %max3A : f32 to vector<512x256xf32>
    %max3A_32 = arith.maximumf %add3A, %max3A_31 : vector<512x256xf32>
    %get3A_33 = arith.constant 0 : index
    %get3A_34 = arith.constant 0 : index
    %get3A_35 = vector.load %arg2[%get3A_33, %get3A_34] : memref<512x256xf32, #tpu.memory_space<vmem>>, vector<512x256xf32>
    %mul3A_36 = arith.constant 1.000000e-01 : f32
    %mul3A_37 = vector.broadcast %mul3A_36 : f32 to vector<512x256xf32>
    %mul3A_38 = arith.mulf %mul3A_37, %get3A_35 : vector<512x256xf32>
    %mul3A_39 = arith.constant 0.899999976 : f32
    %mul3A_40 = vector.broadcast %mul3A_39 : f32 to vector<512x256xf32>
    %mul3A_41 = arith.mulf %mul3A_40, %max3A_32 : vector<512x256xf32>
    %add3A_42 = arith.addf %mul3A_38, %mul3A_41 : vector<512x256xf32>
    %get3A_43 = arith.constant 0 : index
    %get3A_44 = arith.constant 0 : index
    %get3A_45 = vector.load %arg5[%get3A_43, %get3A_44] : memref<256x128xf32, #tpu.memory_space<vmem>>, vector<256x128xf32>
    %dot_general3A_46 = arith.constant dense<0.000000e+00> : vector<512x128xf32>
    %dot_general3A_47 = tpu.matmul %add3A_42, %get3A_45, %dot_general3A_46 {dimension_numbers = #tpu.dot_dimension_numbers<[1], [0], [0], [1], [0, 0, 1, 1], [], []>, transpose_lhs_hint = false} : vector<512x256xf32>, vector<256x128xf32>, vector<512x128xf32> -> vector<512x128xf32>
    %get3A_48 = arith.constant 0 : index
    %get3A_49 = arith.constant 0 : index
    %get3A_50 = vector.load %arg6[%get3A_48, %get3A_49] : memref<1x128xf32, #tpu.memory_space<vmem>>, vector<1x128xf32>
    %add3A_51 = vector.broadcast %get3A_50 : vector<1x128xf32> to vector<512x128xf32>
    %add3A_52 = arith.addf %dot_general3A_47, %add3A_51 : vector<512x128xf32>
    %swap3A = arith.constant 0 : index
    %swap3A_53 = arith.constant 0 : index
    %swap3A_54 = vector.load %arg7[%swap3A, %swap3A_53] : memref<512x128xf32, #tpu.memory_space<vmem>>, vector<512x128xf32>
    tpu.vector_store %arg7[%swap3A, %swap3A_53], %add3A_52 {strides = array<i32>} : memref<512x128xf32, #tpu.memory_space<vmem>>, vector<512x128xf32>,
    return
  }
  func.func @transform_0(%arg0: i32) -> (i32, i32, i32) {
    %c0_i32 = arith.constant 0 : i32
    %c0_i32_0 = arith.constant 0 : i32
    %c0_i32_1 = arith.constant 0 : i32
    return %c0_i32, %arg0, %c0_i32_0 : i32, i32, i32
  }
  func.func @transform_1(%arg0: i32) -> (i32, i32) {
    %c0_i32 = arith.constant 0 : i32
    %c0_i32_0 = arith.constant 0 : i32
    return %arg0, %c0_i32 : i32, i32
  }
  func.func @transform_2(%arg0: i32) -> (i32, i32) {
    %c0_i32 = arith.constant 0 : i32
    %c0_i32_0 = arith.constant 0 : i32
    %c0_i32_1 = arith.constant 0 : i32
    return %c0_i32, %c0_i32_0 : i32, i32
  }
  func.func @transform_3(%arg0: i32) -> (i32, i32) {
    %c0_i32 = arith.constant 0 : i32
    %c0_i32_0 = arith.constant 0 : i32
    %c0_i32_1 = arith.constant 0 : i32
    return %c0_i32, %c0_i32_0 : i32, i32
  }
  func.func @transform_4(%arg0: i32) -> (i32, i32) {
    %c0_i32 = arith.constant 0 : i32
    %c0_i32_0 = arith.constant 0 : i32
    %c0_i32_1 = arith.constant 0 : i32
    return %c0_i32, %c0_i32_0 : i32, i32
  }
  func.func @transform_5(%arg0: i32) -> (i32, i32) {
    %c0_i32 = arith.constant 0 : i32
    %c0_i32_0 = arith.constant 0 : i32
    %c0_i32_1 = arith.constant 0 : i32
    return %c0_i32, %c0_i32_0 : i32, i32
  }
  func.func @transform_6(%arg0: i32) -> (i32, i32) {
    %c0_i32 = arith.constant 0 : i32
    %c0_i32_0 = arith.constant 0 : i32
    return %arg0, %c0_i32 : i32, i32
  }
}

</mosaic_0001>

<sc_bundles>
// kernel: kernel.12.cloned.1.call-start
scs
__scs_entry_jumppad:
0x0: {  	(pc) =	sbr.rel $0x88, $3  }
0x1: {  	(tag) =	ssettag $0x0;
	lr =	simm.s32 $0x1  }
0x2: {  	[smem:$0x3F99] =	sst lr;
	_ =	strace $0xD0000000  }
0x3: {  	_ = 	snop  }
0x4: {  	_ = 	snop  }
0x5: {  	_ = 	snop  }
0x6: {  	_ = 	snop  }
0x7: {  	_ = 	snop  }
__scs_overlays_trampoline_lowered:
0x8: {  	[smem:$0x3FA8] =	sst s0  }
0x9: {  	[smem:$0x3FA9] =	sst s1  }
0xa: {  	[smem:$0x3FAA] =	sst s2  }
0xb: {  	[smem:$0x3FAB] =	sst s3  }
0xc: {  	[smem:$0x3FAC] =	sst s4  }
0xd: {  	[smem:$0x3FAD] =	sst s5  }
0xe: {  	[smem:$0x3FAE] =	sst s6  }
0xf: {  	[smem:$0x3FAF] =	sst s7  }
0x10: {  	[smem:$0x3FB0] =	sst s8  }
0x11: {  	[smem:$0x3FB1] =	sst s9;
	s0 =	simm.s32 @!p0 $0x0  }
0x12: {  	s1 =	sld [smem:$0x3F97];
	s0 =	simm.s32 @p0 $0x1  }
0x13: {  	[smem:$0x3FB2] =	sst s0;
	s0 =	simm.s32 @!p1 $0x0  }
0x14: {  	s2 =	sld [smem:$0x3F96];
	s0 =	simm.s32 @p1 $0x1  }
0x15: {  	[smem:$0x3FB3] =	sst s0;
	s0 =	simm.s32 @!p2 $0x0  }
0x16: {  	s3 =	sld [smem:$0x3FDB];
	s0 =	simm.s32 @p2 $0x1  }
0x17: {  	s4 =	simm.s32 $0x1BF5;
	[smem:$0x3FB5] =	sst s0  }
0x18: {  	s0 =	sld [smem:$0x3F98];
	_ =	swait.ge [sflag:s4], $0x0  }
0x19: {  	s7 =	sld [smem:$0x3F99]  }
0x1a: {  	s8 =	sadd.s32 $0xFFFFE003, lr  }
0x1b: {  	s9 =	sadd.s32 $0xFFFFFEF7, lr;
	s5 =	simm.s32 $0xFFFFFFFF;
	p2 =	slt.u32 s8, $0xFFFFF086  }
0x1c: {  	p1 =	slt.u32 s9, $0xF7A;
	s5 =	simm.s32 @!p2 $0x0  }
0x1d: {  	s5 =	simm.s32 @p1 $0x1;
	p0 =	seq.s32 s7, s2  }
0x1e: {  	s7 =	smul.u32 @!p0 $0xF7A, s2;
	p2 =	seq.s32 @!p0 s5, $0x0  }
0x1f: {  	s9 =	smul.u32 $0xF7A, s1;
	s8 =	simm.s32 @!p0 $0x1BF5;
	p2 =	por !p2, p0  }
0x20: {  	[sflag:s8] =	ssyncset.s32 @!p0 $0xFFFFF086;
	s6 =	sadd.s32 @!p0 s3, s7;
	s7 =	simm.s32 @!p0 $0x108  }
0x21: {  	s3 =	sadd.s32 s3, s9;
	s6 =	sadd.s32 @!p0 $0x88, s6;
	s7 =	simm.s32 @p2 $0x1082  }
0x22: {  	[simem:s7], [sflag:s8] =	dma.local @!p0 [hbm:s6], $0xF7A  }
0x23: {  	s9 =	sor.u32 $0xD0000000, s2;
	s6 =	simm.s32 $0x108;
	_ =	swait.ge @!p0 [sflag:s8], $0x0  }
0x24: {  	s3 =	sadd.s32 $0x88, s3;
	s6 =	simm.s32 @!p1 $0x1082;
	[sflag:s4] =	ssyncset.s32 $0xFFFFF086  }
0x25: {  	[simem:s6], [sflag:s4] =	dma.local [hbm:s3], $0xF7A  }
0x26: {  	[smem:$0x3F99] =	sst s1;
	(tag) =	ssettag s2;
	_ =	strace s9  }
0x27: {  	s1 =	sld [smem:$0x3FA9]  }
0x28: {  	s2 =	sld [smem:$0x3FAA]  }
0x29: {  	s4 =	sld [smem:$0x3FAC]  }
0x2a: {  	p0 =	seq.s32 s5, $0x0;
	s5 =	sld [smem:$0x3FAD]  }
0x2b: {  	s6 =	sld [smem:$0x3FAE]  }
0x2c: {  	s7 =	sld [smem:$0x3FAF]  }
0x2d: {  	s3 =	simm.s32 $0x108;
	s8 =	sld [smem:$0x3FB0]  }
0x2e: {  	s3 =	simm.s32 @!p0 $0x1082;
	s9 =	sld [smem:$0x3FB1]  }
0x2f: {  	lr =	sadd.s32 s0, s3;
	s0 =	sld [smem:$0x3FA8]  }
0x30: {  	s3 =	sld [smem:$0x3FAB]  }
0x31: {  	[smem:$0x3FB4] =	sst s10  }
0x32: {  	s10 =	sld [smem:$0x3FB2];
	_ =	sdelay $0x3  }
0x33: {  	p0 =	seq.s32 s10, $0x1;
	s10 =	sld [smem:$0x3FB4];
	_ =	sdelay $0x3  }
0x34: {  	[smem:$0x3FB4] =	sst s10  }
0x35: {  	s10 =	sld [smem:$0x3FB3];
	_ =	sdelay $0x3  }
0x36: {  	p1 =	seq.s32 s10, $0x1;
	s10 =	sld [smem:$0x3FB4];
	_ =	sdelay $0x3  }
0x37: {  	[smem:$0x3FB4] =	sst s10  }
0x38: {  	s10 =	sld [smem:$0x3FB5]  }
0x39: {  	_ = 	snop;
	(pc) =	sbr.ind lr, $3  }
0x3a: {  	_ = 	snop  }
0x3b: {  	_ = 	snop  }
0x3c: {  	p2 =	seq.s32 s10, $0x1;
	s10 =	sld [smem:$0x3FB4]  }
0x3d: {  	_ =	shalt  }
0x3e: {  	_ =	shalt  }
0x3f: {  	_ =	shalt  }
0x40: {  	_ =	shalt  }
0x41: {  	_ =	shalt  }
0x42: {  	_ =	shalt  }
0x43: {  	_ =	shalt  }
0x44: {  	_ =	shalt  }
0x45: {  	_ =	shalt  }
0x46: {  	_ =	shalt  }
0x47: {  	_ =	shalt  }
0x48: {  	_ =	shalt  }
0x49: {  	_ =	shalt  }
0x4a: {  	_ =	shalt  }
0x4b: {  	_ =	shalt  }
0x4c: {  	_ =	shalt  }
0x4d: {  	_ =	shalt  }
0x4e: {  	_ =	shalt  }
0x4f: {  	_ =	shalt  }
0x50: {  	_ =	shalt  }
0x51: {  	_ =	shalt  }
0x52: {  	_ =	shalt  }
0x53: {  	_ =	shalt  }
0x54: {  	_ =	shalt  }
0x55: {  	_ =	shalt  }
0x56: {  	_ =	shalt  }
0x57: {  	_ =	shalt  }
0x58: {  	_ =	shalt  }
0x59: {  	_ =	shalt  }
0x5a: {  	_ =	shalt  }
0x5b: {  	_ =	shalt  }
0x5c: {  	_ =	shalt  }
0x5d: {  	_ =	shalt  }
0x5e: {  	_ =	shalt  }
0x5f: {  	_ =	shalt  }
0x60: {  	_ =	shalt  }
0x61: {  	_ =	shalt  }
0x62: {  	_ =	shalt  }
0x63: {  	_ =	shalt  }
0x64: {  	_ =	shalt  }
0x65: {  	_ =	shalt  }
0x66: {  	_ =	shalt  }
0x67: {  	_ =	shalt  }
0x68: {  	_ =	shalt  }
0x69: {  	_ =	shalt  }
0x6a: {  	_ =	shalt  }
0x6b: {  	_ =	shalt  }
0x6c: {  	_ =	shalt  }
0x6d: {  	_ =	shalt  }
0x6e: {  	_ =	shalt  }
0x6f: {  	_ =	shalt  }
0x70: {  	_ =	shalt  }
0x71: {  	_ =	shalt  }
0x72: {  	_ =	shalt  }
0x73: {  	_ =	shalt  }
0x74: {  	_ =	shalt  }
0x75: {  	_ =	shalt  }
0x76: {  	_ =	shalt  }
0x77: {  	_ =	shalt  }
0x78: {  	_ =	shalt  }
0x79: {  	_ =	shalt  }
0x7a: {  	_ =	shalt  }
0x7b: {  	_ =	shalt  }
0x7c: {  	_ =	shalt  }
0x7d: {  	_ =	shalt  }
0x7e: {  	_ =	shalt  }
0x7f: {  	_ =	shalt  }
0x80: {  	_ =	shalt  }
0x81: {  	_ =	shalt  }
0x82: {  	_ =	shalt  }
0x83: {  	_ =	shalt  }
0x84: {  	_ =	shalt  }
0x85: {  	_ =	shalt  }
0x86: {  	_ =	shalt  }
0x87: {  	_ =	shalt  }
.Lfunc_end0:
.L_simem_size_0:
called_computation.1_lowered:
.L_overlay_start_0:
0x88: {  	s2 =	sld [smem:$0x3FD9]  }
0x89: {  	s3 =	sld [smem:$0x3FFE];
	_ =	sdelay $0x1  }
0x8a: {  	s1 =	srdreg.scid  }
0x8b: {  	s0 =	sand.u32 $0x1, s1  }
0x8c: {  	s17 =	sshll.u32 s0, $0xA;
	s2 =	sadd.s32 s3, s2  }
0x8d: {  	s2 =	sadd.s32 s2, s17  }
0x8e: {  	[smem:$0x3FC0] =	sst s2  }
0x8f: {  	_ = 	snop  }
0x90: {  	s2 =	sld [smem:$0x3FD0];
	(tm) =	ssettm $0x1  }
0x91: {  	s18 =	sld [smem:$0x3FFB];
	_ =	sdelay $0x3  }
0x92: {  	_ =	strace s18  }
0x93: {  	s3 =	sld [smem:$0x3FFC];
	_ =	sdelay $0x3  }
0x94: {  	_ =	strace s3  }
0x95: {  	s3 =	sld [smem:$0x3FFD];
	_ =	sdelay $0x3  }
0x96: {  	_ =	strace s3  }
0x97: {  	_ =	strace $0x8FFFFFFF  }
0x98: {  	s19 =	sld [smem:$0x3FDB];
	_ =	sdelay $0x1  }
0x99: {  	s4 =	simm.s32 $_scs_section_size  }
0x9a: {  	s5 =	simm.s32 $_size__tile_overlayer_lowered;
	s6 =	simm.s32 $_tile_overlayer_lowered  }
0x9b: {  	s22 =	simm.s32 $0x1BFF;
	s21 =	sshll.u32 s6, $0x1;
	s3 =	sadd.s32 s4, s19  }
0x9c: {  	s7 =	simm.s32 $0x0;
	s20 =	sshll.u32 s5, $0x1;
	s5 =	sadd.s32 s21, s3  }
0x9d: {  	[timem:s7], [sflag:s22] =	dma.local [hbm:s5], s20  }
0x9e: {  	_ =	swait.ge [sflag:s22], s20  }
0x9f: {  	s4 =	ssub.s32 $0x0, s20;
	[sflag:s22] =	ssyncset.done $0x0  }
0xa0: {  	[sflag:s22] =	ssyncadd.s32 s4;
	_ =	sdelay $0x1  }
0xa1: {  	s23 =	simm.s32 $0x1B8B  }
0xa2: {  	_ =	swait.ge [sflag:s23], $0x1  }
0xa3: {  	[sflag:s23] =	ssyncset.done $0x0  }
0xa4: {  	s25 =	simm.s32 $0x1B8E;
	s24 =	sld [smem:$0x3FFE];
	[sflag:s23] =	ssyncadd.s32 $0xFFFFFFFF  }
0xa5: {  	s26 =	simm.s32 $execute0_lowered;
	[smem:$0x3FD2] =	sst s25  }
0xa6: {  	s5 =	sshll.u32 s26, $0x1;
	_ =	strace $0x80000049;
	[dreg:$0x1] =	wrdreg $0xFFFFFFFF  }
0xa7: {  	s28 =	simm.s32 $_size_execute0_lowered;
	s3 =	sadd.s32 s3, s5;
	[dreg:$0x0] =	wrdreg $0x0  }
0xa8: {  	s5 =	sshll.u32 s28, $0x1;
	[dreg:$0x2] =	wrdreg s3  }
0xa9: {  	[dreg:$0x3] =	wrdreg s5  }
0xaa: {  	[dreg:$0x4] =	wrdreg $0xC0  }
0xab: {  	_ =	task [dreg:s7], $0x5FFFF  }
0xac: {  	[dreg:$0x1] =	wrdreg $0xFFFFFFFF  }
0xad: {  	[dreg:$0x0] =	wrdreg $0x60  }
0xae: {  	[dreg:$0x2] =	wrdreg s24  }
0xaf: {  	[dreg:$0x3] =	wrdreg s2  }
0xb0: {  	[dreg:$0x4] =	wrdreg $0x9  }
0xb1: {  	_ =	task.clear_ibuf [dreg:s7], $0x5FFFF;
	_ =	strace $0x90000049  }
0xb2: {  	s29 =	simm.s32 $0x9;
	_ =	strace $0x8000004B  }
0xb3: {  	_ =	swait.ge [sflag:s29], $0x1  }
0xb4: {  	[sflag:s29] =	ssyncadd.s32 $0xFFFFFFFF  }
0xb5: {  	_ =	strace $0x9000004B  }
0xb6: {  	_ =	sfence  }
0xb7: {  	s30 =	sld [smem:$0x0];
	_ =	sdelay $0x2  }
0xb8: {  	s31 =	sshll.u32 s1, $0xD;
	s1 =	sshrl.u32 s1, $0x2  }
0xb9: {  	s3 =	sand.u32 $0x4000, s31;
	s1 =	sadd.s32 s1, s30  }
0xba: {  	s0 =	sor.u32 s3, s0;
	s1 =	sshll.u32 s1, $0x11  }
0xbb: {  	s0 =	sor.u32 s1, s0  }
0xbc: {  	s0 =	sadd.s32 $0x8F2B, s0  }
0xbd: {  	[sflag:s0] =	ssyncadd.remote.s32 $0x1  }
0xbe: {  	_ =	sfence.sel $0xFFFF  }
0xbf: {  	[dreg:$0x0] =	wrdreg $0xFFFFFFFF;
	(pc) =	sbr.abs _section_cstart, $3  }
0xc0: {  	[dreg:$0x1] =	wrdreg $0xFFFFFFFF  }
0xc1: {  	_ =	task.clear_ibuf [dreg:s7], $0x2FFFF;
	_ =	strace $0x9FFFFFFF  }
0xc2: {  	(tm) =	ssettm $0x7FFFFFFF  }
0xc3: {  	_ =	shalt  }
tec
execute0_lowered:
.L_overlay_start_1:
0x0: {  	(tag) =	ssettag $0x1  }
0x1: {  	s1 =	rddreg [dreg:$0x0];
	s2 =	srdreg.scid  }
0x2: {  	s0 =	stileid.u32;
	s4 =	rddreg [dreg:$0x1];
	s12 =	simm.s32 $0x80  }
0x3: {  	s13 =	simm.s32 $0x6200;
	s14 =	simm.s32 $0xA200;
	s16 =	simm.s32 $0xE200  }
0x4: {  	s17 =	simm.s32 $0x1;
	s18 =	simm.s32 $0x12200;
	s19 =	simm.s32 $0x2  }
0x5: {  	s20 =	simm.s32 $0x4;
	s21 =	simm.s32 $0x5;
	s22 =	simm.s32 $0x6  }
0x6: {  	s23 =	simm.s32 $0x7;
	s24 =	simm.s32 $0x8;
	s5 =	sand.u32 $0x1, s2  }
0x7: {  	s3 =	sshll.u32 s0, $0x1;
	s2 =	simm.s32 $0x0;
	s8 =	smul.u32 $0x620000, s0  }
0x8: {  	s6 =	sor.u32 s5, s3;
	s9 =	ssub.s32 $0x2, s5;
	s5 =	smul.u32 $0x310000, s5  }
0x9: {  	[smem:$0x7FF] =	sst s2;
	s3 =	sadd.s32 $0x6800, s1;
	s7 =	smul.u32 $0x310000, s6  }
0xa: {  	s1 =	sadd.s32 $0x3D6600, s1;
	s10 =	sshrl.u32 s9, $0x1;
	s6 =	smul.u32 $0xC40, s6  }
0xb: {  	_ =	strace $0x8000004A;
	s9 =	ssub.s32 s9, s10;
	s8 =	sadd.s32 s5, s8  }
0xc: {  	s7 =	sshrl.u32 s7, $0x3;
	s25 =	sadd.s32 s4, s6;
	s28 =	sor.u32 $0x8000, s8  }
0xd: {  	s29 =	smax.u32 s9, $0x1;
	s30 =	sor.u32 $0x4000, s8;
	s31 =	sor.u32 $0xC000, s8  }
.Ltmp0:
0xe: {  	s11 =	sshrl.u32 s8, $0x3;
	[dreg:$0x3] =	wrdreg s25;
	(pc) =	sbr.rel .LBB2_1-.Ltmp0, $4  }
0xf: {  	s26 =	sadd.s32 s1, s7;
	[dreg:$0x4] =	wrdreg s29;
	s7 =	sshrl.u32 s28, $0x3  }
0x10: {  	s9 =	sshrl.u32 s30, $0x3;
	s10 =	sshrl.u32 s31, $0x3;
	s25 =	simm.s32 $0x0  }
0x11: {  	s6 =	sadd.s32 $0x61000, s26;
	s7 =	sadd.s32 s7, s1;
	s8 =	sadd.s32 s9, s1  }
0x12: {  	s9 =	sadd.s32 s11, s1;
	s10 =	sadd.s32 s10, s1;
	s11 =	simm.s32 $0x9  }
.LBB2_4:
0x13: {  	_ =	swait.ge [sflag:s21], $0x4000  }
0x14: {  	[sflag:s21] =	ssyncset.done $0x0  }
0x15: {  	[sflag:s21] =	ssyncadd.s32 $0xFFFFC000  }
0x16: {  	_ =	swait.ge [sflag:s22], $0x4000  }
0x17: {  	[sflag:s22] =	ssyncset.done $0x0  }
0x18: {  	[sflag:s22] =	ssyncadd.s32 $0xFFFFC000  }
0x19: {  	_ =	swait.ge [sflag:s23], $0x4000  }
0x1a: {  	[sflag:s23] =	ssyncset.done $0x0  }
0x1b: {  	[sflag:s23] =	ssyncadd.s32 $0xFFFFC000  }
0x1c: {  	_ =	swait.ge [sflag:s24], $0x4000  }
0x1d: {  	s25 =	sadd.s32 $0x1, s25;
	s0 =	rddreg [dreg:$0x4]  }
0x1e: {  	p0 =	sne.s32 s25, s0  }
.Ltmp1:
0x1f: {  	_ = 	snop;
	(pc) =	sbr.rel @!p0 .LBB2_5-.Ltmp1, $3  }
0x20: {  	_ =	sdelay $0x1  }
0x21: {  	[sflag:s24] =	ssyncset.done $0x0  }
0x22: {  	[sflag:s24] =	ssyncadd.s32 $0xFFFFC000  }
.LBB2_1:
0x23: {  	s0 =	rddreg [dreg:$0x3]  }
0x24: {  	[tilespmem:s2], [sflag:$0x9] =	stream.linear.gather [hbm4b:s0+s2], $0x6200, $0x38;
	[tilespmem:$0x16200] =	vst v63  }
0x25: {  	_ =	swait.ge [sflag:s11], $0x6200  }
0x26: {  	[sflag:s11] =	ssyncset.done $0x0  }
0x27: {  	[sflag:s11] =	ssyncadd.s32 $0xFFFF9E00  }
0x28: {  	[tilespmem:s13], [sflag:$0x1] =	stream.indirect.gather [hbm4b:s3+s12], $0x80, s2, s12, $0xb8;
	[tilespmem:$0x16200] =	vst v63  }
0x29: {  	_ = 	snop  }
0x2a: {  	[tilespmem:s14], [sflag:$0x2] =	stream.indirect.gather [hbm4b:s3+s12], $0x80, s12, s12, $0xb8;
	[tilespmem:$0x16200] =	vst v63  }
0x2b: {  	s26 =	simm.s32 $0x100;
	s28 =	smov.u32 s9;
	s29 =	smov.u32 s8  }
0x2c: {  	[tilespmem:s16], [sflag:$0x3] =	stream.indirect.gather [hbm4b:s3+s12], $0x80, s26, s12, $0xb8;
	[tilespmem:$0x16200] =	vst v63  }
0x2d: {  	s30 =	smov.u32 s7;
	s31 =	simm.s32 $0x0;
	s26 =	smov.u32 s10  }
.LBB2_2:
0x2e: {  	_ =	swait.ge [sflag:s17], $0x4000  }
0x2f: {  	p0 =	seq.s32 s31, $0x0;
	[sflag:s17] =	ssyncset.done $0x0  }
0x30: {  	s0 =	simm.s32 @!p0 $0x8;
	[sflag:s17] =	ssyncadd.s32 $0xFFFFC000  }
0x31: {  	[hbm4b:s28+s2] =	stream.linear.scatter [tilespmem:s13], [sflag:$0x5], $0x4000, $0x38;
	[tilespmem:$0x16200] =	vst v63  }
0x32: {  	_ =	swait.ge @!p0 [sflag:s0], $0x4000  }
0x33: {  	s1 =	sshra.s32 s31, $0x2;
	[sflag:s0] =	ssyncset.done @!p0 $0x0  }
0x34: {  	s15 =	sadd.s32 $0x180, s1;
	[sflag:s0] =	ssyncadd.s32 @!p0 $0xFFFFC000  }
0x35: {  	[tilespmem:s18], [sflag:$0x4] =	stream.indirect.gather [hbm4b:s3+s12], $0x80, s15, s12, $0xb8;
	[tilespmem:$0x16200] =	vst v63  }
0x36: {  	_ =	swait.ge [sflag:s19], $0x4000  }
0x37: {  	p0 =	seq.s32 s31, $0x18000;
	[sflag:s19] =	ssyncset.done $0x0  }
0x38: {  	s0 =	simm.s32 @p0 $0x3;
	[sflag:s19] =	ssyncadd.s32 $0xFFFFC000  }
0x39: {  	[hbm4b:s29+s2] =	stream.linear.scatter [tilespmem:s14], [sflag:$0x6], $0x4000, $0x38;
	[tilespmem:$0x16200] =	vst v63  }
0x3a: {  	_ =	swait.ge @p0 [sflag:s0], $0x4000  }
0x3b: {  	[sflag:s0] =	ssyncset.done @p0 $0x0  }
0x3c: {  	s15 =	simm.s32 @p0 $0xE200;
	[sflag:s0] =	ssyncadd.s32 @p0 $0xFFFFC000;
	s0 =	simm.s32 @p0 $0x0  }
0x3d: {  	[hbm4b:s6+s0] =	stream.linear.scatter @p0 [tilespmem:s15], [sflag:$0x7], $0x4000, $0x38;
	[tilespmem:$0x16200] =	vst v63  }
0x3e: {  	s0 =	simm.s32 @!p0 $0x5  }
0x3f: {  	_ =	swait.ge @!p0 [sflag:s0], $0x4000  }
0x40: {  	[sflag:s0] =	ssyncset.done @!p0 $0x0  }
0x41: {  	[sflag:s0] =	ssyncadd.s32 @!p0 $0xFFFFC000;
	s0 =	sshra.s32 @!p0 s31, $0x2  }
0x42: {  	s4 =	simm.s32 @!p0 $0x80;
	s5 =	simm.s32 @!p0 $0x6200;
	s15 =	sadd.s32 @!p0 $0x200, s0  }
0x43: {  	[tilespmem:s5], [sflag:$0x1] =	stream.indirect.gather @!p0 [hbm4b:s3+s4], $0x80, s15, s4, $0xb8;
	[tilespmem:$0x16200] =	vst v63  }
0x44: {  	s5 =	simm.s32 @!p0 $0x3  }
0x45: {  	_ =	swait.ge @!p0 [sflag:s5], $0x4000  }
0x46: {  	[sflag:s5] =	ssyncset.done @!p0 $0x0  }
0x47: {  	s15 =	simm.s32 @!p0 $0xE200;
	[sflag:s5] =	ssyncadd.s32 @!p0 $0xFFFFC000;
	s5 =	simm.s32 @!p0 $0x0  }
0x48: {  	[hbm4b:s30+s5] =	stream.linear.scatter @!p0 [tilespmem:s15], [sflag:$0x7], $0x4000, $0x38;
	[tilespmem:$0x16200] =	vst v63  }
0x49: {  	s5 =	simm.s32 @!p0 $0x6  }
0x4a: {  	_ =	swait.ge @!p0 [sflag:s5], $0x4000  }
0x4b: {  	[sflag:s5] =	ssyncset.done @!p0 $0x0  }
0x4c: {  	s0 =	sadd.s32 @!p0 $0x280, s0;
	[sflag:s5] =	ssyncadd.s32 @!p0 $0xFFFFC000;
	s5 =	simm.s32 @!p0 $0xA200  }
0x4d: {  	[tilespmem:s5], [sflag:$0x2] =	stream.indirect.gather @!p0 [hbm4b:s3+s4], $0x80, s0, s4, $0xb8;
	[tilespmem:$0x16200] =	vst v63  }
.Ltmp2:
0x4e: {  	_ = 	snop;
	(pc) =	sbr.rel @p0 .LBB2_4-.Ltmp2, $4  }
0x4f: {  	_ =	swait.ge [sflag:s20], $0x4000  }
0x50: {  	[sflag:s20] =	ssyncset.done $0x0  }
0x51: {  	[sflag:s20] =	ssyncadd.s32 $0xFFFFC000  }
0x52: {  	[hbm4b:s26+s2] =	stream.linear.scatter [tilespmem:s18], [sflag:$0x8], $0x4000, $0x38;
	[tilespmem:$0x16200] =	vst v63  }
.Ltmp3:
0x53: {  	(pc) =	sbr.rel .LBB2_2-.Ltmp3, $4  }
0x54: {  	_ =	swait.ge [sflag:s23], $0x4000;
	s0 =	sadd.s32 $0x300, s1;
	s31 =	sadd.s32 $0x800, s31  }
0x55: {  	s30 =	sadd.s32 $0x2000, s30;
	s29 =	sadd.s32 $0x2000, s29;
	[sflag:s23] =	ssyncset.done $0x0  }
0x56: {  	s28 =	sadd.s32 $0x2000, s28;
	s26 =	sadd.s32 $0x2000, s26;
	[sflag:s23] =	ssyncadd.s32 $0xFFFFC000  }
0x57: {  	[tilespmem:s16], [sflag:$0x3] =	stream.indirect.gather [hbm4b:s3+s12], $0x80, s0, s12, $0xb8;
	[tilespmem:$0x16200] =	vst v63  }
.LBB2_5:
0x58: {  	_ =	sfence.sel $0x180000  }
0x59: {  	[bflag:$0x0] =	sbarrier.arrive $0xFFFF  }
0x5a: {  	_ =	strace $0x9000004A  }
0x5b: {  	s0 =	stileid.u32;
	[bflag:$0x2] =	sbarrier.arrive $0xFFFF  }
0x5c: {  	p0 =	sne.s32 s0, $0x0;
	s0 =	rddreg [dreg:$0x2]  }
0x5d: {  	s0 =	sadd.s32 @!p0 $0x100000, s0  }
0x5e: {  	[sflag:s0] =	ssyncadd.tile.s32 @!p0 $0x1;
	_ =	shalt  }
.Lfunc_end2:
_tile_overlayer_lowered:
.L_overlay_start_2:
0x5f: {  	(tag) =	ssettag $0x2  }
0x60: {  	s0 =	rddreg [dreg:$0x0];
	s2 =	stileid.u32  }
0x61: {  	s1 =	rddreg [dreg:$0x1];
	p0 =	sne.s32 s2, $0x0  }
0x62: {  	s3 =	rddreg [dreg:$0x2];
	[bflag:$0x3] =	sbarrier.arrive $0xFFFF;
	s2 =	simm.s32 @!p0 $0x1C09  }
0x63: {  	[timem:s3], [sflag:s2] =	dma.local @!p0 [hbm:s0], s1  }
0x64: {  	s0 =	simm.s32 @!p0 $0x9  }
0x65: {  	_ =	swait.ge @!p0 [sflag:s0], s1  }
0x66: {  	s1 =	ssub.s32 @!p0 $0x0, s1;
	[sflag:s0] =	ssyncset.done @!p0 $0x0  }
0x67: {  	[sflag:s0] =	ssyncadd.s32 @!p0 s1  }
0x68: {  	[bflag:$0x3] =	sbarrier.arrive $0xFFFF  }
0x69: {  	_ =	shalt  }

// kernel: kernel.15.cloned.1.call-start
scs
__scs_entry_jumppad:
0x0: {  	(pc) =	sbr.rel $0x88, $3  }
0x1: {  	(tag) =	ssettag $0x0;
	lr =	simm.s32 $0x1  }
0x2: {  	[smem:$0x3F99] =	sst lr;
	_ =	strace $0xD0000000  }
0x3: {  	_ = 	snop  }
0x4: {  	_ = 	snop  }
0x5: {  	_ = 	snop  }
0x6: {  	_ = 	snop  }
0x7: {  	_ = 	snop  }
__scs_overlays_trampoline_lowered:
0x8: {  	[smem:$0x3FA8] =	sst s0  }
0x9: {  	[smem:$0x3FA9] =	sst s1  }
0xa: {  	[smem:$0x3FAA] =	sst s2  }
0xb: {  	[smem:$0x3FAB] =	sst s3  }
0xc: {  	[smem:$0x3FAC] =	sst s4  }
0xd: {  	[smem:$0x3FAD] =	sst s5  }
0xe: {  	[smem:$0x3FAE] =	sst s6  }
0xf: {  	[smem:$0x3FAF] =	sst s7  }
0x10: {  	[smem:$0x3FB0] =	sst s8  }
0x11: {  	[smem:$0x3FB1] =	sst s9;
	s0 =	simm.s32 @!p0 $0x0  }
0x12: {  	s1 =	sld [smem:$0x3F97];
	s0 =	simm.s32 @p0 $0x1  }
0x13: {  	[smem:$0x3FB2] =	sst s0;
	s0 =	simm.s32 @!p1 $0x0  }
0x14: {  	s2 =	sld [smem:$0x3F96];
	s0 =	simm.s32 @p1 $0x1  }
0x15: {  	[smem:$0x3FB3] =	sst s0;
	s0 =	simm.s32 @!p2 $0x0  }
0x16: {  	s3 =	sld [smem:$0x3FDB];
	s0 =	simm.s32 @p2 $0x1  }
0x17: {  	s4 =	simm.s32 $0x1BF5;
	[smem:$0x3FB5] =	sst s0  }
0x18: {  	s0 =	sld [smem:$0x3F98];
	_ =	swait.ge [sflag:s4], $0x0  }
0x19: {  	s7 =	sld [smem:$0x3F99]  }
0x1a: {  	s8 =	sadd.s32 $0xFFFFE003, lr  }
0x1b: {  	s9 =	sadd.s32 $0xFFFFFEF7, lr;
	s5 =	simm.s32 $0xFFFFFFFF;
	p2 =	slt.u32 s8, $0xFFFFF086  }
0x1c: {  	p1 =	slt.u32 s9, $0xF7A;
	s5 =	simm.s32 @!p2 $0x0  }
0x1d: {  	s5 =	simm.s32 @p1 $0x1;
	p0 =	seq.s32 s7, s2  }
0x1e: {  	s7 =	smul.u32 @!p0 $0xF7A, s2;
	p2 =	seq.s32 @!p0 s5, $0x0  }
0x1f: {  	s9 =	smul.u32 $0xF7A, s1;
	s8 =	simm.s32 @!p0 $0x1BF5;
	p2 =	por !p2, p0  }
0x20: {  	[sflag:s8] =	ssyncset.s32 @!p0 $0xFFFFF086;
	s6 =	sadd.s32 @!p0 s3, s7;
	s7 =	simm.s32 @!p0 $0x108  }
0x21: {  	s3 =	sadd.s32 s3, s9;
	s6 =	sadd.s32 @!p0 $0x88, s6;
	s7 =	simm.s32 @p2 $0x1082  }
0x22: {  	[simem:s7], [sflag:s8] =	dma.local @!p0 [hbm:s6], $0xF7A  }
0x23: {  	s9 =	sor.u32 $0xD0000000, s2;
	s6 =	simm.s32 $0x108;
	_ =	swait.ge @!p0 [sflag:s8], $0x0  }
0x24: {  	s3 =	sadd.s32 $0x88, s3;
	s6 =	simm.s32 @!p1 $0x1082;
	[sflag:s4] =	ssyncset.s32 $0xFFFFF086  }
0x25: {  	[simem:s6], [sflag:s4] =	dma.local [hbm:s3], $0xF7A  }
0x26: {  	[smem:$0x3F99] =	sst s1;
	(tag) =	ssettag s2;
	_ =	strace s9  }
0x27: {  	s1 =	sld [smem:$0x3FA9]  }
0x28: {  	s2 =	sld [smem:$0x3FAA]  }
0x29: {  	s4 =	sld [smem:$0x3FAC]  }
0x2a: {  	p0 =	seq.s32 s5, $0x0;
	s5 =	sld [smem:$0x3FAD]  }
0x2b: {  	s6 =	sld [smem:$0x3FAE]  }
0x2c: {  	s7 =	sld [smem:$0x3FAF]  }
0x2d: {  	s3 =	simm.s32 $0x108;
	s8 =	sld [smem:$0x3FB0]  }
0x2e: {  	s3 =	simm.s32 @!p0 $0x1082;
	s9 =	sld [smem:$0x3FB1]  }
0x2f: {  	lr =	sadd.s32 s0, s3;
	s0 =	sld [smem:$0x3FA8]  }
0x30: {  	s3 =	sld [smem:$0x3FAB]  }
0x31: {  	[smem:$0x3FB4] =	sst s10  }
0x32: {  	s10 =	sld [smem:$0x3FB2];
	_ =	sdelay $0x3  }
0x33: {  	p0 =	seq.s32 s10, $0x1;
	s10 =	sld [smem:$0x3FB4];
	_ =	sdelay $0x3  }
0x34: {  	[smem:$0x3FB4] =	sst s10  }
0x35: {  	s10 =	sld [smem:$0x3FB3];
	_ =	sdelay $0x3  }
0x36: {  	p1 =	seq.s32 s10, $0x1;
	s10 =	sld [smem:$0x3FB4];
	_ =	sdelay $0x3  }
0x37: {  	[smem:$0x3FB4] =	sst s10  }
0x38: {  	s10 =	sld [smem:$0x3FB5]  }
0x39: {  	_ = 	snop;
	(pc) =	sbr.ind lr, $3  }
0x3a: {  	_ = 	snop  }
0x3b: {  	_ = 	snop  }
0x3c: {  	p2 =	seq.s32 s10, $0x1;
	s10 =	sld [smem:$0x3FB4]  }
0x3d: {  	_ =	shalt  }
0x3e: {  	_ =	shalt  }
0x3f: {  	_ =	shalt  }
0x40: {  	_ =	shalt  }
0x41: {  	_ =	shalt  }
0x42: {  	_ =	shalt  }
0x43: {  	_ =	shalt  }
0x44: {  	_ =	shalt  }
0x45: {  	_ =	shalt  }
0x46: {  	_ =	shalt  }
0x47: {  	_ =	shalt  }
0x48: {  	_ =	shalt  }
0x49: {  	_ =	shalt  }
0x4a: {  	_ =	shalt  }
0x4b: {  	_ =	shalt  }
0x4c: {  	_ =	shalt  }
0x4d: {  	_ =	shalt  }
0x4e: {  	_ =	shalt  }
0x4f: {  	_ =	shalt  }
0x50: {  	_ =	shalt  }
0x51: {  	_ =	shalt  }
0x52: {  	_ =	shalt  }
0x53: {  	_ =	shalt  }
0x54: {  	_ =	shalt  }
0x55: {  	_ =	shalt  }
0x56: {  	_ =	shalt  }
0x57: {  	_ =	shalt  }
0x58: {  	_ =	shalt  }
0x59: {  	_ =	shalt  }
0x5a: {  	_ =	shalt  }
0x5b: {  	_ =	shalt  }
0x5c: {  	_ =	shalt  }
0x5d: {  	_ =	shalt  }
0x5e: {  	_ =	shalt  }
0x5f: {  	_ =	shalt  }
0x60: {  	_ =	shalt  }
0x61: {  	_ =	shalt  }
0x62: {  	_ =	shalt  }
0x63: {  	_ =	shalt  }
0x64: {  	_ =	shalt  }
0x65: {  	_ =	shalt  }
0x66: {  	_ =	shalt  }
0x67: {  	_ =	shalt  }
0x68: {  	_ =	shalt  }
0x69: {  	_ =	shalt  }
0x6a: {  	_ =	shalt  }
0x6b: {  	_ =	shalt  }
0x6c: {  	_ =	shalt  }
0x6d: {  	_ =	shalt  }
0x6e: {  	_ =	shalt  }
0x6f: {  	_ =	shalt  }
0x70: {  	_ =	shalt  }
0x71: {  	_ =	shalt  }
0x72: {  	_ =	shalt  }
0x73: {  	_ =	shalt  }
0x74: {  	_ =	shalt  }
0x75: {  	_ =	shalt  }
0x76: {  	_ =	shalt  }
0x77: {  	_ =	shalt  }
0x78: {  	_ =	shalt  }
0x79: {  	_ =	shalt  }
0x7a: {  	_ =	shalt  }
0x7b: {  	_ =	shalt  }
0x7c: {  	_ =	shalt  }
0x7d: {  	_ =	shalt  }
0x7e: {  	_ =	shalt  }
0x7f: {  	_ =	shalt  }
0x80: {  	_ =	shalt  }
0x81: {  	_ =	shalt  }
0x82: {  	_ =	shalt  }
0x83: {  	_ =	shalt  }
0x84: {  	_ =	shalt  }
0x85: {  	_ =	shalt  }
0x86: {  	_ =	shalt  }
0x87: {  	_ =	shalt  }
.Lfunc_end0:
.L_simem_size_0:
called_computation.2_lowered:
.L_overlay_start_0:
0x88: {  	s2 =	sld [smem:$0x3FD9]  }
0x89: {  	s3 =	sld [smem:$0x3FFE];
	_ =	sdelay $0x1  }
0x8a: {  	s1 =	srdreg.scid  }
0x8b: {  	s0 =	sand.u32 $0x1, s1  }
0x8c: {  	s17 =	sshll.u32 s0, $0xA;
	s2 =	sadd.s32 s3, s2  }
0x8d: {  	s2 =	sadd.s32 s2, s17  }
0x8e: {  	[smem:$0x3FC0] =	sst s2  }
0x8f: {  	_ = 	snop  }
0x90: {  	s2 =	sld [smem:$0x3FD0];
	(tm) =	ssettm $0x1  }
0x91: {  	s18 =	sld [smem:$0x3FFB];
	_ =	sdelay $0x3  }
0x92: {  	_ =	strace s18  }
0x93: {  	s3 =	sld [smem:$0x3FFC];
	_ =	sdelay $0x3  }
0x94: {  	_ =	strace s3  }
0x95: {  	s3 =	sld [smem:$0x3FFD];
	_ =	sdelay $0x3  }
0x96: {  	_ =	strace s3  }
0x97: {  	_ =	strace $0x8FFFFFFF  }
0x98: {  	s19 =	sld [smem:$0x3FDB];
	_ =	sdelay $0x1  }
0x99: {  	s4 =	simm.s32 $_scs_section_size  }
0x9a: {  	s5 =	simm.s32 $_size__tile_overlayer_lowered;
	s6 =	simm.s32 $_tile_overlayer_lowered  }
0x9b: {  	s22 =	simm.s32 $0x1BFF;
	s21 =	sshll.u32 s6, $0x1;
	s3 =	sadd.s32 s4, s19  }
0x9c: {  	s7 =	simm.s32 $0x0;
	s20 =	sshll.u32 s5, $0x1;
	s5 =	sadd.s32 s21, s3  }
0x9d: {  	[timem:s7], [sflag:s22] =	dma.local [hbm:s5], s20  }
0x9e: {  	_ =	swait.ge [sflag:s22], s20  }
0x9f: {  	s4 =	ssub.s32 $0x0, s20;
	[sflag:s22] =	ssyncset.done $0x0  }
0xa0: {  	[sflag:s22] =	ssyncadd.s32 s4;
	_ =	sdelay $0x1  }
0xa1: {  	s23 =	simm.s32 $0x1B8B  }
0xa2: {  	_ =	swait.ge [sflag:s23], $0x1  }
0xa3: {  	[sflag:s23] =	ssyncset.done $0x0  }
0xa4: {  	s25 =	simm.s32 $0x1B8E;
	s24 =	sld [smem:$0x3FFE];
	[sflag:s23] =	ssyncadd.s32 $0xFFFFFFFF  }
0xa5: {  	s26 =	simm.s32 $execute0_lowered;
	[smem:$0x3FD2] =	sst s25  }
0xa6: {  	s5 =	sshll.u32 s26, $0x1;
	_ =	strace $0x8000004C;
	[dreg:$0x1] =	wrdreg $0xFFFFFFFF  }
0xa7: {  	s28 =	simm.s32 $_size_execute0_lowered;
	s3 =	sadd.s32 s3, s5;
	[dreg:$0x0] =	wrdreg $0x0  }
0xa8: {  	s5 =	sshll.u32 s28, $0x1;
	[dreg:$0x2] =	wrdreg s3  }
0xa9: {  	[dreg:$0x3] =	wrdreg s5  }
0xaa: {  	[dreg:$0x4] =	wrdreg $0xC0  }
0xab: {  	_ =	task [dreg:s7], $0x5FFFF  }
0xac: {  	[dreg:$0x1] =	wrdreg $0xFFFFFFFF  }
0xad: {  	[dreg:$0x0] =	wrdreg $0x60  }
0xae: {  	[dreg:$0x2] =	wrdreg s24  }
0xaf: {  	[dreg:$0x3] =	wrdreg s2  }
0xb0: {  	[dreg:$0x4] =	wrdreg $0x9  }
0xb1: {  	_ =	task.clear_ibuf [dreg:s7], $0x5FFFF;
	_ =	strace $0x9000004C  }
0xb2: {  	s29 =	simm.s32 $0x9;
	_ =	strace $0x8000004E  }
0xb3: {  	_ =	swait.ge [sflag:s29], $0x1  }
0xb4: {  	[sflag:s29] =	ssyncadd.s32 $0xFFFFFFFF  }
0xb5: {  	_ =	strace $0x9000004E  }
0xb6: {  	_ =	sfence  }
0xb7: {  	s30 =	sld [smem:$0x0];
	_ =	sdelay $0x2  }
0xb8: {  	s31 =	sshll.u32 s1, $0xD;
	s1 =	sshrl.u32 s1, $0x2  }
0xb9: {  	s3 =	sand.u32 $0x4000, s31;
	s1 =	sadd.s32 s1, s30  }
0xba: {  	s0 =	sor.u32 s3, s0;
	s1 =	sshll.u32 s1, $0x11  }
0xbb: {  	s0 =	sor.u32 s1, s0  }
0xbc: {  	s0 =	sadd.s32 $0x8F2B, s0  }
0xbd: {  	[sflag:s0] =	ssyncadd.remote.s32 $0x1  }
0xbe: {  	_ =	sfence.sel $0xFFFF  }
0xbf: {  	[dreg:$0x0] =	wrdreg $0xFFFFFFFF;
	(pc) =	sbr.abs _section_cstart, $3  }
0xc0: {  	[dreg:$0x1] =	wrdreg $0xFFFFFFFF  }
0xc1: {  	_ =	task.clear_ibuf [dreg:s7], $0x2FFFF;
	_ =	strace $0x9FFFFFFF  }
0xc2: {  	(tm) =	ssettm $0x7FFFFFFF  }
0xc3: {  	_ =	shalt  }
tec
execute0_lowered:
.L_overlay_start_1:
0x0: {  	(tag) =	ssettag $0x1  }
0x1: {  	s1 =	rddreg [dreg:$0x0];
	s2 =	srdreg.scid  }
0x2: {  	s0 =	stileid.u32;
	s4 =	rddreg [dreg:$0x1];
	s12 =	simm.s32 $0x80  }
0x3: {  	s13 =	simm.s32 $0x6200;
	s14 =	simm.s32 $0xA200;
	s16 =	simm.s32 $0xE200  }
0x4: {  	s17 =	simm.s32 $0x1;
	s18 =	simm.s32 $0x12200;
	s19 =	simm.s32 $0x2  }
0x5: {  	s20 =	simm.s32 $0x4;
	s21 =	simm.s32 $0x5;
	s22 =	simm.s32 $0x6  }
0x6: {  	s23 =	simm.s32 $0x7;
	s24 =	simm.s32 $0x8;
	s5 =	sand.u32 $0x1, s2  }
0x7: {  	s3 =	sshll.u32 s0, $0x1;
	s2 =	simm.s32 $0x0;
	s8 =	smul.u32 $0x620000, s0  }
0x8: {  	s6 =	sor.u32 s5, s3;
	s9 =	ssub.s32 $0x2, s5;
	s5 =	smul.u32 $0x310000, s5  }
0x9: {  	[smem:$0x7FF] =	sst s2;
	s3 =	sadd.s32 $0x6800, s1;
	s7 =	smul.u32 $0x310000, s6  }
0xa: {  	s1 =	sadd.s32 $0x3D6600, s1;
	s10 =	sshrl.u32 s9, $0x1;
	s6 =	smul.u32 $0xC40, s6  }
0xb: {  	_ =	strace $0x8000004D;
	s9 =	ssub.s32 s9, s10;
	s8 =	sadd.s32 s5, s8  }
0xc: {  	s7 =	sshrl.u32 s7, $0x3;
	s25 =	sadd.s32 s4, s6;
	s28 =	sor.u32 $0x8000, s8  }
0xd: {  	s29 =	smax.u32 s9, $0x1;
	s30 =	sor.u32 $0x4000, s8;
	s31 =	sor.u32 $0xC000, s8  }
.Ltmp0:
0xe: {  	s11 =	sshrl.u32 s8, $0x3;
	[dreg:$0x3] =	wrdreg s25;
	(pc) =	sbr.rel .LBB2_1-.Ltmp0, $4  }
0xf: {  	s26 =	sadd.s32 s1, s7;
	[dreg:$0x4] =	wrdreg s29;
	s7 =	sshrl.u32 s28, $0x3  }
0x10: {  	s9 =	sshrl.u32 s30, $0x3;
	s10 =	sshrl.u32 s31, $0x3;
	s25 =	simm.s32 $0x0  }
0x11: {  	s6 =	sadd.s32 $0x61000, s26;
	s7 =	sadd.s32 s7, s1;
	s8 =	sadd.s32 s9, s1  }
0x12: {  	s9 =	sadd.s32 s11, s1;
	s10 =	sadd.s32 s10, s1;
	s11 =	simm.s32 $0x9  }
.LBB2_4:
0x13: {  	_ =	swait.ge [sflag:s21], $0x4000  }
0x14: {  	[sflag:s21] =	ssyncset.done $0x0  }
0x15: {  	[sflag:s21] =	ssyncadd.s32 $0xFFFFC000  }
0x16: {  	_ =	swait.ge [sflag:s22], $0x4000  }
0x17: {  	[sflag:s22] =	ssyncset.done $0x0  }
0x18: {  	[sflag:s22] =	ssyncadd.s32 $0xFFFFC000  }
0x19: {  	_ =	swait.ge [sflag:s23], $0x4000  }
0x1a: {  	[sflag:s23] =	ssyncset.done $0x0  }
0x1b: {  	[sflag:s23] =	ssyncadd.s32 $0xFFFFC000  }
0x1c: {  	_ =	swait.ge [sflag:s24], $0x4000  }
0x1d: {  	s25 =	sadd.s32 $0x1, s25;
	s0 =	rddreg [dreg:$0x4]  }
0x1e: {  	p0 =	sne.s32 s25, s0  }
.Ltmp1:
0x1f: {  	_ = 	snop;
	(pc) =	sbr.rel @!p0 .LBB2_5-.Ltmp1, $3  }
0x20: {  	_ =	sdelay $0x1  }
0x21: {  	[sflag:s24] =	ssyncset.done $0x0  }
0x22: {  	[sflag:s24] =	ssyncadd.s32 $0xFFFFC000  }
.LBB2_1:
0x23: {  	s0 =	rddreg [dreg:$0x3]  }
0x24: {  	[tilespmem:s2], [sflag:$0x9] =	stream.linear.gather [hbm4b:s0+s2], $0x6200, $0x38;
	[tilespmem:$0x16200] =	vst v63  }
0x25: {  	_ =	swait.ge [sflag:s11], $0x6200  }
0x26: {  	[sflag:s11] =	ssyncset.done $0x0  }
0x27: {  	[sflag:s11] =	ssyncadd.s32 $0xFFFF9E00  }
0x28: {  	[tilespmem:s13], [sflag:$0x1] =	stream.indirect.gather [hbm4b:s3+s12], $0x80, s2, s12, $0xb8;
	[tilespmem:$0x16200] =	vst v63  }
0x29: {  	_ = 	snop  }
0x2a: {  	[tilespmem:s14], [sflag:$0x2] =	stream.indirect.gather [hbm4b:s3+s12], $0x80, s12, s12, $0xb8;
	[tilespmem:$0x16200] =	vst v63  }
0x2b: {  	s26 =	simm.s32 $0x100;
	s28 =	smov.u32 s9;
	s29 =	smov.u32 s8  }
0x2c: {  	[tilespmem:s16], [sflag:$0x3] =	stream.indirect.gather [hbm4b:s3+s12], $0x80, s26, s12, $0xb8;
	[tilespmem:$0x16200] =	vst v63  }
0x2d: {  	s30 =	smov.u32 s7;
	s31 =	simm.s32 $0x0;
	s26 =	smov.u32 s10  }
.LBB2_2:
0x2e: {  	_ =	swait.ge [sflag:s17], $0x4000  }
0x2f: {  	p0 =	seq.s32 s31, $0x0;
	[sflag:s17] =	ssyncset.done $0x0  }
0x30: {  	s0 =	simm.s32 @!p0 $0x8;
	[sflag:s17] =	ssyncadd.s32 $0xFFFFC000  }
0x31: {  	[hbm4b:s28+s2] =	stream.linear.scatter [tilespmem:s13], [sflag:$0x5], $0x4000, $0x38;
	[tilespmem:$0x16200] =	vst v63  }
0x32: {  	_ =	swait.ge @!p0 [sflag:s0], $0x4000  }
0x33: {  	s1 =	sshra.s32 s31, $0x2;
	[sflag:s0] =	ssyncset.done @!p0 $0x0  }
0x34: {  	s15 =	sadd.s32 $0x180, s1;
	[sflag:s0] =	ssyncadd.s32 @!p0 $0xFFFFC000  }
0x35: {  	[tilespmem:s18], [sflag:$0x4] =	stream.indirect.gather [hbm4b:s3+s12], $0x80, s15, s12, $0xb8;
	[tilespmem:$0x16200] =	vst v63  }
0x36: {  	_ =	swait.ge [sflag:s19], $0x4000  }
0x37: {  	p0 =	seq.s32 s31, $0x18000;
	[sflag:s19] =	ssyncset.done $0x0  }
0x38: {  	s0 =	simm.s32 @p0 $0x3;
	[sflag:s19] =	ssyncadd.s32 $0xFFFFC000  }
0x39: {  	[hbm4b:s29+s2] =	stream.linear.scatter [tilespmem:s14], [sflag:$0x6], $0x4000, $0x38;
	[tilespmem:$0x16200] =	vst v63  }
0x3a: {  	_ =	swait.ge @p0 [sflag:s0], $0x4000  }
0x3b: {  	[sflag:s0] =	ssyncset.done @p0 $0x0  }
0x3c: {  	s15 =	simm.s32 @p0 $0xE200;
	[sflag:s0] =	ssyncadd.s32 @p0 $0xFFFFC000;
	s0 =	simm.s32 @p0 $0x0  }
0x3d: {  	[hbm4b:s6+s0] =	stream.linear.scatter @p0 [tilespmem:s15], [sflag:$0x7], $0x4000, $0x38;
	[tilespmem:$0x16200] =	vst v63  }
0x3e: {  	s0 =	simm.s32 @!p0 $0x5  }
0x3f: {  	_ =	swait.ge @!p0 [sflag:s0], $0x4000  }
0x40: {  	[sflag:s0] =	ssyncset.done @!p0 $0x0  }
0x41: {  	[sflag:s0] =	ssyncadd.s32 @!p0 $0xFFFFC000;
	s0 =	sshra.s32 @!p0 s31, $0x2  }
0x42: {  	s4 =	simm.s32 @!p0 $0x80;
	s5 =	simm.s32 @!p0 $0x6200;
	s15 =	sadd.s32 @!p0 $0x200, s0  }
0x43: {  	[tilespmem:s5], [sflag:$0x1] =	stream.indirect.gather @!p0 [hbm4b:s3+s4], $0x80, s15, s4, $0xb8;
	[tilespmem:$0x16200] =	vst v63  }
0x44: {  	s5 =	simm.s32 @!p0 $0x3  }
0x45: {  	_ =	swait.ge @!p0 [sflag:s5], $0x4000  }
0x46: {  	[sflag:s5] =	ssyncset.done @!p0 $0x0  }
0x47: {  	s15 =	simm.s32 @!p0 $0xE200;
	[sflag:s5] =	ssyncadd.s32 @!p0 $0xFFFFC000;
	s5 =	simm.s32 @!p0 $0x0  }
0x48: {  	[hbm4b:s30+s5] =	stream.linear.scatter @!p0 [tilespmem:s15], [sflag:$0x7], $0x4000, $0x38;
	[tilespmem:$0x16200] =	vst v63  }
0x49: {  	s5 =	simm.s32 @!p0 $0x6  }
0x4a: {  	_ =	swait.ge @!p0 [sflag:s5], $0x4000  }
0x4b: {  	[sflag:s5] =	ssyncset.done @!p0 $0x0  }
0x4c: {  	s0 =	sadd.s32 @!p0 $0x280, s0;
	[sflag:s5] =	ssyncadd.s32 @!p0 $0xFFFFC000;
	s5 =	simm.s32 @!p0 $0xA200  }
0x4d: {  	[tilespmem:s5], [sflag:$0x2] =	stream.indirect.gather @!p0 [hbm4b:s3+s4], $0x80, s0, s4, $0xb8;
	[tilespmem:$0x16200] =	vst v63  }
.Ltmp2:
0x4e: {  	_ = 	snop;
	(pc) =	sbr.rel @p0 .LBB2_4-.Ltmp2, $4  }
0x4f: {  	_ =	swait.ge [sflag:s20], $0x4000  }
0x50: {  	[sflag:s20] =	ssyncset.done $0x0  }
0x51: {  	[sflag:s20] =	ssyncadd.s32 $0xFFFFC000  }
0x52: {  	[hbm4b:s26+s2] =	stream.linear.scatter [tilespmem:s18], [sflag:$0x8], $0x4000, $0x38;
	[tilespmem:$0x16200] =	vst v63  }
.Ltmp3:
0x53: {  	(pc) =	sbr.rel .LBB2_2-.Ltmp3, $4  }
0x54: {  	_ =	swait.ge [sflag:s23], $0x4000;
	s0 =	sadd.s32 $0x300, s1;
	s31 =	sadd.s32 $0x800, s31  }
0x55: {  	s30 =	sadd.s32 $0x2000, s30;
	s29 =	sadd.s32 $0x2000, s29;
	[sflag:s23] =	ssyncset.done $0x0  }
0x56: {  	s28 =	sadd.s32 $0x2000, s28;
	s26 =	sadd.s32 $0x2000, s26;
	[sflag:s23] =	ssyncadd.s32 $0xFFFFC000  }
0x57: {  	[tilespmem:s16], [sflag:$0x3] =	stream.indirect.gather [hbm4b:s3+s12], $0x80, s0, s12, $0xb8;
	[tilespmem:$0x16200] =	vst v63  }
.LBB2_5:
0x58: {  	_ =	sfence.sel $0x180000  }
0x59: {  	[bflag:$0x0] =	sbarrier.arrive $0xFFFF  }
0x5a: {  	_ =	strace $0x9000004D  }
0x5b: {  	s0 =	stileid.u32;
	[bflag:$0x2] =	sbarrier.arrive $0xFFFF  }
0x5c: {  	p0 =	sne.s32 s0, $0x0;
	s0 =	rddreg [dreg:$0x2]  }
0x5d: {  	s0 =	sadd.s32 @!p0 $0x100000, s0  }
0x5e: {  	[sflag:s0] =	ssyncadd.tile.s32 @!p0 $0x1;
	_ =	shalt  }
.Lfunc_end2:
_tile_overlayer_lowered:
.L_overlay_start_2:
0x5f: {  	(tag) =	ssettag $0x2  }
0x60: {  	s0 =	rddreg [dreg:$0x0];
	s2 =	stileid.u32  }
0x61: {  	s1 =	rddreg [dreg:$0x1];
	p0 =	sne.s32 s2, $0x0  }
0x62: {  	s3 =	rddreg [dreg:$0x2];
	[bflag:$0x3] =	sbarrier.arrive $0xFFFF;
	s2 =	simm.s32 @!p0 $0x1C09  }
0x63: {  	[timem:s3], [sflag:s2] =	dma.local @!p0 [hbm:s0], s1  }
0x64: {  	s0 =	simm.s32 @!p0 $0x9  }
0x65: {  	_ =	swait.ge @!p0 [sflag:s0], s1  }
0x66: {  	s1 =	ssub.s32 @!p0 $0x0, s1;
	[sflag:s0] =	ssyncset.done @!p0 $0x0  }
0x67: {  	[sflag:s0] =	ssyncadd.s32 @!p0 s1  }
0x68: {  	[bflag:$0x3] =	sbarrier.arrive $0xFFFF  }
0x69: {  	_ =	shalt  }

// kernel: kernel.9.cloned.1.call-start
scs
__scs_entry_jumppad:
0x0: {  	(pc) =	sbr.rel $0x88, $3  }
0x1: {  	(tag) =	ssettag $0x0;
	lr =	simm.s32 $0x1  }
0x2: {  	[smem:$0x3F99] =	sst lr;
	_ =	strace $0xD0000000  }
0x3: {  	_ = 	snop  }
0x4: {  	_ = 	snop  }
0x5: {  	_ = 	snop  }
0x6: {  	_ = 	snop  }
0x7: {  	_ = 	snop  }
__scs_overlays_trampoline_lowered:
0x8: {  	[smem:$0x3FA8] =	sst s0  }
0x9: {  	[smem:$0x3FA9] =	sst s1  }
0xa: {  	[smem:$0x3FAA] =	sst s2  }
0xb: {  	[smem:$0x3FAB] =	sst s3  }
0xc: {  	[smem:$0x3FAC] =	sst s4  }
0xd: {  	[smem:$0x3FAD] =	sst s5  }
0xe: {  	[smem:$0x3FAE] =	sst s6  }
0xf: {  	[smem:$0x3FAF] =	sst s7  }
0x10: {  	[smem:$0x3FB0] =	sst s8  }
0x11: {  	[smem:$0x3FB1] =	sst s9;
	s0 =	simm.s32 @!p0 $0x0  }
0x12: {  	s1 =	sld [smem:$0x3F97];
	s0 =	simm.s32 @p0 $0x1  }
0x13: {  	[smem:$0x3FB2] =	sst s0;
	s0 =	simm.s32 @!p1 $0x0  }
0x14: {  	s2 =	sld [smem:$0x3F96];
	s0 =	simm.s32 @p1 $0x1  }
0x15: {  	[smem:$0x3FB3] =	sst s0;
	s0 =	simm.s32 @!p2 $0x0  }
0x16: {  	s3 =	sld [smem:$0x3FDB];
	s0 =	simm.s32 @p2 $0x1  }
0x17: {  	s4 =	simm.s32 $0x1BF5;
	[smem:$0x3FB5] =	sst s0  }
0x18: {  	s0 =	sld [smem:$0x3F98];
	_ =	swait.ge [sflag:s4], $0x0  }
0x19: {  	s7 =	sld [smem:$0x3F99]  }
0x1a: {  	s8 =	sadd.s32 $0xFFFFE003, lr  }
0x1b: {  	s9 =	sadd.s32 $0xFFFFFEF7, lr;
	s5 =	simm.s32 $0xFFFFFFFF;
	p2 =	slt.u32 s8, $0xFFFFF086  }
0x1c: {  	p1 =	slt.u32 s9, $0xF7A;
	s5 =	simm.s32 @!p2 $0x0  }
0x1d: {  	s5 =	simm.s32 @p1 $0x1;
	p0 =	seq.s32 s7, s2  }
0x1e: {  	s7 =	smul.u32 @!p0 $0xF7A, s2;
	p2 =	seq.s32 @!p0 s5, $0x0  }
0x1f: {  	s9 =	smul.u32 $0xF7A, s1;
	s8 =	simm.s32 @!p0 $0x1BF5;
	p2 =	por !p2, p0  }
0x20: {  	[sflag:s8] =	ssyncset.s32 @!p0 $0xFFFFF086;
	s6 =	sadd.s32 @!p0 s3, s7;
	s7 =	simm.s32 @!p0 $0x108  }
0x21: {  	s3 =	sadd.s32 s3, s9;
	s6 =	sadd.s32 @!p0 $0x88, s6;
	s7 =	simm.s32 @p2 $0x1082  }
0x22: {  	[simem:s7], [sflag:s8] =	dma.local @!p0 [hbm:s6], $0xF7A  }
0x23: {  	s9 =	sor.u32 $0xD0000000, s2;
	s6 =	simm.s32 $0x108;
	_ =	swait.ge @!p0 [sflag:s8], $0x0  }
0x24: {  	s3 =	sadd.s32 $0x88, s3;
	s6 =	simm.s32 @!p1 $0x1082;
	[sflag:s4] =	ssyncset.s32 $0xFFFFF086  }
0x25: {  	[simem:s6], [sflag:s4] =	dma.local [hbm:s3], $0xF7A  }
0x26: {  	[smem:$0x3F99] =	sst s1;
	(tag) =	ssettag s2;
	_ =	strace s9  }
0x27: {  	s1 =	sld [smem:$0x3FA9]  }
0x28: {  	s2 =	sld [smem:$0x3FAA]  }
0x29: {  	s4 =	sld [smem:$0x3FAC]  }
0x2a: {  	p0 =	seq.s32 s5, $0x0;
	s5 =	sld [smem:$0x3FAD]  }
0x2b: {  	s6 =	sld [smem:$0x3FAE]  }
0x2c: {  	s7 =	sld [smem:$0x3FAF]  }
0x2d: {  	s3 =	simm.s32 $0x108;
	s8 =	sld [smem:$0x3FB0]  }
0x2e: {  	s3 =	simm.s32 @!p0 $0x1082;
	s9 =	sld [smem:$0x3FB1]  }
0x2f: {  	lr =	sadd.s32 s0, s3;
	s0 =	sld [smem:$0x3FA8]  }
0x30: {  	s3 =	sld [smem:$0x3FAB]  }
0x31: {  	[smem:$0x3FB4] =	sst s10  }
0x32: {  	s10 =	sld [smem:$0x3FB2];
	_ =	sdelay $0x3  }
0x33: {  	p0 =	seq.s32 s10, $0x1;
	s10 =	sld [smem:$0x3FB4];
	_ =	sdelay $0x3  }
0x34: {  	[smem:$0x3FB4] =	sst s10  }
0x35: {  	s10 =	sld [smem:$0x3FB3];
	_ =	sdelay $0x3  }
0x36: {  	p1 =	seq.s32 s10, $0x1;
	s10 =	sld [smem:$0x3FB4];
	_ =	sdelay $0x3  }
0x37: {  	[smem:$0x3FB4] =	sst s10  }
0x38: {  	s10 =	sld [smem:$0x3FB5]  }
0x39: {  	_ = 	snop;
	(pc) =	sbr.ind lr, $3  }
0x3a: {  	_ = 	snop  }
0x3b: {  	_ = 	snop  }
0x3c: {  	p2 =	seq.s32 s10, $0x1;
	s10 =	sld [smem:$0x3FB4]  }
0x3d: {  	_ =	shalt  }
0x3e: {  	_ =	shalt  }
0x3f: {  	_ =	shalt  }
0x40: {  	_ =	shalt  }
0x41: {  	_ =	shalt  }
0x42: {  	_ =	shalt  }
0x43: {  	_ =	shalt  }
0x44: {  	_ =	shalt  }
0x45: {  	_ =	shalt  }
0x46: {  	_ =	shalt  }
0x47: {  	_ =	shalt  }
0x48: {  	_ =	shalt  }
0x49: {  	_ =	shalt  }
0x4a: {  	_ =	shalt  }
0x4b: {  	_ =	shalt  }
0x4c: {  	_ =	shalt  }
0x4d: {  	_ =	shalt  }
0x4e: {  	_ =	shalt  }
0x4f: {  	_ =	shalt  }
0x50: {  	_ =	shalt  }
0x51: {  	_ =	shalt  }
0x52: {  	_ =	shalt  }
0x53: {  	_ =	shalt  }
0x54: {  	_ =	shalt  }
0x55: {  	_ =	shalt  }
0x56: {  	_ =	shalt  }
0x57: {  	_ =	shalt  }
0x58: {  	_ =	shalt  }
0x59: {  	_ =	shalt  }
0x5a: {  	_ =	shalt  }
0x5b: {  	_ =	shalt  }
0x5c: {  	_ =	shalt  }
0x5d: {  	_ =	shalt  }
0x5e: {  	_ =	shalt  }
0x5f: {  	_ =	shalt  }
0x60: {  	_ =	shalt  }
0x61: {  	_ =	shalt  }
0x62: {  	_ =	shalt  }
0x63: {  	_ =	shalt  }
0x64: {  	_ =	shalt  }
0x65: {  	_ =	shalt  }
0x66: {  	_ =	shalt  }
0x67: {  	_ =	shalt  }
0x68: {  	_ =	shalt  }
0x69: {  	_ =	shalt  }
0x6a: {  	_ =	shalt  }
0x6b: {  	_ =	shalt  }
0x6c: {  	_ =	shalt  }
0x6d: {  	_ =	shalt  }
0x6e: {  	_ =	shalt  }
0x6f: {  	_ =	shalt  }
0x70: {  	_ =	shalt  }
0x71: {  	_ =	shalt  }
0x72: {  	_ =	shalt  }
0x73: {  	_ =	shalt  }
0x74: {  	_ =	shalt  }
0x75: {  	_ =	shalt  }
0x76: {  	_ =	shalt  }
0x77: {  	_ =	shalt  }
0x78: {  	_ =	shalt  }
0x79: {  	_ =	shalt  }
0x7a: {  	_ =	shalt  }
0x7b: {  	_ =	shalt  }
0x7c: {  	_ =	shalt  }
0x7d: {  	_ =	shalt  }
0x7e: {  	_ =	shalt  }
0x7f: {  	_ =	shalt  }
0x80: {  	_ =	shalt  }
0x81: {  	_ =	shalt  }
0x82: {  	_ =	shalt  }
0x83: {  	_ =	shalt  }
0x84: {  	_ =	shalt  }
0x85: {  	_ =	shalt  }
0x86: {  	_ =	shalt  }
0x87: {  	_ =	shalt  }
.Lfunc_end0:
.L_simem_size_0:
called_computation_lowered:
.L_overlay_start_0:
0x88: {  	s2 =	sld [smem:$0x3FD9]  }
0x89: {  	s3 =	sld [smem:$0x3FFE];
	_ =	sdelay $0x1  }
0x8a: {  	s1 =	srdreg.scid  }
0x8b: {  	s0 =	sand.u32 $0x1, s1  }
0x8c: {  	s17 =	sshll.u32 s0, $0xA;
	s2 =	sadd.s32 s3, s2  }
0x8d: {  	s2 =	sadd.s32 s2, s17  }
0x8e: {  	[smem:$0x3FC0] =	sst s2  }
0x8f: {  	_ = 	snop  }
0x90: {  	s2 =	sld [smem:$0x3FD0];
	(tm) =	ssettm $0x1  }
0x91: {  	s18 =	sld [smem:$0x3FFB];
	_ =	sdelay $0x3  }
0x92: {  	_ =	strace s18  }
0x93: {  	s3 =	sld [smem:$0x3FFC];
	_ =	sdelay $0x3  }
0x94: {  	_ =	strace s3  }
0x95: {  	s3 =	sld [smem:$0x3FFD];
	_ =	sdelay $0x3  }
0x96: {  	_ =	strace s3  }
0x97: {  	_ =	strace $0x8FFFFFFF  }
0x98: {  	s19 =	sld [smem:$0x3FDB];
	_ =	sdelay $0x1  }
0x99: {  	s4 =	simm.s32 $_scs_section_size  }
0x9a: {  	s5 =	simm.s32 $_size__tile_overlayer_lowered;
	s6 =	simm.s32 $_tile_overlayer_lowered  }
0x9b: {  	s22 =	simm.s32 $0x1BFF;
	s21 =	sshll.u32 s6, $0x1;
	s3 =	sadd.s32 s4, s19  }
0x9c: {  	s7 =	simm.s32 $0x0;
	s20 =	sshll.u32 s5, $0x1;
	s5 =	sadd.s32 s21, s3  }
0x9d: {  	[timem:s7], [sflag:s22] =	dma.local [hbm:s5], s20  }
0x9e: {  	_ =	swait.ge [sflag:s22], s20  }
0x9f: {  	s4 =	ssub.s32 $0x0, s20;
	[sflag:s22] =	ssyncset.done $0x0  }
0xa0: {  	[sflag:s22] =	ssyncadd.s32 s4;
	_ =	sdelay $0x1  }
0xa1: {  	s23 =	simm.s32 $0x1B8B  }
0xa2: {  	_ =	swait.ge [sflag:s23], $0x1  }
0xa3: {  	[sflag:s23] =	ssyncset.done $0x0  }
0xa4: {  	s25 =	simm.s32 $0x1B8E;
	s24 =	sld [smem:$0x3FFE];
	[sflag:s23] =	ssyncadd.s32 $0xFFFFFFFF  }
0xa5: {  	s26 =	simm.s32 $execute0_lowered;
	[smem:$0x3FD2] =	sst s25  }
0xa6: {  	s5 =	sshll.u32 s26, $0x1;
	_ =	strace $0x80000046;
	[dreg:$0x1] =	wrdreg $0xFFFFFFFF  }
0xa7: {  	s28 =	simm.s32 $_size_execute0_lowered;
	s3 =	sadd.s32 s3, s5;
	[dreg:$0x0] =	wrdreg $0x0  }
0xa8: {  	s5 =	sshll.u32 s28, $0x1;
	[dreg:$0x2] =	wrdreg s3  }
0xa9: {  	[dreg:$0x3] =	wrdreg s5  }
0xaa: {  	[dreg:$0x4] =	wrdreg $0xC0  }
0xab: {  	_ =	task [dreg:s7], $0x5FFFF  }
0xac: {  	[dreg:$0x1] =	wrdreg $0xFFFFFFFF  }
0xad: {  	[dreg:$0x0] =	wrdreg $0x60  }
0xae: {  	[dreg:$0x2] =	wrdreg s24  }
0xaf: {  	[dreg:$0x3] =	wrdreg s2  }
0xb0: {  	[dreg:$0x4] =	wrdreg $0x9  }
0xb1: {  	_ =	task.clear_ibuf [dreg:s7], $0x5FFFF;
	_ =	strace $0x90000046  }
0xb2: {  	s29 =	simm.s32 $0x9;
	_ =	strace $0x80000048  }
0xb3: {  	_ =	swait.ge [sflag:s29], $0x1  }
0xb4: {  	[sflag:s29] =	ssyncadd.s32 $0xFFFFFFFF  }
0xb5: {  	_ =	strace $0x90000048  }
0xb6: {  	_ =	sfence  }
0xb7: {  	s30 =	sld [smem:$0x0];
	_ =	sdelay $0x2  }
0xb8: {  	s31 =	sshll.u32 s1, $0xD;
	s1 =	sshrl.u32 s1, $0x2  }
0xb9: {  	s3 =	sand.u32 $0x4000, s31;
	s1 =	sadd.s32 s1, s30  }
0xba: {  	s0 =	sor.u32 s3, s0;
	s1 =	sshll.u32 s1, $0x11  }
0xbb: {  	s0 =	sor.u32 s1, s0  }
0xbc: {  	s0 =	sadd.s32 $0x8F2B, s0  }
0xbd: {  	[sflag:s0] =	ssyncadd.remote.s32 $0x1  }
0xbe: {  	_ =	sfence.sel $0xFFFF  }
0xbf: {  	[dreg:$0x0] =	wrdreg $0xFFFFFFFF;
	(pc) =	sbr.abs _section_cstart, $3  }
0xc0: {  	[dreg:$0x1] =	wrdreg $0xFFFFFFFF  }
0xc1: {  	_ =	task.clear_ibuf [dreg:s7], $0x2FFFF;
	_ =	strace $0x9FFFFFFF  }
0xc2: {  	(tm) =	ssettm $0x7FFFFFFF  }
0xc3: {  	_ =	shalt  }
tec
execute0_lowered:
.L_overlay_start_1:
0x0: {  	(tag) =	ssettag $0x1  }
0x1: {  	s1 =	rddreg [dreg:$0x0];
	s2 =	srdreg.scid  }
0x2: {  	s0 =	stileid.u32;
	s4 =	rddreg [dreg:$0x1];
	s12 =	simm.s32 $0x80  }
0x3: {  	s13 =	simm.s32 $0x6200;
	s14 =	simm.s32 $0xA200;
	s16 =	simm.s32 $0xE200  }
0x4: {  	s17 =	simm.s32 $0x1;
	s18 =	simm.s32 $0x12200;
	s19 =	simm.s32 $0x2  }
0x5: {  	s20 =	simm.s32 $0x4;
	s21 =	simm.s32 $0x5;
	s22 =	simm.s32 $0x6  }
0x6: {  	s23 =	simm.s32 $0x7;
	s24 =	simm.s32 $0x8;
	s5 =	sand.u32 $0x1, s2  }
0x7: {  	s3 =	sshll.u32 s0, $0x1;
	s2 =	simm.s32 $0x0;
	s8 =	smul.u32 $0x620000, s0  }
0x8: {  	s6 =	sor.u32 s5, s3;
	s9 =	ssub.s32 $0x2, s5;
	s5 =	smul.u32 $0x310000, s5  }
0x9: {  	[smem:$0x7FF] =	sst s2;
	s3 =	sadd.s32 $0x18A600, s1;
	s7 =	smul.u32 $0x310000, s6  }
0xa: {  	s1 =	sadd.s32 $0x3D6600, s1;
	s10 =	sshrl.u32 s9, $0x1;
	s6 =	smul.u32 $0xC40, s6  }
0xb: {  	_ =	strace $0x80000047;
	s9 =	ssub.s32 s9, s10;
	s8 =	sadd.s32 s5, s8  }
0xc: {  	s7 =	sshrl.u32 s7, $0x3;
	s25 =	sadd.s32 s4, s6;
	s28 =	sor.u32 $0x8000, s8  }
0xd: {  	s29 =	smax.u32 s9, $0x1;
	s30 =	sor.u32 $0x4000, s8;
	s31 =	sor.u32 $0xC000, s8  }
.Ltmp0:
0xe: {  	s11 =	sshrl.u32 s8, $0x3;
	[dreg:$0x3] =	wrdreg s25;
	(pc) =	sbr.rel .LBB2_1-.Ltmp0, $4  }
0xf: {  	s26 =	sadd.s32 s1, s7;
	[dreg:$0x4] =	wrdreg s29;
	s7 =	sshrl.u32 s28, $0x3  }
0x10: {  	s9 =	sshrl.u32 s30, $0x3;
	s10 =	sshrl.u32 s31, $0x3;
	s25 =	simm.s32 $0x0  }
0x11: {  	s6 =	sadd.s32 $0x61000, s26;
	s7 =	sadd.s32 s7, s1;
	s8 =	sadd.s32 s9, s1  }
0x12: {  	s9 =	sadd.s32 s11, s1;
	s10 =	sadd.s32 s10, s1;
	s11 =	simm.s32 $0x9  }
.LBB2_4:
0x13: {  	_ =	swait.ge [sflag:s21], $0x4000  }
0x14: {  	[sflag:s21] =	ssyncset.done $0x0  }
0x15: {  	[sflag:s21] =	ssyncadd.s32 $0xFFFFC000  }
0x16: {  	_ =	swait.ge [sflag:s22], $0x4000  }
0x17: {  	[sflag:s22] =	ssyncset.done $0x0  }
0x18: {  	[sflag:s22] =	ssyncadd.s32 $0xFFFFC000  }
0x19: {  	_ =	swait.ge [sflag:s23], $0x4000  }
0x1a: {  	[sflag:s23] =	ssyncset.done $0x0  }
0x1b: {  	[sflag:s23] =	ssyncadd.s32 $0xFFFFC000  }
0x1c: {  	_ =	swait.ge [sflag:s24], $0x4000  }
0x1d: {  	s25 =	sadd.s32 $0x1, s25;
	s0 =	rddreg [dreg:$0x4]  }
0x1e: {  	p0 =	sne.s32 s25, s0  }
.Ltmp1:
0x1f: {  	_ = 	snop;
	(pc) =	sbr.rel @!p0 .LBB2_5-.Ltmp1, $3  }
0x20: {  	_ =	sdelay $0x1  }
0x21: {  	[sflag:s24] =	ssyncset.done $0x0  }
0x22: {  	[sflag:s24] =	ssyncadd.s32 $0xFFFFC000  }
.LBB2_1:
0x23: {  	s0 =	rddreg [dreg:$0x3]  }
0x24: {  	[tilespmem:s2], [sflag:$0x9] =	stream.linear.gather [hbm4b:s0+s2], $0x6200, $0x38;
	[tilespmem:$0x16200] =	vst v63  }
0x25: {  	_ =	swait.ge [sflag:s11], $0x6200  }
0x26: {  	[sflag:s11] =	ssyncset.done $0x0  }
0x27: {  	[sflag:s11] =	ssyncadd.s32 $0xFFFF9E00  }
0x28: {  	[tilespmem:s13], [sflag:$0x1] =	stream.indirect.gather [hbm4b:s3+s12], $0x80, s2, s12, $0xb8;
	[tilespmem:$0x16200] =	vst v63  }
0x29: {  	_ = 	snop  }
0x2a: {  	[tilespmem:s14], [sflag:$0x2] =	stream.indirect.gather [hbm4b:s3+s12], $0x80, s12, s12, $0xb8;
	[tilespmem:$0x16200] =	vst v63  }
0x2b: {  	s26 =	simm.s32 $0x100;
	s28 =	smov.u32 s9;
	s29 =	smov.u32 s8  }
0x2c: {  	[tilespmem:s16], [sflag:$0x3] =	stream.indirect.gather [hbm4b:s3+s12], $0x80, s26, s12, $0xb8;
	[tilespmem:$0x16200] =	vst v63  }
0x2d: {  	s30 =	smov.u32 s7;
	s31 =	simm.s32 $0x0;
	s26 =	smov.u32 s10  }
.LBB2_2:
0x2e: {  	_ =	swait.ge [sflag:s17], $0x4000  }
0x2f: {  	p0 =	seq.s32 s31, $0x0;
	[sflag:s17] =	ssyncset.done $0x0  }
0x30: {  	s0 =	simm.s32 @!p0 $0x8;
	[sflag:s17] =	ssyncadd.s32 $0xFFFFC000  }
0x31: {  	[hbm4b:s28+s2] =	stream.linear.scatter [tilespmem:s13], [sflag:$0x5], $0x4000, $0x38;
	[tilespmem:$0x16200] =	vst v63  }
0x32: {  	_ =	swait.ge @!p0 [sflag:s0], $0x4000  }
0x33: {  	s1 =	sshra.s32 s31, $0x2;
	[sflag:s0] =	ssyncset.done @!p0 $0x0  }
0x34: {  	s15 =	sadd.s32 $0x180, s1;
	[sflag:s0] =	ssyncadd.s32 @!p0 $0xFFFFC000  }
0x35: {  	[tilespmem:s18], [sflag:$0x4] =	stream.indirect.gather [hbm4b:s3+s12], $0x80, s15, s12, $0xb8;
	[tilespmem:$0x16200] =	vst v63  }
0x36: {  	_ =	swait.ge [sflag:s19], $0x4000  }
0x37: {  	p0 =	seq.s32 s31, $0x18000;
	[sflag:s19] =	ssyncset.done $0x0  }
0x38: {  	s0 =	simm.s32 @p0 $0x3;
	[sflag:s19] =	ssyncadd.s32 $0xFFFFC000  }
0x39: {  	[hbm4b:s29+s2] =	stream.linear.scatter [tilespmem:s14], [sflag:$0x6], $0x4000, $0x38;
	[tilespmem:$0x16200] =	vst v63  }
0x3a: {  	_ =	swait.ge @p0 [sflag:s0], $0x4000  }
0x3b: {  	[sflag:s0] =	ssyncset.done @p0 $0x0  }
0x3c: {  	s15 =	simm.s32 @p0 $0xE200;
	[sflag:s0] =	ssyncadd.s32 @p0 $0xFFFFC000;
	s0 =	simm.s32 @p0 $0x0  }
0x3d: {  	[hbm4b:s6+s0] =	stream.linear.scatter @p0 [tilespmem:s15], [sflag:$0x7], $0x4000, $0x38;
	[tilespmem:$0x16200] =	vst v63  }
0x3e: {  	s0 =	simm.s32 @!p0 $0x5  }
0x3f: {  	_ =	swait.ge @!p0 [sflag:s0], $0x4000  }
0x40: {  	[sflag:s0] =	ssyncset.done @!p0 $0x0  }
0x41: {  	[sflag:s0] =	ssyncadd.s32 @!p0 $0xFFFFC000;
	s0 =	sshra.s32 @!p0 s31, $0x2  }
0x42: {  	s4 =	simm.s32 @!p0 $0x80;
	s5 =	simm.s32 @!p0 $0x6200;
	s15 =	sadd.s32 @!p0 $0x200, s0  }
0x43: {  	[tilespmem:s5], [sflag:$0x1] =	stream.indirect.gather @!p0 [hbm4b:s3+s4], $0x80, s15, s4, $0xb8;
	[tilespmem:$0x16200] =	vst v63  }
0x44: {  	s5 =	simm.s32 @!p0 $0x3  }
0x45: {  	_ =	swait.ge @!p0 [sflag:s5], $0x4000  }
0x46: {  	[sflag:s5] =	ssyncset.done @!p0 $0x0  }
0x47: {  	s15 =	simm.s32 @!p0 $0xE200;
	[sflag:s5] =	ssyncadd.s32 @!p0 $0xFFFFC000;
	s5 =	simm.s32 @!p0 $0x0  }
0x48: {  	[hbm4b:s30+s5] =	stream.linear.scatter @!p0 [tilespmem:s15], [sflag:$0x7], $0x4000, $0x38;
	[tilespmem:$0x16200] =	vst v63  }
0x49: {  	s5 =	simm.s32 @!p0 $0x6  }
0x4a: {  	_ =	swait.ge @!p0 [sflag:s5], $0x4000  }
0x4b: {  	[sflag:s5] =	ssyncset.done @!p0 $0x0  }
0x4c: {  	s0 =	sadd.s32 @!p0 $0x280, s0;
	[sflag:s5] =	ssyncadd.s32 @!p0 $0xFFFFC000;
	s5 =	simm.s32 @!p0 $0xA200  }
0x4d: {  	[tilespmem:s5], [sflag:$0x2] =	stream.indirect.gather @!p0 [hbm4b:s3+s4], $0x80, s0, s4, $0xb8;
	[tilespmem:$0x16200] =	vst v63  }
.Ltmp2:
0x4e: {  	_ = 	snop;
	(pc) =	sbr.rel @p0 .LBB2_4-.Ltmp2, $4  }
0x4f: {  	_ =	swait.ge [sflag:s20], $0x4000  }
0x50: {  	[sflag:s20] =	ssyncset.done $0x0  }
0x51: {  	[sflag:s20] =	ssyncadd.s32 $0xFFFFC000  }
0x52: {  	[hbm4b:s26+s2] =	stream.linear.scatter [tilespmem:s18], [sflag:$0x8], $0x4000, $0x38;
	[tilespmem:$0x16200] =	vst v63  }
.Ltmp3:
0x53: {  	(pc) =	sbr.rel .LBB2_2-.Ltmp3, $4  }
0x54: {  	_ =	swait.ge [sflag:s23], $0x4000;
	s0 =	sadd.s32 $0x300, s1;
	s31 =	sadd.s32 $0x800, s31  }
0x55: {  	s30 =	sadd.s32 $0x2000, s30;
	s29 =	sadd.s32 $0x2000, s29;
	[sflag:s23] =	ssyncset.done $0x0  }
0x56: {  	s28 =	sadd.s32 $0x2000, s28;
	s26 =	sadd.s32 $0x2000, s26;
	[sflag:s23] =	ssyncadd.s32 $0xFFFFC000  }
0x57: {  	[tilespmem:s16], [sflag:$0x3] =	stream.indirect.gather [hbm4b:s3+s12], $0x80, s0, s12, $0xb8;
	[tilespmem:$0x16200] =	vst v63  }
.LBB2_5:
0x58: {  	_ =	sfence.sel $0x180000  }
0x59: {  	[bflag:$0x0] =	sbarrier.arrive $0xFFFF  }
0x5a: {  	_ =	strace $0x90000047  }
0x5b: {  	s0 =	stileid.u32;
	[bflag:$0x2] =	sbarrier.arrive $0xFFFF  }
0x5c: {  	p0 =	sne.s32 s0, $0x0;
	s0 =	rddreg [dreg:$0x2]  }
0x5d: {  	s0 =	sadd.s32 @!p0 $0x100000, s0  }
0x5e: {  	[sflag:s0] =	ssyncadd.tile.s32 @!p0 $0x1;
	_ =	shalt  }
.Lfunc_end2:
_tile_overlayer_lowered:
.L_overlay_start_2:
0x5f: {  	(tag) =	ssettag $0x2  }
0x60: {  	s0 =	rddreg [dreg:$0x0];
	s2 =	stileid.u32  }
0x61: {  	s1 =	rddreg [dreg:$0x1];
	p0 =	sne.s32 s2, $0x0  }
0x62: {  	s3 =	rddreg [dreg:$0x2];
	[bflag:$0x3] =	sbarrier.arrive $0xFFFF;
	s2 =	simm.s32 @!p0 $0x1C09  }
0x63: {  	[timem:s3], [sflag:s2] =	dma.local @!p0 [hbm:s0], s1  }
0x64: {  	s0 =	simm.s32 @!p0 $0x9  }
0x65: {  	_ =	swait.ge @!p0 [sflag:s0], s1  }
0x66: {  	s1 =	ssub.s32 @!p0 $0x0, s1;
	[sflag:s0] =	ssyncset.done @!p0 $0x0  }
0x67: {  	[sflag:s0] =	ssyncadd.s32 @!p0 s1  }
0x68: {  	[bflag:$0x3] =	sbarrier.arrive $0xFFFF  }
0x69: {  	_ =	shalt  }

</sc_bundles>
